<compile_context>
chip_gen: v7x
topology: tpu7x:2x2x1
jax: 0.10.2.dev20260603
libtpu: 0.0.44.dev20260713+nightly
codegen_flags: <defaults>
</compile_context>

<pallas_src>
import functools

import jax
import jax.numpy as jnp
from jax import lax
from jax.experimental import pallas as pl
from jax.experimental.pallas import tpu as pltpu
from jax.experimental.pallas import tpu_sc as plsc

EPS = 1e-5

NC = 2
NS = 16

CB = 80
CSTG = 2000
ZROWS = 632


def _ln_body(x_ref, g_ref, b_ref, o_ref):
    x = x_ref[...]
    mu = jnp.mean(x, axis=-1, keepdims=True)
    xc = x - mu
    var = jnp.mean(xc * xc, axis=-1, keepdims=True)
    o_ref[...] = xc * lax.rsqrt(var + EPS) * g_ref[...] + b_ref[...]


def _layer_norm_tc(x, gamma, beta):
    n, d = x.shape
    blk = 1000
    return pl.pallas_call(
        _ln_body,
        grid=(n // blk,),
        in_specs=[
            pl.BlockSpec((blk, d), lambda i: (i, 0)),
            pl.BlockSpec((1, d), lambda i: (0, 0)),
            pl.BlockSpec((1, d), lambda i: (0, 0)),
        ],
        out_specs=pl.BlockSpec((blk, d), lambda i: (i, 0)),
        out_shape=jax.ShapeDtypeStruct((n, d), x.dtype),
    )(x, gamma.reshape(1, d), beta.reshape(1, d))


def _combine_body(acc_ref, cnt_ref, rel_ref, wc_ref, x0_ref, o_ref):
    cnt = cnt_ref[...]
    deg = jnp.sum(cnt, axis=1, keepdims=True)
    acc = acc_ref[0] + acc_ref[1]
    agg = acc + jnp.dot(cnt, rel_ref[...], preferred_element_type=jnp.float32)
    agg = agg / jnp.maximum(deg, 1.0)
    o_ref[...] = (
        jnp.dot(agg, wc_ref[...], preferred_element_type=jnp.float32)
        + x0_ref[...]
    )


def _combine_tc(acc2, cnt, rel, wc, x0):
    n, d = x0.shape
    r = rel.shape[0]
    blk = 1000
    return pl.pallas_call(
        _combine_body,
        grid=(n // blk,),
        in_specs=[
            pl.BlockSpec((NC, blk, d), lambda i: (0, i, 0)),
            pl.BlockSpec((blk, r), lambda i: (i, 0)),
            pl.BlockSpec((r, d), lambda i: (0, 0)),
            pl.BlockSpec((d, d), lambda i: (0, 0)),
            pl.BlockSpec((blk, d), lambda i: (i, 0)),
        ],
        out_specs=pl.BlockSpec((blk, d), lambda i: (i, 0)),
        out_shape=jax.ShapeDtypeStruct((n, d), jnp.float32),
    )(acc2, cnt, rel, wc, x0)


def _make_edge_sc(n, d, e, r):
    nh = n // NC
    ch = nh * r
    cnt_zpt = (ch + NS + NS * 8 - 1) // (NS * 8) * 8
    cnt_words = NS * cnt_zpt
    cnt_opt = ch // NS
    acc_a = (n // NS) // 8 * 8
    acc_last = n - acc_a * (NS - 1)
    ept = e // (NC * NS)
    nch = ept // CB
    npair = nch // 2

    mesh = plsc.VectorSubcoreMesh(core_axis_name="c", subcore_axis_name="s",
                                  num_cores=NC)

    @functools.partial(
        pl.kernel,
        out_type=(
            jax.ShapeDtypeStruct((NC, n, d), jnp.float32),
            jax.ShapeDtypeStruct((NC * ch,), jnp.float32),
        ),
        mesh=mesh,
        scratch_types=[
            pltpu.VMEM((CB,), jnp.int32),
            pltpu.VMEM((CB,), jnp.int32),
            pltpu.VMEM((CB,), jnp.int32),
            pltpu.VMEM((CB,), jnp.int32),
            pltpu.VMEM((CB,), jnp.int32),
            pltpu.VMEM((CB,), jnp.int32),
            pltpu.VMEM((CB,), jnp.int32),
            pltpu.VMEM((CB,), jnp.int32),
            pltpu.VMEM((CB,), jnp.int32),
            pltpu.VMEM((CB,), jnp.int32),
            pltpu.VMEM((CB,), jnp.int32),
            pltpu.VMEM((CB,), jnp.int32),
            pltpu.VMEM((CB,), jnp.int32),
            pltpu.VMEM((CB,), jnp.int32),
            pltpu.VMEM((CB, d), jnp.float32),
            pltpu.VMEM((CB, d), jnp.float32),
            pltpu.VMEM((CSTG,), jnp.float32),
            pltpu.VMEM((CSTG,), jnp.float32),
            pltpu.VMEM((CB,), jnp.float32),
            pltpu.VMEM_SHARED((n, d), jnp.float32),
            pltpu.VMEM_SHARED((cnt_words,), jnp.float32),
            pltpu.SemaphoreType.DMA,
            pltpu.SemaphoreType.DMA,
            pltpu.SemaphoreType.DMA,
            pltpu.SemaphoreType.DMA,
            pltpu.SemaphoreType.DMA,
        ],
    )
    def edge_kernel(h_hbm, ei_hbm, et_hbm, zacc_hbm, zcnt_hbm,
                    ones_hbm, oacc_hbm, ocnt_hbm,
                    sidxA, sidxB, didxA, didxB, eidxA, eidxB,
                    f2A, f2B, dmA, dmB, emA, emB, fmA, fmB,
                    rowsA, rowsB, cbuf, cbuf2, ones_v,
                    acc_sh, cnt_sh, semi, semgA, semgB, semsA, semsB):
        c = lax.axis_index("c")
        s = lax.axis_index("s")
        dump_cnt = ch + s
        lo = c * nh
        tbase = (c * NS + s) * ept
        mbase = ((1 - c) * NS + s) * ept

        def stage(ch_i, si, di, ei, dm, em):
            eb = tbase + ch_i * CB
            mb = mbase + ch_i * CB
            return [
                pltpu.async_copy(ei_hbm.at[pl.ds(eb, CB)], si, semi),
                pltpu.async_copy(ei_hbm.at[pl.ds(e + eb, CB)], di, semi),
                pltpu.async_copy(et_hbm.at[pl.ds(eb, CB)], ei, semi),
                pltpu.async_copy(ei_hbm.at[pl.ds(e + mb, CB)], dm, semi),
                pltpu.async_copy(et_hbm.at[pl.ds(mb, CB)], em, semi),
            ]

        def build(di, ei, f2):
            for k in range(CB // 16):
                sl = pl.ds(k * 16, 16)
                t = di[sl] - lo
                inb = (t >= 0) & (t < nh)
                f2[sl] = jnp.where(inb, t * r + ei[sl], dump_cnt)

        def fire_gather(si, rows, semg):
            return pltpu.async_copy(h_hbm.at[si], rows, semg)

        def fire_scatter(rows, di, f2, fm, sems):
            return [
                pltpu.async_copy(rows, acc_sh.at[di], sems, add=True),
                pltpu.async_copy(ones_v, cnt_sh.at[f2], sems, add=True),
                pltpu.async_copy(ones_v, cnt_sh.at[fm], sems, add=True),
            ]

        stg0 = stage(0, sidxA, didxA, eidxA, dmA, emA)

        @pl.when(s < NS - 1)
        def _():
            pltpu.async_copy(zacc_hbm, acc_sh.at[pl.ds(s * acc_a, ZROWS)],
                             semsA)

        @pl.when(s == NS - 1)
        def _():
            pltpu.async_copy(zacc_hbm, acc_sh.at[pl.ds((NS - 1) * acc_a,
                                                       ZROWS)], semsA)
            pltpu.async_copy(zacc_hbm.at[pl.ds(0, acc_last - ZROWS + 8)],
                             acc_sh.at[pl.ds((NS - 1) * acc_a + ZROWS - 8,
                                             acc_last - ZROWS + 8)], semsA)

        pltpu.sync_copy(zcnt_hbm, cbuf)
        nzc = cnt_zpt // CSTG
        zrem = cnt_zpt - nzc * CSTG
        zdesc = [
            pltpu.async_copy(
                cbuf, cnt_sh.at[pl.ds(s * cnt_zpt + p * CSTG, CSTG)], semsB)
            for p in range(nzc)
        ]
        if zrem:
            zdesc.append(pltpu.async_copy(
                cbuf.at[pl.ds(0, zrem)],
                cnt_sh.at[pl.ds(s * cnt_zpt + nzc * CSTG, zrem)], semsB))
        pltpu.sync_copy(ones_hbm, ones_v)
        for dsc in stg0:
            dsc.wait()
        fire_gather(sidxA, rowsA, semgA)
        pltpu.make_async_copy(zacc_hbm, acc_sh.at[pl.ds(s * acc_a, ZROWS)],
                              semsA).wait()

        @pl.when(s == NS - 1)
        def _():
            pltpu.make_async_copy(
                zacc_hbm.at[pl.ds(0, acc_last - ZROWS + 8)],
                acc_sh.at[pl.ds((NS - 1) * acc_a + ZROWS - 8,
                                acc_last - ZROWS + 8)], semsA).wait()

        for dsc in zdesc:
            dsc.wait()
        plsc.subcore_barrier()

        def body(i, _):
            even = 2 * i
            stg_o = stage(even + 1, sidxB, didxB, eidxB, dmB, emB)
            build(didxA, eidxA, f2A)
            build(dmA, emA, fmA)
            pltpu.make_async_copy(h_hbm.at[sidxA], rowsA, semgA).wait()
            sc_e = fire_scatter(rowsA, didxA, f2A, fmA, semsA)
            for dsc in stg_o:
                dsc.wait()
            build(didxB, eidxB, f2B)
            build(dmB, emB, fmB)
            fire_gather(sidxB, rowsB, semgB)
            for dsc in sc_e:
                dsc.wait()

            @pl.when(i < npair - 1)
            def _():
                for dsc in stage(even + 2, sidxA, didxA, eidxA, dmA, emA):
                    dsc.wait()

            pltpu.make_async_copy(h_hbm.at[sidxB], rowsB, semgB).wait()
            sc_o = fire_scatter(rowsB, didxB, f2B, fmB, semsB)

            @pl.when(i < npair - 1)
            def _():
                fire_gather(sidxA, rowsA, semgA)

            for dsc in sc_o:
                dsc.wait()
            return 0

        lax.fori_loop(0, npair, body, 0)

        if nch % 2:
            for dsc in stage(nch - 1, sidxA, didxA, eidxA, dmA, emA):
                dsc.wait()
            build(didxA, eidxA, f2A)
            build(dmA, emA, fmA)
            fire_gather(sidxA, rowsA, semgA).wait()
            for dsc in fire_scatter(rowsA, didxA, f2A, fmA, semsA):
                dsc.wait()

        plsc.subcore_barrier()

        @pl.when(s < NS - 1)
        def _():
            pltpu.async_copy(acc_sh.at[pl.ds(s * acc_a, acc_a)],
                             oacc_hbm.at[c, pl.ds(s * acc_a, acc_a)], semgA)

        @pl.when(s == NS - 1)
        def _():
            pltpu.async_copy(acc_sh.at[pl.ds((NS - 1) * acc_a, acc_last)],
                             oacc_hbm.at[c, pl.ds((NS - 1) * acc_a,
                                                  acc_last)], semgA)

        npc = cnt_opt // CSTG
        wdesc = [None, None]
        for p in range(npc):
            buf = cbuf if p % 2 == 0 else cbuf2
            if wdesc[p % 2] is not None:
                wdesc[p % 2].wait()
            pltpu.sync_copy(
                cnt_sh.at[pl.ds(s * cnt_opt + p * CSTG, CSTG)], buf)
            wdesc[p % 2] = pltpu.async_copy(
                buf,
                ocnt_hbm.at[pl.ds(c * ch + s * cnt_opt + p * CSTG, CSTG)],
                semgB)
        for dsc in wdesc:
            if dsc is not None:
                dsc.wait()

        @pl.when(s < NS - 1)
        def _():
            pltpu.make_async_copy(
                acc_sh.at[pl.ds(s * acc_a, acc_a)],
                oacc_hbm.at[c, pl.ds(s * acc_a, acc_a)], semgA).wait()

        @pl.when(s == NS - 1)
        def _():
            pltpu.make_async_copy(
                acc_sh.at[pl.ds((NS - 1) * acc_a, acc_last)],
                oacc_hbm.at[c, pl.ds((NS - 1) * acc_a, acc_last)],
                semgA).wait()

    return edge_kernel


def kernel(entity_embed, relation_embed, edge_index, edge_type, gamma, beta,
           Wc, W1, b1, W2, b2):
    n, d = entity_embed.shape
    r = relation_embed.shape[0]
    e = edge_index.shape[1]

    h = _layer_norm_tc(entity_embed, gamma, beta)

    ei = edge_index.astype(jnp.int32).reshape(2 * e)
    et = edge_type.astype(jnp.int32)

    zacc = jnp.zeros((ZROWS, d), jnp.float32)
    zcnt = jnp.zeros((CSTG,), jnp.float32)
    ones = jnp.ones((CB,), jnp.float32)

    edge_kernel = _make_edge_sc(n, d, e, r)
    acc2, cnt_flat = edge_kernel(h, ei, et, zacc, zcnt, ones)

    cnt = cnt_flat.reshape(n, r)
    return _combine_tc(acc2, cnt, relation_embed, Wc, entity_embed)

# --- scband reference (transcript-rebuilt; emitter-appended) ---
"""Pipeline reference for scband-dagnlayer-26697516712279 (READ-ONLY COPY).

The authoritative reference and input builder live on the scoring server;
editing this copy changes nothing except your own understanding.
"""

import jax, jax.numpy as jnp
import numpy as np

EPS = 1e-5

def layer_norm(x, gamma, beta):
    mu = jnp.mean(x, axis=-1, keepdims=True)
    var = jnp.var(x, axis=-1, keepdims=True)
    return (x - mu) / jnp.sqrt(var + EPS) * gamma + beta


def setup_inputs(seed: int = 0) -> dict:
    key = jax.random.key(seed)
    ks = jax.random.split(key, 8)
    N, E, D, R, H = 10000, 320000, 128, 64, 256
    entity_embed = jax.random.normal(ks[0], (N, D), dtype=jnp.float32)
    relation_embed = jax.random.normal(ks[1], (R, D), dtype=jnp.float32)
    edge_index = jax.random.randint(ks[2], (2, E), 0, N)
    edge_type = jax.random.randint(ks[3], (E,), 0, R)
    gamma = jnp.ones((D,), dtype=jnp.float32)
    beta = jnp.zeros((D,), dtype=jnp.float32)
    Wc = jax.random.normal(ks[4], (D, D), dtype=jnp.float32) * (1.0 / np.sqrt(D))
    W1 = jax.random.normal(ks[5], (D, H), dtype=jnp.float32) * (1.0 / np.sqrt(D))
    b1 = jnp.zeros((H,), dtype=jnp.float32)
    W2 = jax.random.normal(ks[6], (H, D), dtype=jnp.float32) * (1.0 / np.sqrt(H))
    b2 = jnp.zeros((D,), dtype=jnp.float32)
    return {"entity_embed": entity_embed, "relation_embed": relation_embed,
            "edge_index": edge_index, "edge_type": edge_type,
            "gamma": gamma, "beta": beta, "Wc": Wc,
            "W1": W1, "b1": b1, "W2": W2, "b2": b2}


def reference(entity_embed, relation_embed, edge_index, edge_type, gamma, beta, Wc, W1, b1, W2, b2):
    N = entity_embed.shape[0]
    x0 = entity_embed
    # self.norm (LayerNorm); dropout p=0.0 is a no-op
    h = layer_norm(x0, gamma, beta)
    # relational conv: compose node features with relation embeddings, mean-aggregate at dst, then linear
    src = edge_index[0]
    dst = edge_index[1]
    msg = h[src] + relation_embed[edge_type]
    agg = jax.ops.segment_sum(msg, dst, num_segments=N)
    deg = jax.ops.segment_sum(jnp.ones_like(dst, dtype=h.dtype), dst, num_segments=N)
    agg = agg / jnp.maximum(deg, 1.0)[:, None]
    h = agg @ Wc
    # residual
    entity_embed_out = h + x0
    x = entity_embed_out
    # NOTE: original torch code assigns the mlp result to a typo'd variable
    # (entitiy_embed) and returns the pre-mlp tensor; we faithfully compute
    # the mlp branch but return the pre-mlp residual output.
    m = jax.nn.relu(entity_embed_out @ W1 + b1) @ W2 + b2
    m = m + x  # dead value, matching the torch module's bug
    return entity_embed_out

if __name__ == "__main__":
    import jax
    _d = setup_inputs()
    print(jax.jit(kernel)(*tuple(_d.values())))

</pallas_src>

<mosaic_0001>
#map = affine_map<(d0, d1) -> (0, 0)>
#map1 = affine_map<(d0, d1) -> (0)>
#map2 = affine_map<(d0, d1) -> (0, 0, 0)>
module attributes {stable_mosaic.version = 14 : i64} {
  func.func @edge_kernel(%arg0: i32, %arg1: i32, %arg2: memref<10000x128xf32, #tpu.memory_space<hbm>>, %arg3: memref<640000xi32, #tpu.memory_space<hbm>>, %arg4: memref<320000xi32, #tpu.memory_space<hbm>>, %arg5: memref<632x128xf32, #tpu.memory_space<hbm>>, %arg6: memref<2000xf32, #tpu.memory_space<hbm>>, %arg7: memref<80xf32, #tpu.memory_space<hbm>>, %arg8: memref<2x10000x128xf32, #tpu.memory_space<hbm>>, %arg9: memref<640000xf32, #tpu.memory_space<hbm>>, %arg10: memref<80xi32, #tpu.memory_space<vmem>>, %arg11: memref<80xi32, #tpu.memory_space<vmem>>, %arg12: memref<80xi32, #tpu.memory_space<vmem>>, %arg13: memref<80xi32, #tpu.memory_space<vmem>>, %arg14: memref<80xi32, #tpu.memory_space<vmem>>, %arg15: memref<80xi32, #tpu.memory_space<vmem>>, %arg16: memref<80xi32, #tpu.memory_space<vmem>>, %arg17: memref<80xi32, #tpu.memory_space<vmem>>, %arg18: memref<80xi32, #tpu.memory_space<vmem>>, %arg19: memref<80xi32, #tpu.memory_space<vmem>>, %arg20: memref<80xi32, #tpu.memory_space<vmem>>, %arg21: memref<80xi32, #tpu.memory_space<vmem>>, %arg22: memref<80xi32, #tpu.memory_space<vmem>>, %arg23: memref<80xi32, #tpu.memory_space<vmem>>, %arg24: memref<80x128xf32, #tpu.memory_space<vmem>>, %arg25: memref<80x128xf32, #tpu.memory_space<vmem>>, %arg26: memref<2000xf32, #tpu.memory_space<vmem>>, %arg27: memref<2000xf32, #tpu.memory_space<vmem>>, %arg28: memref<80xf32, #tpu.memory_space<vmem>>, %arg29: memref<10000x128xf32, #tpu.memory_space<vmem_shared>>, %arg30: memref<320128xf32, #tpu.memory_space<vmem_shared>>, %arg31: memref<!tpu.dma_semaphore, #tpu.memory_space<semaphore_mem>>, %arg32: memref<!tpu.dma_semaphore, #tpu.memory_space<semaphore_mem>>, %arg33: memref<!tpu.dma_semaphore, #tpu.memory_space<semaphore_mem>>, %arg34: memref<!tpu.dma_semaphore, #tpu.memory_space<semaphore_mem>>, %arg35: memref<!tpu.dma_semaphore, #tpu.memory_space<semaphore_mem>>) attributes {dimension_semantics = [#tpu.dimension_semantics<core_parallel>, #tpu.dimension_semantics<subcore_parallel>], iteration_bounds = array<i64: 2, 16>, scalar_prefetch = 0 : i64, scratch_operands = 26 : i64, tpu.core_type = #tpu.core_type<sc_vector_subcore>, window_params = [{transform_indices = #map}, {transform_indices = #map1}, {transform_indices = #map1}, {transform_indices = #map}, {transform_indices = #map1}, {transform_indices = #map1}, {transform_indices = #map2}, {transform_indices = #map1}]} {
    %add3A = arith.constant 320000 : i32
    %add3A_0 = arith.addi %add3A, %arg1 : i32
    %mul3A = arith.constant 5000 : i32
    %mul3A_1 = arith.muli %arg0, %mul3A : i32
    %mul3A_2 = arith.constant 16 : i32
    %mul3A_3 = arith.muli %arg0, %mul3A_2 : i32
    %add3A_4 = arith.addi %mul3A_3, %arg1 : i32
    %mul3A_5 = arith.constant 10000 : i32
    %mul3A_6 = arith.muli %add3A_4, %mul3A_5 : i32
    %sub3A = arith.constant 1 : i32
    %sub3A_7 = arith.subi %sub3A, %arg0 : i32
    %mul3A_8 = arith.constant 16 : i32
    %mul3A_9 = arith.muli %sub3A_7, %mul3A_8 : i32
    %add3A_10 = arith.addi %mul3A_9, %arg1 : i32
    %mul3A_11 = arith.constant 10000 : i32
    %mul3A_12 = arith.muli %add3A_10, %mul3A_11 : i32
    %add3A_13 = arith.constant 0 : i32
    %add3A_14 = arith.addi %mul3A_6, %add3A_13 : i32
    %add3A_15 = arith.constant 0 : i32
    %add3A_16 = arith.addi %mul3A_12, %add3A_15 : i32
    %dma_start3A = tpu.memref_slice %arg3[%add3A_14] : memref<640000xi32, #tpu.memory_space<hbm>> -> memref<80xi32, #tpu.memory_space<hbm>>
    %dma_start3A_17 = tpu.memref_slice %arg3[%add3A_14] : memref<640000xi32, #tpu.memory_space<hbm>> -> memref<80xi32, #tpu.memory_space<hbm>>
    tpu.enqueue_dma source(%dma_start3A_17 : memref<80xi32, #tpu.memory_space<hbm>>) target(%arg10 : memref<80xi32, #tpu.memory_space<vmem>>) target_semaphore(%arg31 : memref<!tpu.dma_semaphore, #tpu.memory_space<semaphore_mem>>)
    %add3A_18 = arith.constant 320000 : i32
    %add3A_19 = arith.addi %add3A_18, %add3A_14 : i32
    %dma_start3A_20 = tpu.memref_slice %arg3[%add3A_19] : memref<640000xi32, #tpu.memory_space<hbm>> -> memref<80xi32, #tpu.memory_space<hbm>>
    %dma_start3A_21 = tpu.memref_slice %arg3[%add3A_19] : memref<640000xi32, #tpu.memory_space<hbm>> -> memref<80xi32, #tpu.memory_space<hbm>>
    tpu.enqueue_dma source(%dma_start3A_21 : memref<80xi32, #tpu.memory_space<hbm>>) target(%arg12 : memref<80xi32, #tpu.memory_space<vmem>>) target_semaphore(%arg31 : memref<!tpu.dma_semaphore, #tpu.memory_space<semaphore_mem>>)
    %dma_start3A_22 = tpu.memref_slice %arg4[%add3A_14] : memref<320000xi32, #tpu.memory_space<hbm>> -> memref<80xi32, #tpu.memory_space<hbm>>
    %dma_start3A_23 = tpu.memref_slice %arg4[%add3A_14] : memref<320000xi32, #tpu.memory_space<hbm>> -> memref<80xi32, #tpu.memory_space<hbm>>
    tpu.enqueue_dma source(%dma_start3A_23 : memref<80xi32, #tpu.memory_space<hbm>>) target(%arg14 : memref<80xi32, #tpu.memory_space<vmem>>) target_semaphore(%arg31 : memref<!tpu.dma_semaphore, #tpu.memory_space<semaphore_mem>>)
    %add3A_24 = arith.constant 320000 : i32
    %add3A_25 = arith.addi %add3A_24, %add3A_16 : i32
    %dma_start3A_26 = tpu.memref_slice %arg3[%add3A_25] : memref<640000xi32, #tpu.memory_space<hbm>> -> memref<80xi32, #tpu.memory_space<hbm>>
    %dma_start3A_27 = tpu.memref_slice %arg3[%add3A_25] : memref<640000xi32, #tpu.memory_space<hbm>> -> memref<80xi32, #tpu.memory_space<hbm>>
    tpu.enqueue_dma source(%dma_start3A_27 : memref<80xi32, #tpu.memory_space<hbm>>) target(%arg18 : memref<80xi32, #tpu.memory_space<vmem>>) target_semaphore(%arg31 : memref<!tpu.dma_semaphore, #tpu.memory_space<semaphore_mem>>)
    %dma_start3A_28 = tpu.memref_slice %arg4[%add3A_16] : memref<320000xi32, #tpu.memory_space<hbm>> -> memref<80xi32, #tpu.memory_space<hbm>>
    %dma_start3A_29 = tpu.memref_slice %arg4[%add3A_16] : memref<320000xi32, #tpu.memory_space<hbm>> -> memref<80xi32, #tpu.memory_space<hbm>>
    tpu.enqueue_dma source(%dma_start3A_29 : memref<80xi32, #tpu.memory_space<hbm>>) target(%arg20 : memref<80xi32, #tpu.memory_space<vmem>>) target_semaphore(%arg31 : memref<!tpu.dma_semaphore, #tpu.memory_space<semaphore_mem>>)
    %lt3A = arith.constant 15 : i32
    %lt3A_30 = arith.cmpi slt, %arg1, %lt3A : i32
    %convert_element_type3A = arith.extui %lt3A_30 : i1 to i32
    %cond3A = arith.constant 0 : i32
    %cond3A_31 = arith.cmpi ne, %convert_element_type3A, %cond3A : i32
    scf.if %cond3A_31 {
      %mul3A_622 = arith.constant 624 : i32
      %mul3A_623 = arith.muli %arg1, %mul3A_622 : i32
      %dma_start3A_624 = arith.constant 0 : i32
      %dma_start3A_625 = tpu.memref_slice %arg29[%mul3A_623, %dma_start3A_624] : memref<10000x128xf32, #tpu.memory_space<vmem_shared>> -> memref<632x128xf32, #tpu.memory_space<vmem_shared>>
      tpu.enqueue_dma source(%arg5 : memref<632x128xf32, #tpu.memory_space<hbm>>) target(%dma_start3A_625 : memref<632x128xf32, #tpu.memory_space<vmem_shared>>) target_semaphore(%arg34 : memref<!tpu.dma_semaphore, #tpu.memory_space<semaphore_mem>>)
    } else {
    }
    %eq3A = arith.constant 15 : i32
    %eq3A_32 = arith.cmpi eq, %arg1, %eq3A : i32
    %convert_element_type3A_33 = arith.extui %eq3A_32 : i1 to i32
    %cond3A_34 = arith.constant 0 : i32
    %cond3A_35 = arith.cmpi ne, %convert_element_type3A_33, %cond3A_34 : i32
    scf.if %cond3A_35 {
      %dma_start3A_622 = arith.constant 9360 : i32
      %dma_start3A_623 = arith.constant 0 : i32
      %dma_start3A_624 = tpu.memref_slice %arg29[%dma_start3A_622, %dma_start3A_623] : memref<10000x128xf32, #tpu.memory_space<vmem_shared>> -> memref<632x128xf32, #tpu.memory_space<vmem_shared>>
      tpu.enqueue_dma source(%arg5 : memref<632x128xf32, #tpu.memory_space<hbm>>) target(%dma_start3A_624 : memref<632x128xf32, #tpu.memory_space<vmem_shared>>) target_semaphore(%arg34 : memref<!tpu.dma_semaphore, #tpu.memory_space<semaphore_mem>>)
      %dma_start3A_625 = arith.constant 9984 : i32
      %dma_start3A_626 = arith.constant 0 : i32
      %dma_start3A_627 = tpu.memref_slice %arg29[%dma_start3A_625, %dma_start3A_626] : memref<10000x128xf32, #tpu.memory_space<vmem_shared>> -> memref<16x128xf32, #tpu.memory_space<vmem_shared>>
      %dma_start3A_628 = arith.constant 0 : i32
      %dma_start3A_629 = arith.constant 0 : i32
      %dma_start3A_630 = tpu.memref_slice %arg5[%dma_start3A_628, %dma_start3A_629] : memref<632x128xf32, #tpu.memory_space<hbm>> -> memref<16x128xf32, #tpu.memory_space<hbm>>
      tpu.enqueue_dma source(%dma_start3A_630 : memref<16x128xf32, #tpu.memory_space<hbm>>) target(%dma_start3A_627 : memref<16x128xf32, #tpu.memory_space<vmem_shared>>) target_semaphore(%arg34 : memref<!tpu.dma_semaphore, #tpu.memory_space<semaphore_mem>>)
    } else {
    }
    "tpu.region"() ({
      %run_scoped3A = tpu.sem_alloc : memref<!tpu.dma_semaphore, #tpu.memory_space<semaphore_mem>>
      tpu.enqueue_dma source(%arg6 : memref<2000xf32, #tpu.memory_space<hbm>>) target(%arg26 : memref<2000xf32, #tpu.memory_space<vmem>>) target_semaphore(%run_scoped3A : memref<!tpu.dma_semaphore, #tpu.memory_space<semaphore_mem>>)
      tpu.wait_dma2 semaphore(%run_scoped3A : memref<!tpu.dma_semaphore, #tpu.memory_space<semaphore_mem>>) src(%arg6 : memref<2000xf32, #tpu.memory_space<hbm>>) dst(%arg26 : memref<2000xf32, #tpu.memory_space<vmem>>)
      tpu.yield
    }) : () -> ()
    %mul3A_36 = arith.constant 20008 : i32
    %mul3A_37 = arith.muli %arg1, %mul3A_36 : i32
    %add3A_38 = arith.constant 0 : i32
    %add3A_39 = arith.addi %mul3A_37, %add3A_38 : i32
    %dma_start3A_40 = tpu.memref_slice %arg30[%add3A_39] : memref<320128xf32, #tpu.memory_space<vmem_shared>> -> memref<2000xf32, #tpu.memory_space<vmem_shared>>
    %dma_start3A_41 = tpu.memref_slice %arg30[%add3A_39] : memref<320128xf32, #tpu.memory_space<vmem_shared>> -> memref<2000xf32, #tpu.memory_space<vmem_shared>>
    tpu.enqueue_dma source(%arg26 : memref<2000xf32, #tpu.memory_space<vmem>>) target(%dma_start3A_41 : memref<2000xf32, #tpu.memory_space<vmem_shared>>) target_semaphore(%arg35 : memref<!tpu.dma_semaphore, #tpu.memory_space<semaphore_mem>>)
    %mul3A_42 = arith.constant 20008 : i32
    %mul3A_43 = arith.muli %arg1, %mul3A_42 : i32
    %add3A_44 = arith.constant 2000 : i32
    %add3A_45 = arith.addi %mul3A_43, %add3A_44 : i32
    %dma_start3A_46 = tpu.memref_slice %arg30[%add3A_45] : memref<320128xf32, #tpu.memory_space<vmem_shared>> -> memref<2000xf32, #tpu.memory_space<vmem_shared>>
    %dma_start3A_47 = tpu.memref_slice %arg30[%add3A_45] : memref<320128xf32, #tpu.memory_space<vmem_shared>> -> memref<2000xf32, #tpu.memory_space<vmem_shared>>
    tpu.enqueue_dma source(%arg26 : memref<2000xf32, #tpu.memory_space<vmem>>) target(%dma_start3A_47 : memref<2000xf32, #tpu.memory_space<vmem_shared>>) target_semaphore(%arg35 : memref<!tpu.dma_semaphore, #tpu.memory_space<semaphore_mem>>)
    %mul3A_48 = arith.constant 20008 : i32
    %mul3A_49 = arith.muli %arg1, %mul3A_48 : i32
    %add3A_50 = arith.constant 4000 : i32
    %add3A_51 = arith.addi %mul3A_49, %add3A_50 : i32
    %dma_start3A_52 = tpu.memref_slice %arg30[%add3A_51] : memref<320128xf32, #tpu.memory_space<vmem_shared>> -> memref<2000xf32, #tpu.memory_space<vmem_shared>>
    %dma_start3A_53 = tpu.memref_slice %arg30[%add3A_51] : memref<320128xf32, #tpu.memory_space<vmem_shared>> -> memref<2000xf32, #tpu.memory_space<vmem_shared>>
    tpu.enqueue_dma source(%arg26 : memref<2000xf32, #tpu.memory_space<vmem>>) target(%dma_start3A_53 : memref<2000xf32, #tpu.memory_space<vmem_shared>>) target_semaphore(%arg35 : memref<!tpu.dma_semaphore, #tpu.memory_space<semaphore_mem>>)
    %mul3A_54 = arith.constant 20008 : i32
    %mul3A_55 = arith.muli %arg1, %mul3A_54 : i32
    %add3A_56 = arith.constant 6000 : i32
    %add3A_57 = arith.addi %mul3A_55, %add3A_56 : i32
    %dma_start3A_58 = tpu.memref_slice %arg30[%add3A_57] : memref<320128xf32, #tpu.memory_space<vmem_shared>> -> memref<2000xf32, #tpu.memory_space<vmem_shared>>
    %dma_start3A_59 = tpu.memref_slice %arg30[%add3A_57] : memref<320128xf32, #tpu.memory_space<vmem_shared>> -> memref<2000xf32, #tpu.memory_space<vmem_shared>>
    tpu.enqueue_dma source(%arg26 : memref<2000xf32, #tpu.memory_space<vmem>>) target(%dma_start3A_59 : memref<2000xf32, #tpu.memory_space<vmem_shared>>) target_semaphore(%arg35 : memref<!tpu.dma_semaphore, #tpu.memory_space<semaphore_mem>>)
    %mul3A_60 = arith.constant 20008 : i32
    %mul3A_61 = arith.muli %arg1, %mul3A_60 : i32
    %add3A_62 = arith.constant 8000 : i32
    %add3A_63 = arith.addi %mul3A_61, %add3A_62 : i32
    %dma_start3A_64 = tpu.memref_slice %arg30[%add3A_63] : memref<320128xf32, #tpu.memory_space<vmem_shared>> -> memref<2000xf32, #tpu.memory_space<vmem_shared>>
    %dma_start3A_65 = tpu.memref_slice %arg30[%add3A_63] : memref<320128xf32, #tpu.memory_space<vmem_shared>> -> memref<2000xf32, #tpu.memory_space<vmem_shared>>
    tpu.enqueue_dma source(%arg26 : memref<2000xf32, #tpu.memory_space<vmem>>) target(%dma_start3A_65 : memref<2000xf32, #tpu.memory_space<vmem_shared>>) target_semaphore(%arg35 : memref<!tpu.dma_semaphore, #tpu.memory_space<semaphore_mem>>)
    %mul3A_66 = arith.constant 20008 : i32
    %mul3A_67 = arith.muli %arg1, %mul3A_66 : i32
    %add3A_68 = arith.constant 10000 : i32
    %add3A_69 = arith.addi %mul3A_67, %add3A_68 : i32
    %dma_start3A_70 = tpu.memref_slice %arg30[%add3A_69] : memref<320128xf32, #tpu.memory_space<vmem_shared>> -> memref<2000xf32, #tpu.memory_space<vmem_shared>>
    %dma_start3A_71 = tpu.memref_slice %arg30[%add3A_69] : memref<320128xf32, #tpu.memory_space<vmem_shared>> -> memref<2000xf32, #tpu.memory_space<vmem_shared>>
    tpu.enqueue_dma source(%arg26 : memref<2000xf32, #tpu.memory_space<vmem>>) target(%dma_start3A_71 : memref<2000xf32, #tpu.memory_space<vmem_shared>>) target_semaphore(%arg35 : memref<!tpu.dma_semaphore, #tpu.memory_space<semaphore_mem>>)
    %mul3A_72 = arith.constant 20008 : i32
    %mul3A_73 = arith.muli %arg1, %mul3A_72 : i32
    %add3A_74 = arith.constant 12000 : i32
    %add3A_75 = arith.addi %mul3A_73, %add3A_74 : i32
    %dma_start3A_76 = tpu.memref_slice %arg30[%add3A_75] : memref<320128xf32, #tpu.memory_space<vmem_shared>> -> memref<2000xf32, #tpu.memory_space<vmem_shared>>
    %dma_start3A_77 = tpu.memref_slice %arg30[%add3A_75] : memref<320128xf32, #tpu.memory_space<vmem_shared>> -> memref<2000xf32, #tpu.memory_space<vmem_shared>>
    tpu.enqueue_dma source(%arg26 : memref<2000xf32, #tpu.memory_space<vmem>>) target(%dma_start3A_77 : memref<2000xf32, #tpu.memory_space<vmem_shared>>) target_semaphore(%arg35 : memref<!tpu.dma_semaphore, #tpu.memory_space<semaphore_mem>>)
    %mul3A_78 = arith.constant 20008 : i32
    %mul3A_79 = arith.muli %arg1, %mul3A_78 : i32
    %add3A_80 = arith.constant 14000 : i32
    %add3A_81 = arith.addi %mul3A_79, %add3A_80 : i32
    %dma_start3A_82 = tpu.memref_slice %arg30[%add3A_81] : memref<320128xf32, #tpu.memory_space<vmem_shared>> -> memref<2000xf32, #tpu.memory_space<vmem_shared>>
    %dma_start3A_83 = tpu.memref_slice %arg30[%add3A_81] : memref<320128xf32, #tpu.memory_space<vmem_shared>> -> memref<2000xf32, #tpu.memory_space<vmem_shared>>
    tpu.enqueue_dma source(%arg26 : memref<2000xf32, #tpu.memory_space<vmem>>) target(%dma_start3A_83 : memref<2000xf32, #tpu.memory_space<vmem_shared>>) target_semaphore(%arg35 : memref<!tpu.dma_semaphore, #tpu.memory_space<semaphore_mem>>)
    %mul3A_84 = arith.constant 20008 : i32
    %mul3A_85 = arith.muli %arg1, %mul3A_84 : i32
    %add3A_86 = arith.constant 16000 : i32
    %add3A_87 = arith.addi %mul3A_85, %add3A_86 : i32
    %dma_start3A_88 = tpu.memref_slice %arg30[%add3A_87] : memref<320128xf32, #tpu.memory_space<vmem_shared>> -> memref<2000xf32, #tpu.memory_space<vmem_shared>>
    %dma_start3A_89 = tpu.memref_slice %arg30[%add3A_87] : memref<320128xf32, #tpu.memory_space<vmem_shared>> -> memref<2000xf32, #tpu.memory_space<vmem_shared>>
    tpu.enqueue_dma source(%arg26 : memref<2000xf32, #tpu.memory_space<vmem>>) target(%dma_start3A_89 : memref<2000xf32, #tpu.memory_space<vmem_shared>>) target_semaphore(%arg35 : memref<!tpu.dma_semaphore, #tpu.memory_space<semaphore_mem>>)
    %mul3A_90 = arith.constant 20008 : i32
    %mul3A_91 = arith.muli %arg1, %mul3A_90 : i32
    %add3A_92 = arith.constant 18000 : i32
    %add3A_93 = arith.addi %mul3A_91, %add3A_92 : i32
    %dma_start3A_94 = tpu.memref_slice %arg30[%add3A_93] : memref<320128xf32, #tpu.memory_space<vmem_shared>> -> memref<2000xf32, #tpu.memory_space<vmem_shared>>
    %dma_start3A_95 = tpu.memref_slice %arg30[%add3A_93] : memref<320128xf32, #tpu.memory_space<vmem_shared>> -> memref<2000xf32, #tpu.memory_space<vmem_shared>>
    tpu.enqueue_dma source(%arg26 : memref<2000xf32, #tpu.memory_space<vmem>>) target(%dma_start3A_95 : memref<2000xf32, #tpu.memory_space<vmem_shared>>) target_semaphore(%arg35 : memref<!tpu.dma_semaphore, #tpu.memory_space<semaphore_mem>>)
    %mul3A_96 = arith.constant 20008 : i32
    %mul3A_97 = arith.muli %arg1, %mul3A_96 : i32
    %add3A_98 = arith.constant 20000 : i32
    %add3A_99 = arith.addi %mul3A_97, %add3A_98 : i32
    %dma_start3A_100 = arith.constant 0 : i32
    %dma_start3A_101 = tpu.memref_slice %arg26[%dma_start3A_100] : memref<2000xf32, #tpu.memory_space<vmem>> -> memref<8xf32, #tpu.memory_space<vmem>>
    %dma_start3A_102 = tpu.memref_slice %arg30[%add3A_99] : memref<320128xf32, #tpu.memory_space<vmem_shared>> -> memref<8xf32, #tpu.memory_space<vmem_shared>>
    %dma_start3A_103 = tpu.memref_slice %arg30[%add3A_99] : memref<320128xf32, #tpu.memory_space<vmem_shared>> -> memref<8xf32, #tpu.memory_space<vmem_shared>>
    %dma_start3A_104 = arith.constant 0 : i32
    %dma_start3A_105 = tpu.memref_slice %arg26[%dma_start3A_104] : memref<2000xf32, #tpu.memory_space<vmem>> -> memref<8xf32, #tpu.memory_space<vmem>>
    tpu.enqueue_dma source(%dma_start3A_105 : memref<8xf32, #tpu.memory_space<vmem>>) target(%dma_start3A_103 : memref<8xf32, #tpu.memory_space<vmem_shared>>) target_semaphore(%arg35 : memref<!tpu.dma_semaphore, #tpu.memory_space<semaphore_mem>>)
    "tpu.region"() ({
      %run_scoped3A = tpu.sem_alloc : memref<!tpu.dma_semaphore, #tpu.memory_space<semaphore_mem>>
      tpu.enqueue_dma source(%arg7 : memref<80xf32, #tpu.memory_space<hbm>>) target(%arg28 : memref<80xf32, #tpu.memory_space<vmem>>) target_semaphore(%run_scoped3A : memref<!tpu.dma_semaphore, #tpu.memory_space<semaphore_mem>>)
      tpu.wait_dma2 semaphore(%run_scoped3A : memref<!tpu.dma_semaphore, #tpu.memory_space<semaphore_mem>>) src(%arg7 : memref<80xf32, #tpu.memory_space<hbm>>) dst(%arg28 : memref<80xf32, #tpu.memory_space<vmem>>)
      tpu.yield
    }) : () -> ()
    %dma_wait3A = tpu.memref_slice %arg3[%add3A_14] : memref<640000xi32, #tpu.memory_space<hbm>> -> memref<80xi32, #tpu.memory_space<hbm>>
    %dma_wait3A_106 = tpu.memref_slice %arg3[%add3A_14] : memref<640000xi32, #tpu.memory_space<hbm>> -> memref<80xi32, #tpu.memory_space<hbm>>
    tpu.wait_dma2 semaphore(%arg31 : memref<!tpu.dma_semaphore, #tpu.memory_space<semaphore_mem>>) src(%dma_wait3A_106 : memref<80xi32, #tpu.memory_space<hbm>>) dst(%arg10 : memref<80xi32, #tpu.memory_space<vmem>>)
    %dma_wait3A_107 = tpu.memref_slice %arg3[%add3A_19] : memref<640000xi32, #tpu.memory_space<hbm>> -> memref<80xi32, #tpu.memory_space<hbm>>
    %dma_wait3A_108 = tpu.memref_slice %arg3[%add3A_19] : memref<640000xi32, #tpu.memory_space<hbm>> -> memref<80xi32, #tpu.memory_space<hbm>>
    tpu.wait_dma2 semaphore(%arg31 : memref<!tpu.dma_semaphore, #tpu.memory_space<semaphore_mem>>) src(%dma_wait3A_108 : memref<80xi32, #tpu.memory_space<hbm>>) dst(%arg12 : memref<80xi32, #tpu.memory_space<vmem>>)
    %dma_wait3A_109 = tpu.memref_slice %arg4[%add3A_14] : memref<320000xi32, #tpu.memory_space<hbm>> -> memref<80xi32, #tpu.memory_space<hbm>>
    %dma_wait3A_110 = tpu.memref_slice %arg4[%add3A_14] : memref<320000xi32, #tpu.memory_space<hbm>> -> memref<80xi32, #tpu.memory_space<hbm>>
    tpu.wait_dma2 semaphore(%arg31 : memref<!tpu.dma_semaphore, #tpu.memory_space<semaphore_mem>>) src(%dma_wait3A_110 : memref<80xi32, #tpu.memory_space<hbm>>) dst(%arg14 : memref<80xi32, #tpu.memory_space<vmem>>)
    %dma_wait3A_111 = tpu.memref_slice %arg3[%add3A_25] : memref<640000xi32, #tpu.memory_space<hbm>> -> memref<80xi32, #tpu.memory_space<hbm>>
    %dma_wait3A_112 = tpu.memref_slice %arg3[%add3A_25] : memref<640000xi32, #tpu.memory_space<hbm>> -> memref<80xi32, #tpu.memory_space<hbm>>
    tpu.wait_dma2 semaphore(%arg31 : memref<!tpu.dma_semaphore, #tpu.memory_space<semaphore_mem>>) src(%dma_wait3A_112 : memref<80xi32, #tpu.memory_space<hbm>>) dst(%arg18 : memref<80xi32, #tpu.memory_space<vmem>>)
    %dma_wait3A_113 = tpu.memref_slice %arg4[%add3A_16] : memref<320000xi32, #tpu.memory_space<hbm>> -> memref<80xi32, #tpu.memory_space<hbm>>
    %dma_wait3A_114 = tpu.memref_slice %arg4[%add3A_16] : memref<320000xi32, #tpu.memory_space<hbm>> -> memref<80xi32, #tpu.memory_space<hbm>>
    tpu.wait_dma2 semaphore(%arg31 : memref<!tpu.dma_semaphore, #tpu.memory_space<semaphore_mem>>) src(%dma_wait3A_114 : memref<80xi32, #tpu.memory_space<hbm>>) dst(%arg20 : memref<80xi32, #tpu.memory_space<vmem>>)
    %dma_start3A_115 = arith.constant 0 : i32
    %dma_start3A_116 = arith.constant 0 : i32
    %dma_start3A_117 = tpu.memref_slice %arg2[%dma_start3A_115, %dma_start3A_116] : memref<10000x128xf32, #tpu.memory_space<hbm>> -> memref<10000x128xf32, #tpu.memory_space<hbm>>
    tpu.enqueue_indirect_dma source(%dma_start3A_117 : memref<10000x128xf32, #tpu.memory_space<hbm>>) target(%arg24 : memref<80x128xf32, #tpu.memory_space<vmem>>) offsets(%arg10 : memref<80xi32, #tpu.memory_space<vmem>>) semaphore(%arg32 : memref<!tpu.dma_semaphore, #tpu.memory_space<semaphore_mem>>)
    %mul3A_118 = arith.constant 624 : i32
    %mul3A_119 = arith.muli %arg1, %mul3A_118 : i32
    %dma_wait3A_120 = arith.constant 0 : i32
    %dma_wait3A_121 = tpu.memref_slice %arg29[%mul3A_119, %dma_wait3A_120] : memref<10000x128xf32, #tpu.memory_space<vmem_shared>> -> memref<632x128xf32, #tpu.memory_space<vmem_shared>>
    tpu.wait_dma2 semaphore(%arg34 : memref<!tpu.dma_semaphore, #tpu.memory_space<semaphore_mem>>) src(%arg5 : memref<632x128xf32, #tpu.memory_space<hbm>>) dst(%dma_wait3A_121 : memref<632x128xf32, #tpu.memory_space<vmem_shared>>)
    %eq3A_122 = arith.constant 15 : i32
    %eq3A_123 = arith.cmpi eq, %arg1, %eq3A_122 : i32
    %convert_element_type3A_124 = arith.extui %eq3A_123 : i1 to i32
    %cond3A_125 = arith.constant 0 : i32
    %cond3A_126 = arith.cmpi ne, %convert_element_type3A_124, %cond3A_125 : i32
    scf.if %cond3A_126 {
      %dma_wait3A_622 = arith.constant 9984 : i32
      %dma_wait3A_623 = arith.constant 0 : i32
      %dma_wait3A_624 = tpu.memref_slice %arg29[%dma_wait3A_622, %dma_wait3A_623] : memref<10000x128xf32, #tpu.memory_space<vmem_shared>> -> memref<16x128xf32, #tpu.memory_space<vmem_shared>>
      %dma_wait3A_625 = arith.constant 0 : i32
      %dma_wait3A_626 = arith.constant 0 : i32
      %dma_wait3A_627 = tpu.memref_slice %arg5[%dma_wait3A_625, %dma_wait3A_626] : memref<632x128xf32, #tpu.memory_space<hbm>> -> memref<16x128xf32, #tpu.memory_space<hbm>>
      tpu.wait_dma2 semaphore(%arg34 : memref<!tpu.dma_semaphore, #tpu.memory_space<semaphore_mem>>) src(%dma_wait3A_627 : memref<16x128xf32, #tpu.memory_space<hbm>>) dst(%dma_wait3A_624 : memref<16x128xf32, #tpu.memory_space<vmem_shared>>)
    } else {
    }
    %dma_wait3A_127 = tpu.memref_slice %arg30[%add3A_39] : memref<320128xf32, #tpu.memory_space<vmem_shared>> -> memref<2000xf32, #tpu.memory_space<vmem_shared>>
    %dma_wait3A_128 = tpu.memref_slice %arg30[%add3A_39] : memref<320128xf32, #tpu.memory_space<vmem_shared>> -> memref<2000xf32, #tpu.memory_space<vmem_shared>>
    tpu.wait_dma2 semaphore(%arg35 : memref<!tpu.dma_semaphore, #tpu.memory_space<semaphore_mem>>) src(%arg26 : memref<2000xf32, #tpu.memory_space<vmem>>) dst(%dma_wait3A_128 : memref<2000xf32, #tpu.memory_space<vmem_shared>>)
    %dma_wait3A_129 = tpu.memref_slice %arg30[%add3A_45] : memref<320128xf32, #tpu.memory_space<vmem_shared>> -> memref<2000xf32, #tpu.memory_space<vmem_shared>>
    %dma_wait3A_130 = tpu.memref_slice %arg30[%add3A_45] : memref<320128xf32, #tpu.memory_space<vmem_shared>> -> memref<2000xf32, #tpu.memory_space<vmem_shared>>
    tpu.wait_dma2 semaphore(%arg35 : memref<!tpu.dma_semaphore, #tpu.memory_space<semaphore_mem>>) src(%arg26 : memref<2000xf32, #tpu.memory_space<vmem>>) dst(%dma_wait3A_130 : memref<2000xf32, #tpu.memory_space<vmem_shared>>)
    %dma_wait3A_131 = tpu.memref_slice %arg30[%add3A_51] : memref<320128xf32, #tpu.memory_space<vmem_shared>> -> memref<2000xf32, #tpu.memory_space<vmem_shared>>
    %dma_wait3A_132 = tpu.memref_slice %arg30[%add3A_51] : memref<320128xf32, #tpu.memory_space<vmem_shared>> -> memref<2000xf32, #tpu.memory_space<vmem_shared>>
    tpu.wait_dma2 semaphore(%arg35 : memref<!tpu.dma_semaphore, #tpu.memory_space<semaphore_mem>>) src(%arg26 : memref<2000xf32, #tpu.memory_space<vmem>>) dst(%dma_wait3A_132 : memref<2000xf32, #tpu.memory_space<vmem_shared>>)
    %dma_wait3A_133 = tpu.memref_slice %arg30[%add3A_57] : memref<320128xf32, #tpu.memory_space<vmem_shared>> -> memref<2000xf32, #tpu.memory_space<vmem_shared>>
    %dma_wait3A_134 = tpu.memref_slice %arg30[%add3A_57] : memref<320128xf32, #tpu.memory_space<vmem_shared>> -> memref<2000xf32, #tpu.memory_space<vmem_shared>>
    tpu.wait_dma2 semaphore(%arg35 : memref<!tpu.dma_semaphore, #tpu.memory_space<semaphore_mem>>) src(%arg26 : memref<2000xf32, #tpu.memory_space<vmem>>) dst(%dma_wait3A_134 : memref<2000xf32, #tpu.memory_space<vmem_shared>>)
    %dma_wait3A_135 = tpu.memref_slice %arg30[%add3A_63] : memref<320128xf32, #tpu.memory_space<vmem_shared>> -> memref<2000xf32, #tpu.memory_space<vmem_shared>>
    %dma_wait3A_136 = tpu.memref_slice %arg30[%add3A_63] : memref<320128xf32, #tpu.memory_space<vmem_shared>> -> memref<2000xf32, #tpu.memory_space<vmem_shared>>
    tpu.wait_dma2 semaphore(%arg35 : memref<!tpu.dma_semaphore, #tpu.memory_space<semaphore_mem>>) src(%arg26 : memref<2000xf32, #tpu.memory_space<vmem>>) dst(%dma_wait3A_136 : memref<2000xf32, #tpu.memory_space<vmem_shared>>)
    %dma_wait3A_137 = tpu.memref_slice %arg30[%add3A_69] : memref<320128xf32, #tpu.memory_space<vmem_shared>> -> memref<2000xf32, #tpu.memory_space<vmem_shared>>
    %dma_wait3A_138 = tpu.memref_slice %arg30[%add3A_69] : memref<320128xf32, #tpu.memory_space<vmem_shared>> -> memref<2000xf32, #tpu.memory_space<vmem_shared>>
    tpu.wait_dma2 semaphore(%arg35 : memref<!tpu.dma_semaphore, #tpu.memory_space<semaphore_mem>>) src(%arg26 : memref<2000xf32, #tpu.memory_space<vmem>>) dst(%dma_wait3A_138 : memref<2000xf32, #tpu.memory_space<vmem_shared>>)
    %dma_wait3A_139 = tpu.memref_slice %arg30[%add3A_75] : memref<320128xf32, #tpu.memory_space<vmem_shared>> -> memref<2000xf32, #tpu.memory_space<vmem_shared>>
    %dma_wait3A_140 = tpu.memref_slice %arg30[%add3A_75] : memref<320128xf32, #tpu.memory_space<vmem_shared>> -> memref<2000xf32, #tpu.memory_space<vmem_shared>>
    tpu.wait_dma2 semaphore(%arg35 : memref<!tpu.dma_semaphore, #tpu.memory_space<semaphore_mem>>) src(%arg26 : memref<2000xf32, #tpu.memory_space<vmem>>) dst(%dma_wait3A_140 : memref<2000xf32, #tpu.memory_space<vmem_shared>>)
    %dma_wait3A_141 = tpu.memref_slice %arg30[%add3A_81] : memref<320128xf32, #tpu.memory_space<vmem_shared>> -> memref<2000xf32, #tpu.memory_space<vmem_shared>>
    %dma_wait3A_142 = tpu.memref_slice %arg30[%add3A_81] : memref<320128xf32, #tpu.memory_space<vmem_shared>> -> memref<2000xf32, #tpu.memory_space<vmem_shared>>
    tpu.wait_dma2 semaphore(%arg35 : memref<!tpu.dma_semaphore, #tpu.memory_space<semaphore_mem>>) src(%arg26 : memref<2000xf32, #tpu.memory_space<vmem>>) dst(%dma_wait3A_142 : memref<2000xf32, #tpu.memory_space<vmem_shared>>)
    %dma_wait3A_143 = tpu.memref_slice %arg30[%add3A_87] : memref<320128xf32, #tpu.memory_space<vmem_shared>> -> memref<2000xf32, #tpu.memory_space<vmem_shared>>
    %dma_wait3A_144 = tpu.memref_slice %arg30[%add3A_87] : memref<320128xf32, #tpu.memory_space<vmem_shared>> -> memref<2000xf32, #tpu.memory_space<vmem_shared>>
    tpu.wait_dma2 semaphore(%arg35 : memref<!tpu.dma_semaphore, #tpu.memory_space<semaphore_mem>>) src(%arg26 : memref<2000xf32, #tpu.memory_space<vmem>>) dst(%dma_wait3A_144 : memref<2000xf32, #tpu.memory_space<vmem_shared>>)
    %dma_wait3A_145 = tpu.memref_slice %arg30[%add3A_93] : memref<320128xf32, #tpu.memory_space<vmem_shared>> -> memref<2000xf32, #tpu.memory_space<vmem_shared>>
    %dma_wait3A_146 = tpu.memref_slice %arg30[%add3A_93] : memref<320128xf32, #tpu.memory_space<vmem_shared>> -> memref<2000xf32, #tpu.memory_space<vmem_shared>>
    tpu.wait_dma2 semaphore(%arg35 : memref<!tpu.dma_semaphore, #tpu.memory_space<semaphore_mem>>) src(%arg26 : memref<2000xf32, #tpu.memory_space<vmem>>) dst(%dma_wait3A_146 : memref<2000xf32, #tpu.memory_space<vmem_shared>>)
    %dma_wait3A_147 = arith.constant 0 : i32
    %dma_wait3A_148 = tpu.memref_slice %arg26[%dma_wait3A_147] : memref<2000xf32, #tpu.memory_space<vmem>> -> memref<8xf32, #tpu.memory_space<vmem>>
    %dma_wait3A_149 = tpu.memref_slice %arg30[%add3A_99] : memref<320128xf32, #tpu.memory_space<vmem_shared>> -> memref<8xf32, #tpu.memory_space<vmem_shared>>
    %dma_wait3A_150 = tpu.memref_slice %arg30[%add3A_99] : memref<320128xf32, #tpu.memory_space<vmem_shared>> -> memref<8xf32, #tpu.memory_space<vmem_shared>>
    %dma_wait3A_151 = arith.constant 0 : i32
    %dma_wait3A_152 = tpu.memref_slice %arg26[%dma_wait3A_151] : memref<2000xf32, #tpu.memory_space<vmem>> -> memref<8xf32, #tpu.memory_space<vmem>>
    tpu.wait_dma2 semaphore(%arg35 : memref<!tpu.dma_semaphore, #tpu.memory_space<semaphore_mem>>) src(%dma_wait3A_152 : memref<8xf32, #tpu.memory_space<vmem>>) dst(%dma_wait3A_150 : memref<8xf32, #tpu.memory_space<vmem_shared>>)
    %barrier3A = arith.constant 0 : index
    tpu.barrier barrier_id(%barrier3A)
    %scan3A = arith.constant 0 : i32
    %scan3A_153 = arith.constant 0 : i32
    %scan3A_154 = arith.constant 62 : i32
    %scan3A_155 = arith.addi %scan3A_153, %scan3A_154 : i32
    %scan3A_156 = arith.constant 1 : i32
    %scan3A_157 = scf.for %scan3A_622 = %scan3A_153 to %scan3A_155 step %scan3A_156 iter_args(%scan3A_623 = %scan3A) -> (i32)  : i32 {
      %mul3A_624 = arith.constant 2 : i32
      %mul3A_625 = arith.muli %mul3A_624, %scan3A_622 : i32
      %add3A_626 = arith.constant 1 : i32
      %add3A_627 = arith.addi %mul3A_625, %add3A_626 : i32
      %mul3A_628 = arith.constant 80 : i32
      %mul3A_629 = arith.muli %add3A_627, %mul3A_628 : i32
      %add3A_630 = arith.addi %mul3A_6, %mul3A_629 : i32
      %mul3A_631 = arith.constant 80 : i32
      %mul3A_632 = arith.muli %add3A_627, %mul3A_631 : i32
      %add3A_633 = arith.addi %mul3A_12, %mul3A_632 : i32
      %dma_start3A_634 = tpu.memref_slice %arg3[%add3A_630] : memref<640000xi32, #tpu.memory_space<hbm>> -> memref<80xi32, #tpu.memory_space<hbm>>
      %dma_start3A_635 = tpu.memref_slice %arg3[%add3A_630] : memref<640000xi32, #tpu.memory_space<hbm>> -> memref<80xi32, #tpu.memory_space<hbm>>
      tpu.enqueue_dma source(%dma_start3A_635 : memref<80xi32, #tpu.memory_space<hbm>>) target(%arg11 : memref<80xi32, #tpu.memory_space<vmem>>) target_semaphore(%arg31 : memref<!tpu.dma_semaphore, #tpu.memory_space<semaphore_mem>>)
      %add3A_636 = arith.constant 320000 : i32
      %add3A_637 = arith.addi %add3A_636, %add3A_630 : i32
      %dma_start3A_638 = tpu.memref_slice %arg3[%add3A_637] : memref<640000xi32, #tpu.memory_space<hbm>> -> memref<80xi32, #tpu.memory_space<hbm>>
      %dma_start3A_639 = tpu.memref_slice %arg3[%add3A_637] : memref<640000xi32, #tpu.memory_space<hbm>> -> memref<80xi32, #tpu.memory_space<hbm>>
      tpu.enqueue_dma source(%dma_start3A_639 : memref<80xi32, #tpu.memory_space<hbm>>) target(%arg13 : memref<80xi32, #tpu.memory_space<vmem>>) target_semaphore(%arg31 : memref<!tpu.dma_semaphore, #tpu.memory_space<semaphore_mem>>)
      %dma_start3A_640 = tpu.memref_slice %arg4[%add3A_630] : memref<320000xi32, #tpu.memory_space<hbm>> -> memref<80xi32, #tpu.memory_space<hbm>>
      %dma_start3A_641 = tpu.memref_slice %arg4[%add3A_630] : memref<320000xi32, #tpu.memory_space<hbm>> -> memref<80xi32, #tpu.memory_space<hbm>>
      tpu.enqueue_dma source(%dma_start3A_641 : memref<80xi32, #tpu.memory_space<hbm>>) target(%arg15 : memref<80xi32, #tpu.memory_space<vmem>>) target_semaphore(%arg31 : memref<!tpu.dma_semaphore, #tpu.memory_space<semaphore_mem>>)
      %add3A_642 = arith.constant 320000 : i32
      %add3A_643 = arith.addi %add3A_642, %add3A_633 : i32
      %dma_start3A_644 = tpu.memref_slice %arg3[%add3A_643] : memref<640000xi32, #tpu.memory_space<hbm>> -> memref<80xi32, #tpu.memory_space<hbm>>
      %dma_start3A_645 = tpu.memref_slice %arg3[%add3A_643] : memref<640000xi32, #tpu.memory_space<hbm>> -> memref<80xi32, #tpu.memory_space<hbm>>
      tpu.enqueue_dma source(%dma_start3A_645 : memref<80xi32, #tpu.memory_space<hbm>>) target(%arg19 : memref<80xi32, #tpu.memory_space<vmem>>) target_semaphore(%arg31 : memref<!tpu.dma_semaphore, #tpu.memory_space<semaphore_mem>>)
      %dma_start3A_646 = tpu.memref_slice %arg4[%add3A_633] : memref<320000xi32, #tpu.memory_space<hbm>> -> memref<80xi32, #tpu.memory_space<hbm>>
      %dma_start3A_647 = tpu.memref_slice %arg4[%add3A_633] : memref<320000xi32, #tpu.memory_space<hbm>> -> memref<80xi32, #tpu.memory_space<hbm>>
      tpu.enqueue_dma source(%dma_start3A_647 : memref<80xi32, #tpu.memory_space<hbm>>) target(%arg21 : memref<80xi32, #tpu.memory_space<vmem>>) target_semaphore(%arg31 : memref<!tpu.dma_semaphore, #tpu.memory_space<semaphore_mem>>)
      %get3A_648 = arith.constant 0 : index
      %get3A_649 = tpu.vector_load %arg12[%get3A_648] {strides = array<i32>} : memref<80xi32, #tpu.memory_space<vmem>>, vector<16xi32>,
      %get3A_650 = vector.shape_cast %get3A_649 : vector<16xi32> to vector<16xi32>
      %sub3A_651 = vector.broadcast %mul3A_1 : i32 to vector<16xi32>
      %sub3A_652 = arith.subi %get3A_650, %sub3A_651 : vector<16xi32>
      %ge3A_653 = arith.constant 0 : i32
      %ge3A_654 = vector.broadcast %ge3A_653 : i32 to vector<16xi32>
      %ge3A_655 = arith.cmpi sge, %sub3A_652, %ge3A_654 : vector<16xi32>
      %lt3A_656 = arith.constant 5000 : i32
      %lt3A_657 = vector.broadcast %lt3A_656 : i32 to vector<16xi32>
      %lt3A_658 = arith.cmpi slt, %sub3A_652, %lt3A_657 : vector<16xi32>
      %and3A_659 = arith.andi %ge3A_655, %lt3A_658 : vector<16xi1>
      %mul3A_660 = arith.constant 64 : i32
      %mul3A_661 = vector.broadcast %mul3A_660 : i32 to vector<16xi32>
      %mul3A_662 = arith.muli %sub3A_652, %mul3A_661 : vector<16xi32>
      %get3A_663 = arith.constant 0 : index
      %get3A_664 = tpu.vector_load %arg14[%get3A_663] {strides = array<i32>} : memref<80xi32, #tpu.memory_space<vmem>>, vector<16xi32>,
      %get3A_665 = vector.shape_cast %get3A_664 : vector<16xi32> to vector<16xi32>
      %add3A_666 = arith.addi %mul3A_662, %get3A_665 : vector<16xi32>
      %broadcast_in_dim3A_667 = vector.broadcast %add3A_0 : i32 to vector<16xi32>
      %select_n3A_668 = arith.select %and3A_659, %add3A_666, %broadcast_in_dim3A_667 : vector<16xi1>, vector<16xi32>
      %swap3A_669 = arith.constant 0 : index
      %swap3A_670 = tpu.vector_load %arg16[%swap3A_669] {strides = array<i32>} : memref<80xi32, #tpu.memory_space<vmem>>, vector<16xi32>,
      %swap3A_671 = vector.shape_cast %swap3A_670 : vector<16xi32> to vector<16xi32>
      %swap3A_672 = vector.shape_cast %select_n3A_668 : vector<16xi32> to vector<16xi32>
      tpu.vector_store %arg16[%swap3A_669], %swap3A_672 {strides = array<i32>} : memref<80xi32, #tpu.memory_space<vmem>>, vector<16xi32>,
      %get3A_673 = arith.constant 16 : index
      %get3A_674 = tpu.vector_load %arg12[%get3A_673] {strides = array<i32>} : memref<80xi32, #tpu.memory_space<vmem>>, vector<16xi32>,
      %get3A_675 = vector.shape_cast %get3A_674 : vector<16xi32> to vector<16xi32>
      %sub3A_676 = vector.broadcast %mul3A_1 : i32 to vector<16xi32>
      %sub3A_677 = arith.subi %get3A_675, %sub3A_676 : vector<16xi32>
      %ge3A_678 = arith.constant 0 : i32
      %ge3A_679 = vector.broadcast %ge3A_678 : i32 to vector<16xi32>
      %ge3A_680 = arith.cmpi sge, %sub3A_677, %ge3A_679 : vector<16xi32>
      %lt3A_681 = arith.constant 5000 : i32
      %lt3A_682 = vector.broadcast %lt3A_681 : i32 to vector<16xi32>
      %lt3A_683 = arith.cmpi slt, %sub3A_677, %lt3A_682 : vector<16xi32>
      %and3A_684 = arith.andi %ge3A_680, %lt3A_683 : vector<16xi1>
      %mul3A_685 = arith.constant 64 : i32
      %mul3A_686 = vector.broadcast %mul3A_685 : i32 to vector<16xi32>
      %mul3A_687 = arith.muli %sub3A_677, %mul3A_686 : vector<16xi32>
      %get3A_688 = arith.constant 16 : index
      %get3A_689 = tpu.vector_load %arg14[%get3A_688] {strides = array<i32>} : memref<80xi32, #tpu.memory_space<vmem>>, vector<16xi32>,
      %get3A_690 = vector.shape_cast %get3A_689 : vector<16xi32> to vector<16xi32>
      %add3A_691 = arith.addi %mul3A_687, %get3A_690 : vector<16xi32>
      %broadcast_in_dim3A_692 = vector.broadcast %add3A_0 : i32 to vector<16xi32>
      %select_n3A_693 = arith.select %and3A_684, %add3A_691, %broadcast_in_dim3A_692 : vector<16xi1>, vector<16xi32>
      %swap3A_694 = arith.constant 16 : index
      %swap3A_695 = tpu.vector_load %arg16[%swap3A_694] {strides = array<i32>} : memref<80xi32, #tpu.memory_space<vmem>>, vector<16xi32>,
      %swap3A_696 = vector.shape_cast %swap3A_695 : vector<16xi32> to vector<16xi32>
      %swap3A_697 = vector.shape_cast %select_n3A_693 : vector<16xi32> to vector<16xi32>
      tpu.vector_store %arg16[%swap3A_694], %swap3A_697 {strides = array<i32>} : memref<80xi32, #tpu.memory_space<vmem>>, vector<16xi32>,
      %get3A_698 = arith.constant 32 : index
      %get3A_699 = tpu.vector_load %arg12[%get3A_698] {strides = array<i32>} : memref<80xi32, #tpu.memory_space<vmem>>, vector<16xi32>,
      %get3A_700 = vector.shape_cast %get3A_699 : vector<16xi32> to vector<16xi32>
      %sub3A_701 = vector.broadcast %mul3A_1 : i32 to vector<16xi32>
      %sub3A_702 = arith.subi %get3A_700, %sub3A_701 : vector<16xi32>
      %ge3A_703 = arith.constant 0 : i32
      %ge3A_704 = vector.broadcast %ge3A_703 : i32 to vector<16xi32>
      %ge3A_705 = arith.cmpi sge, %sub3A_702, %ge3A_704 : vector<16xi32>
      %lt3A_706 = arith.constant 5000 : i32
      %lt3A_707 = vector.broadcast %lt3A_706 : i32 to vector<16xi32>
      %lt3A_708 = arith.cmpi slt, %sub3A_702, %lt3A_707 : vector<16xi32>
      %and3A_709 = arith.andi %ge3A_705, %lt3A_708 : vector<16xi1>
      %mul3A_710 = arith.constant 64 : i32
      %mul3A_711 = vector.broadcast %mul3A_710 : i32 to vector<16xi32>
      %mul3A_712 = arith.muli %sub3A_702, %mul3A_711 : vector<16xi32>
      %get3A_713 = arith.constant 32 : index
      %get3A_714 = tpu.vector_load %arg14[%get3A_713] {strides = array<i32>} : memref<80xi32, #tpu.memory_space<vmem>>, vector<16xi32>,
      %get3A_715 = vector.shape_cast %get3A_714 : vector<16xi32> to vector<16xi32>
      %add3A_716 = arith.addi %mul3A_712, %get3A_715 : vector<16xi32>
      %broadcast_in_dim3A_717 = vector.broadcast %add3A_0 : i32 to vector<16xi32>
      %select_n3A_718 = arith.select %and3A_709, %add3A_716, %broadcast_in_dim3A_717 : vector<16xi1>, vector<16xi32>
      %swap3A_719 = arith.constant 32 : index
      %swap3A_720 = tpu.vector_load %arg16[%swap3A_719] {strides = array<i32>} : memref<80xi32, #tpu.memory_space<vmem>>, vector<16xi32>,
      %swap3A_721 = vector.shape_cast %swap3A_720 : vector<16xi32> to vector<16xi32>
      %swap3A_722 = vector.shape_cast %select_n3A_718 : vector<16xi32> to vector<16xi32>
      tpu.vector_store %arg16[%swap3A_719], %swap3A_722 {strides = array<i32>} : memref<80xi32, #tpu.memory_space<vmem>>, vector<16xi32>,
      %get3A_723 = arith.constant 48 : index
      %get3A_724 = tpu.vector_load %arg12[%get3A_723] {strides = array<i32>} : memref<80xi32, #tpu.memory_space<vmem>>, vector<16xi32>,
      %get3A_725 = vector.shape_cast %get3A_724 : vector<16xi32> to vector<16xi32>
      %sub3A_726 = vector.broadcast %mul3A_1 : i32 to vector<16xi32>
      %sub3A_727 = arith.subi %get3A_725, %sub3A_726 : vector<16xi32>
      %ge3A_728 = arith.constant 0 : i32
      %ge3A_729 = vector.broadcast %ge3A_728 : i32 to vector<16xi32>
      %ge3A_730 = arith.cmpi sge, %sub3A_727, %ge3A_729 : vector<16xi32>
      %lt3A_731 = arith.constant 5000 : i32
      %lt3A_732 = vector.broadcast %lt3A_731 : i32 to vector<16xi32>
      %lt3A_733 = arith.cmpi slt, %sub3A_727, %lt3A_732 : vector<16xi32>
      %and3A_734 = arith.andi %ge3A_730, %lt3A_733 : vector<16xi1>
      %mul3A_735 = arith.constant 64 : i32
      %mul3A_736 = vector.broadcast %mul3A_735 : i32 to vector<16xi32>
      %mul3A_737 = arith.muli %sub3A_727, %mul3A_736 : vector<16xi32>
      %get3A_738 = arith.constant 48 : index
      %get3A_739 = tpu.vector_load %arg14[%get3A_738] {strides = array<i32>} : memref<80xi32, #tpu.memory_space<vmem>>, vector<16xi32>,
      %get3A_740 = vector.shape_cast %get3A_739 : vector<16xi32> to vector<16xi32>
      %add3A_741 = arith.addi %mul3A_737, %get3A_740 : vector<16xi32>
      %broadcast_in_dim3A_742 = vector.broadcast %add3A_0 : i32 to vector<16xi32>
      %select_n3A_743 = arith.select %and3A_734, %add3A_741, %broadcast_in_dim3A_742 : vector<16xi1>, vector<16xi32>
      %swap3A_744 = arith.constant 48 : index
      %swap3A_745 = tpu.vector_load %arg16[%swap3A_744] {strides = array<i32>} : memref<80xi32, #tpu.memory_space<vmem>>, vector<16xi32>,
      %swap3A_746 = vector.shape_cast %swap3A_745 : vector<16xi32> to vector<16xi32>
      %swap3A_747 = vector.shape_cast %select_n3A_743 : vector<16xi32> to vector<16xi32>
      tpu.vector_store %arg16[%swap3A_744], %swap3A_747 {strides = array<i32>} : memref<80xi32, #tpu.memory_space<vmem>>, vector<16xi32>,
      %get3A_748 = arith.constant 64 : index
      %get3A_749 = tpu.vector_load %arg12[%get3A_748] {strides = array<i32>} : memref<80xi32, #tpu.memory_space<vmem>>, vector<16xi32>,
      %get3A_750 = vector.shape_cast %get3A_749 : vector<16xi32> to vector<16xi32>
      %sub3A_751 = vector.broadcast %mul3A_1 : i32 to vector<16xi32>
      %sub3A_752 = arith.subi %get3A_750, %sub3A_751 : vector<16xi32>
      %ge3A_753 = arith.constant 0 : i32
      %ge3A_754 = vector.broadcast %ge3A_753 : i32 to vector<16xi32>
      %ge3A_755 = arith.cmpi sge, %sub3A_752, %ge3A_754 : vector<16xi32>
      %lt3A_756 = arith.constant 5000 : i32
      %lt3A_757 = vector.broadcast %lt3A_756 : i32 to vector<16xi32>
      %lt3A_758 = arith.cmpi slt, %sub3A_752, %lt3A_757 : vector<16xi32>
      %and3A_759 = arith.andi %ge3A_755, %lt3A_758 : vector<16xi1>
      %mul3A_760 = arith.constant 64 : i32
      %mul3A_761 = vector.broadcast %mul3A_760 : i32 to vector<16xi32>
      %mul3A_762 = arith.muli %sub3A_752, %mul3A_761 : vector<16xi32>
      %get3A_763 = arith.constant 64 : index
      %get3A_764 = tpu.vector_load %arg14[%get3A_763] {strides = array<i32>} : memref<80xi32, #tpu.memory_space<vmem>>, vector<16xi32>,
      %get3A_765 = vector.shape_cast %get3A_764 : vector<16xi32> to vector<16xi32>
      %add3A_766 = arith.addi %mul3A_762, %get3A_765 : vector<16xi32>
      %broadcast_in_dim3A_767 = vector.broadcast %add3A_0 : i32 to vector<16xi32>
      %select_n3A_768 = arith.select %and3A_759, %add3A_766, %broadcast_in_dim3A_767 : vector<16xi1>, vector<16xi32>
      %swap3A_769 = arith.constant 64 : index
      %swap3A_770 = tpu.vector_load %arg16[%swap3A_769] {strides = array<i32>} : memref<80xi32, #tpu.memory_space<vmem>>, vector<16xi32>,
      %swap3A_771 = vector.shape_cast %swap3A_770 : vector<16xi32> to vector<16xi32>
      %swap3A_772 = vector.shape_cast %select_n3A_768 : vector<16xi32> to vector<16xi32>
      tpu.vector_store %arg16[%swap3A_769], %swap3A_772 {strides = array<i32>} : memref<80xi32, #tpu.memory_space<vmem>>, vector<16xi32>,
      %get3A_773 = arith.constant 0 : index
      %get3A_774 = tpu.vector_load %arg18[%get3A_773] {strides = array<i32>} : memref<80xi32, #tpu.memory_space<vmem>>, vector<16xi32>,
      %get3A_775 = vector.shape_cast %get3A_774 : vector<16xi32> to vector<16xi32>
      %sub3A_776 = vector.broadcast %mul3A_1 : i32 to vector<16xi32>
      %sub3A_777 = arith.subi %get3A_775, %sub3A_776 : vector<16xi32>
      %ge3A_778 = arith.constant 0 : i32
      %ge3A_779 = vector.broadcast %ge3A_778 : i32 to vector<16xi32>
      %ge3A_780 = arith.cmpi sge, %sub3A_777, %ge3A_779 : vector<16xi32>
      %lt3A_781 = arith.constant 5000 : i32
      %lt3A_782 = vector.broadcast %lt3A_781 : i32 to vector<16xi32>
      %lt3A_783 = arith.cmpi slt, %sub3A_777, %lt3A_782 : vector<16xi32>
      %and3A_784 = arith.andi %ge3A_780, %lt3A_783 : vector<16xi1>
      %mul3A_785 = arith.constant 64 : i32
      %mul3A_786 = vector.broadcast %mul3A_785 : i32 to vector<16xi32>
      %mul3A_787 = arith.muli %sub3A_777, %mul3A_786 : vector<16xi32>
      %get3A_788 = arith.constant 0 : index
      %get3A_789 = tpu.vector_load %arg20[%get3A_788] {strides = array<i32>} : memref<80xi32, #tpu.memory_space<vmem>>, vector<16xi32>,
      %get3A_790 = vector.shape_cast %get3A_789 : vector<16xi32> to vector<16xi32>
      %add3A_791 = arith.addi %mul3A_787, %get3A_790 : vector<16xi32>
      %broadcast_in_dim3A_792 = vector.broadcast %add3A_0 : i32 to vector<16xi32>
      %select_n3A_793 = arith.select %and3A_784, %add3A_791, %broadcast_in_dim3A_792 : vector<16xi1>, vector<16xi32>
      %swap3A_794 = arith.constant 0 : index
      %swap3A_795 = tpu.vector_load %arg22[%swap3A_794] {strides = array<i32>} : memref<80xi32, #tpu.memory_space<vmem>>, vector<16xi32>,
      %swap3A_796 = vector.shape_cast %swap3A_795 : vector<16xi32> to vector<16xi32>
      %swap3A_797 = vector.shape_cast %select_n3A_793 : vector<16xi32> to vector<16xi32>
      tpu.vector_store %arg22[%swap3A_794], %swap3A_797 {strides = array<i32>} : memref<80xi32, #tpu.memory_space<vmem>>, vector<16xi32>,
      %get3A_798 = arith.constant 16 : index
      %get3A_799 = tpu.vector_load %arg18[%get3A_798] {strides = array<i32>} : memref<80xi32, #tpu.memory_space<vmem>>, vector<16xi32>,
      %get3A_800 = vector.shape_cast %get3A_799 : vector<16xi32> to vector<16xi32>
      %sub3A_801 = vector.broadcast %mul3A_1 : i32 to vector<16xi32>
      %sub3A_802 = arith.subi %get3A_800, %sub3A_801 : vector<16xi32>
      %ge3A_803 = arith.constant 0 : i32
      %ge3A_804 = vector.broadcast %ge3A_803 : i32 to vector<16xi32>
      %ge3A_805 = arith.cmpi sge, %sub3A_802, %ge3A_804 : vector<16xi32>
      %lt3A_806 = arith.constant 5000 : i32
      %lt3A_807 = vector.broadcast %lt3A_806 : i32 to vector<16xi32>
      %lt3A_808 = arith.cmpi slt, %sub3A_802, %lt3A_807 : vector<16xi32>
      %and3A_809 = arith.andi %ge3A_805, %lt3A_808 : vector<16xi1>
      %mul3A_810 = arith.constant 64 : i32
      %mul3A_811 = vector.broadcast %mul3A_810 : i32 to vector<16xi32>
      %mul3A_812 = arith.muli %sub3A_802, %mul3A_811 : vector<16xi32>
      %get3A_813 = arith.constant 16 : index
      %get3A_814 = tpu.vector_load %arg20[%get3A_813] {strides = array<i32>} : memref<80xi32, #tpu.memory_space<vmem>>, vector<16xi32>,
      %get3A_815 = vector.shape_cast %get3A_814 : vector<16xi32> to vector<16xi32>
      %add3A_816 = arith.addi %mul3A_812, %get3A_815 : vector<16xi32>
      %broadcast_in_dim3A_817 = vector.broadcast %add3A_0 : i32 to vector<16xi32>
      %select_n3A_818 = arith.select %and3A_809, %add3A_816, %broadcast_in_dim3A_817 : vector<16xi1>, vector<16xi32>
      %swap3A_819 = arith.constant 16 : index
      %swap3A_820 = tpu.vector_load %arg22[%swap3A_819] {strides = array<i32>} : memref<80xi32, #tpu.memory_space<vmem>>, vector<16xi32>,
      %swap3A_821 = vector.shape_cast %swap3A_820 : vector<16xi32> to vector<16xi32>
      %swap3A_822 = vector.shape_cast %select_n3A_818 : vector<16xi32> to vector<16xi32>
      tpu.vector_store %arg22[%swap3A_819], %swap3A_822 {strides = array<i32>} : memref<80xi32, #tpu.memory_space<vmem>>, vector<16xi32>,
      %get3A_823 = arith.constant 32 : index
      %get3A_824 = tpu.vector_load %arg18[%get3A_823] {strides = array<i32>} : memref<80xi32, #tpu.memory_space<vmem>>, vector<16xi32>,
      %get3A_825 = vector.shape_cast %get3A_824 : vector<16xi32> to vector<16xi32>
      %sub3A_826 = vector.broadcast %mul3A_1 : i32 to vector<16xi32>
      %sub3A_827 = arith.subi %get3A_825, %sub3A_826 : vector<16xi32>
      %ge3A_828 = arith.constant 0 : i32
      %ge3A_829 = vector.broadcast %ge3A_828 : i32 to vector<16xi32>
      %ge3A_830 = arith.cmpi sge, %sub3A_827, %ge3A_829 : vector<16xi32>
      %lt3A_831 = arith.constant 5000 : i32
      %lt3A_832 = vector.broadcast %lt3A_831 : i32 to vector<16xi32>
      %lt3A_833 = arith.cmpi slt, %sub3A_827, %lt3A_832 : vector<16xi32>
      %and3A_834 = arith.andi %ge3A_830, %lt3A_833 : vector<16xi1>
      %mul3A_835 = arith.constant 64 : i32
      %mul3A_836 = vector.broadcast %mul3A_835 : i32 to vector<16xi32>
      %mul3A_837 = arith.muli %sub3A_827, %mul3A_836 : vector<16xi32>
      %get3A_838 = arith.constant 32 : index
      %get3A_839 = tpu.vector_load %arg20[%get3A_838] {strides = array<i32>} : memref<80xi32, #tpu.memory_space<vmem>>, vector<16xi32>,
      %get3A_840 = vector.shape_cast %get3A_839 : vector<16xi32> to vector<16xi32>
      %add3A_841 = arith.addi %mul3A_837, %get3A_840 : vector<16xi32>
      %broadcast_in_dim3A_842 = vector.broadcast %add3A_0 : i32 to vector<16xi32>
      %select_n3A_843 = arith.select %and3A_834, %add3A_841, %broadcast_in_dim3A_842 : vector<16xi1>, vector<16xi32>
      %swap3A_844 = arith.constant 32 : index
      %swap3A_845 = tpu.vector_load %arg22[%swap3A_844] {strides = array<i32>} : memref<80xi32, #tpu.memory_space<vmem>>, vector<16xi32>,
      %swap3A_846 = vector.shape_cast %swap3A_845 : vector<16xi32> to vector<16xi32>
      %swap3A_847 = vector.shape_cast %select_n3A_843 : vector<16xi32> to vector<16xi32>
      tpu.vector_store %arg22[%swap3A_844], %swap3A_847 {strides = array<i32>} : memref<80xi32, #tpu.memory_space<vmem>>, vector<16xi32>,
      %get3A_848 = arith.constant 48 : index
      %get3A_849 = tpu.vector_load %arg18[%get3A_848] {strides = array<i32>} : memref<80xi32, #tpu.memory_space<vmem>>, vector<16xi32>,
      %get3A_850 = vector.shape_cast %get3A_849 : vector<16xi32> to vector<16xi32>
      %sub3A_851 = vector.broadcast %mul3A_1 : i32 to vector<16xi32>
      %sub3A_852 = arith.subi %get3A_850, %sub3A_851 : vector<16xi32>
      %ge3A_853 = arith.constant 0 : i32
      %ge3A_854 = vector.broadcast %ge3A_853 : i32 to vector<16xi32>
      %ge3A_855 = arith.cmpi sge, %sub3A_852, %ge3A_854 : vector<16xi32>
      %lt3A_856 = arith.constant 5000 : i32
      %lt3A_857 = vector.broadcast %lt3A_856 : i32 to vector<16xi32>
      %lt3A_858 = arith.cmpi slt, %sub3A_852, %lt3A_857 : vector<16xi32>
      %and3A_859 = arith.andi %ge3A_855, %lt3A_858 : vector<16xi1>
      %mul3A_860 = arith.constant 64 : i32
      %mul3A_861 = vector.broadcast %mul3A_860 : i32 to vector<16xi32>
      %mul3A_862 = arith.muli %sub3A_852, %mul3A_861 : vector<16xi32>
      %get3A_863 = arith.constant 48 : index
      %get3A_864 = tpu.vector_load %arg20[%get3A_863] {strides = array<i32>} : memref<80xi32, #tpu.memory_space<vmem>>, vector<16xi32>,
      %get3A_865 = vector.shape_cast %get3A_864 : vector<16xi32> to vector<16xi32>
      %add3A_866 = arith.addi %mul3A_862, %get3A_865 : vector<16xi32>
      %broadcast_in_dim3A_867 = vector.broadcast %add3A_0 : i32 to vector<16xi32>
      %select_n3A_868 = arith.select %and3A_859, %add3A_866, %broadcast_in_dim3A_867 : vector<16xi1>, vector<16xi32>
      %swap3A_869 = arith.constant 48 : index
      %swap3A_870 = tpu.vector_load %arg22[%swap3A_869] {strides = array<i32>} : memref<80xi32, #tpu.memory_space<vmem>>, vector<16xi32>,
      %swap3A_871 = vector.shape_cast %swap3A_870 : vector<16xi32> to vector<16xi32>
      %swap3A_872 = vector.shape_cast %select_n3A_868 : vector<16xi32> to vector<16xi32>
      tpu.vector_store %arg22[%swap3A_869], %swap3A_872 {strides = array<i32>} : memref<80xi32, #tpu.memory_space<vmem>>, vector<16xi32>,
      %get3A_873 = arith.constant 64 : index
      %get3A_874 = tpu.vector_load %arg18[%get3A_873] {strides = array<i32>} : memref<80xi32, #tpu.memory_space<vmem>>, vector<16xi32>,
      %get3A_875 = vector.shape_cast %get3A_874 : vector<16xi32> to vector<16xi32>
      %sub3A_876 = vector.broadcast %mul3A_1 : i32 to vector<16xi32>
      %sub3A_877 = arith.subi %get3A_875, %sub3A_876 : vector<16xi32>
      %ge3A_878 = arith.constant 0 : i32
      %ge3A_879 = vector.broadcast %ge3A_878 : i32 to vector<16xi32>
      %ge3A_880 = arith.cmpi sge, %sub3A_877, %ge3A_879 : vector<16xi32>
      %lt3A_881 = arith.constant 5000 : i32
      %lt3A_882 = vector.broadcast %lt3A_881 : i32 to vector<16xi32>
      %lt3A_883 = arith.cmpi slt, %sub3A_877, %lt3A_882 : vector<16xi32>
      %and3A_884 = arith.andi %ge3A_880, %lt3A_883 : vector<16xi1>
      %mul3A_885 = arith.constant 64 : i32
      %mul3A_886 = vector.broadcast %mul3A_885 : i32 to vector<16xi32>
      %mul3A_887 = arith.muli %sub3A_877, %mul3A_886 : vector<16xi32>
      %get3A_888 = arith.constant 64 : index
      %get3A_889 = tpu.vector_load %arg20[%get3A_888] {strides = array<i32>} : memref<80xi32, #tpu.memory_space<vmem>>, vector<16xi32>,
      %get3A_890 = vector.shape_cast %get3A_889 : vector<16xi32> to vector<16xi32>
      %add3A_891 = arith.addi %mul3A_887, %get3A_890 : vector<16xi32>
      %broadcast_in_dim3A_892 = vector.broadcast %add3A_0 : i32 to vector<16xi32>
      %select_n3A_893 = arith.select %and3A_884, %add3A_891, %broadcast_in_dim3A_892 : vector<16xi1>, vector<16xi32>
      %swap3A_894 = arith.constant 64 : index
      %swap3A_895 = tpu.vector_load %arg22[%swap3A_894] {strides = array<i32>} : memref<80xi32, #tpu.memory_space<vmem>>, vector<16xi32>,
      %swap3A_896 = vector.shape_cast %swap3A_895 : vector<16xi32> to vector<16xi32>
      %swap3A_897 = vector.shape_cast %select_n3A_893 : vector<16xi32> to vector<16xi32>
      tpu.vector_store %arg22[%swap3A_894], %swap3A_897 {strides = array<i32>} : memref<80xi32, #tpu.memory_space<vmem>>, vector<16xi32>,
      %dma_wait3A_898 = arith.constant 0 : i32
      %dma_wait3A_899 = arith.constant 0 : i32
      %dma_wait3A_900 = tpu.memref_slice %arg2[%dma_wait3A_898, %dma_wait3A_899] : memref<10000x128xf32, #tpu.memory_space<hbm>> -> memref<10000x128xf32, #tpu.memory_space<hbm>>
      tpu.wait_indirect_dma semaphore(%arg32 : memref<!tpu.dma_semaphore, #tpu.memory_space<semaphore_mem>>) src(%dma_wait3A_900 : memref<10000x128xf32, #tpu.memory_space<hbm>>) dst(%arg24 : memref<80x128xf32, #tpu.memory_space<vmem>>)
      %dma_start3A_901 = arith.constant 0 : i32
      %dma_start3A_902 = arith.constant 0 : i32
      %dma_start3A_903 = tpu.memref_slice %arg29[%dma_start3A_901, %dma_start3A_902] : memref<10000x128xf32, #tpu.memory_space<vmem_shared>> -> memref<10000x128xf32, #tpu.memory_space<vmem_shared>>
      tpu.enqueue_indirect_dma source(%arg24 : memref<80x128xf32, #tpu.memory_space<vmem>>) target(%dma_start3A_903 : memref<10000x128xf32, #tpu.memory_space<vmem_shared>>) offsets(%arg12 : memref<80xi32, #tpu.memory_space<vmem>>) semaphore(%arg34 : memref<!tpu.dma_semaphore, #tpu.memory_space<semaphore_mem>>) {add = true}
      %dma_start3A_904 = arith.constant 0 : i32
      %dma_start3A_905 = tpu.memref_slice %arg30[%dma_start3A_904] : memref<320128xf32, #tpu.memory_space<vmem_shared>> -> memref<320128xf32, #tpu.memory_space<vmem_shared>>
      tpu.enqueue_indirect_dma source(%arg28 : memref<80xf32, #tpu.memory_space<vmem>>) target(%dma_start3A_905 : memref<320128xf32, #tpu.memory_space<vmem_shared>>) offsets(%arg16 : memref<80xi32, #tpu.memory_space<vmem>>) semaphore(%arg34 : memref<!tpu.dma_semaphore, #tpu.memory_space<semaphore_mem>>) {add = true}
      %dma_start3A_906 = arith.constant 0 : i32
      %dma_start3A_907 = tpu.memref_slice %arg30[%dma_start3A_906] : memref<320128xf32, #tpu.memory_space<vmem_shared>> -> memref<320128xf32, #tpu.memory_space<vmem_shared>>
      tpu.enqueue_indirect_dma source(%arg28 : memref<80xf32, #tpu.memory_space<vmem>>) target(%dma_start3A_907 : memref<320128xf32, #tpu.memory_space<vmem_shared>>) offsets(%arg22 : memref<80xi32, #tpu.memory_space<vmem>>) semaphore(%arg34 : memref<!tpu.dma_semaphore, #tpu.memory_space<semaphore_mem>>) {add = true}
      %dma_wait3A_908 = tpu.memref_slice %arg3[%add3A_630] : memref<640000xi32, #tpu.memory_space<hbm>> -> memref<80xi32, #tpu.memory_space<hbm>>
      %dma_wait3A_909 = tpu.memref_slice %arg3[%add3A_630] : memref<640000xi32, #tpu.memory_space<hbm>> -> memref<80xi32, #tpu.memory_space<hbm>>
      tpu.wait_dma2 semaphore(%arg31 : memref<!tpu.dma_semaphore, #tpu.memory_space<semaphore_mem>>) src(%dma_wait3A_909 : memref<80xi32, #tpu.memory_space<hbm>>) dst(%arg11 : memref<80xi32, #tpu.memory_space<vmem>>)
      %dma_wait3A_910 = tpu.memref_slice %arg3[%add3A_637] : memref<640000xi32, #tpu.memory_space<hbm>> -> memref<80xi32, #tpu.memory_space<hbm>>
      %dma_wait3A_911 = tpu.memref_slice %arg3[%add3A_637] : memref<640000xi32, #tpu.memory_space<hbm>> -> memref<80xi32, #tpu.memory_space<hbm>>
      tpu.wait_dma2 semaphore(%arg31 : memref<!tpu.dma_semaphore, #tpu.memory_space<semaphore_mem>>) src(%dma_wait3A_911 : memref<80xi32, #tpu.memory_space<hbm>>) dst(%arg13 : memref<80xi32, #tpu.memory_space<vmem>>)
      %dma_wait3A_912 = tpu.memref_slice %arg4[%add3A_630] : memref<320000xi32, #tpu.memory_space<hbm>> -> memref<80xi32, #tpu.memory_space<hbm>>
      %dma_wait3A_913 = tpu.memref_slice %arg4[%add3A_630] : memref<320000xi32, #tpu.memory_space<hbm>> -> memref<80xi32, #tpu.memory_space<hbm>>
      tpu.wait_dma2 semaphore(%arg31 : memref<!tpu.dma_semaphore, #tpu.memory_space<semaphore_mem>>) src(%dma_wait3A_913 : memref<80xi32, #tpu.memory_space<hbm>>) dst(%arg15 : memref<80xi32, #tpu.memory_space<vmem>>)
      %dma_wait3A_914 = tpu.memref_slice %arg3[%add3A_643] : memref<640000xi32, #tpu.memory_space<hbm>> -> memref<80xi32, #tpu.memory_space<hbm>>
      %dma_wait3A_915 = tpu.memref_slice %arg3[%add3A_643] : memref<640000xi32, #tpu.memory_space<hbm>> -> memref<80xi32, #tpu.memory_space<hbm>>
      tpu.wait_dma2 semaphore(%arg31 : memref<!tpu.dma_semaphore, #tpu.memory_space<semaphore_mem>>) src(%dma_wait3A_915 : memref<80xi32, #tpu.memory_space<hbm>>) dst(%arg19 : memref<80xi32, #tpu.memory_space<vmem>>)
      %dma_wait3A_916 = tpu.memref_slice %arg4[%add3A_633] : memref<320000xi32, #tpu.memory_space<hbm>> -> memref<80xi32, #tpu.memory_space<hbm>>
      %dma_wait3A_917 = tpu.memref_slice %arg4[%add3A_633] : memref<320000xi32, #tpu.memory_space<hbm>> -> memref<80xi32, #tpu.memory_space<hbm>>
      tpu.wait_dma2 semaphore(%arg31 : memref<!tpu.dma_semaphore, #tpu.memory_space<semaphore_mem>>) src(%dma_wait3A_917 : memref<80xi32, #tpu.memory_space<hbm>>) dst(%arg21 : memref<80xi32, #tpu.memory_space<vmem>>)
      %get3A_918 = arith.constant 0 : index
      %get3A_919 = tpu.vector_load %arg13[%get3A_918] {strides = array<i32>} : memref<80xi32, #tpu.memory_space<vmem>>, vector<16xi32>,
      %get3A_920 = vector.shape_cast %get3A_919 : vector<16xi32> to vector<16xi32>
      %sub3A_921 = vector.broadcast %mul3A_1 : i32 to vector<16xi32>
      %sub3A_922 = arith.subi %get3A_920, %sub3A_921 : vector<16xi32>
      %ge3A_923 = arith.constant 0 : i32
      %ge3A_924 = vector.broadcast %ge3A_923 : i32 to vector<16xi32>
      %ge3A_925 = arith.cmpi sge, %sub3A_922, %ge3A_924 : vector<16xi32>
      %lt3A_926 = arith.constant 5000 : i32
      %lt3A_927 = vector.broadcast %lt3A_926 : i32 to vector<16xi32>
      %lt3A_928 = arith.cmpi slt, %sub3A_922, %lt3A_927 : vector<16xi32>
      %and3A_929 = arith.andi %ge3A_925, %lt3A_928 : vector<16xi1>
      %mul3A_930 = arith.constant 64 : i32
      %mul3A_931 = vector.broadcast %mul3A_930 : i32 to vector<16xi32>
      %mul3A_932 = arith.muli %sub3A_922, %mul3A_931 : vector<16xi32>
      %get3A_933 = arith.constant 0 : index
      %get3A_934 = tpu.vector_load %arg15[%get3A_933] {strides = array<i32>} : memref<80xi32, #tpu.memory_space<vmem>>, vector<16xi32>,
      %get3A_935 = vector.shape_cast %get3A_934 : vector<16xi32> to vector<16xi32>
      %add3A_936 = arith.addi %mul3A_932, %get3A_935 : vector<16xi32>
      %broadcast_in_dim3A_937 = vector.broadcast %add3A_0 : i32 to vector<16xi32>
      %select_n3A_938 = arith.select %and3A_929, %add3A_936, %broadcast_in_dim3A_937 : vector<16xi1>, vector<16xi32>
      %swap3A_939 = arith.constant 0 : index
      %swap3A_940 = tpu.vector_load %arg17[%swap3A_939] {strides = array<i32>} : memref<80xi32, #tpu.memory_space<vmem>>, vector<16xi32>,
      %swap3A_941 = vector.shape_cast %swap3A_940 : vector<16xi32> to vector<16xi32>
      %swap3A_942 = vector.shape_cast %select_n3A_938 : vector<16xi32> to vector<16xi32>
      tpu.vector_store %arg17[%swap3A_939], %swap3A_942 {strides = array<i32>} : memref<80xi32, #tpu.memory_space<vmem>>, vector<16xi32>,
      %get3A_943 = arith.constant 16 : index
      %get3A_944 = tpu.vector_load %arg13[%get3A_943] {strides = array<i32>} : memref<80xi32, #tpu.memory_space<vmem>>, vector<16xi32>,
      %get3A_945 = vector.shape_cast %get3A_944 : vector<16xi32> to vector<16xi32>
      %sub3A_946 = vector.broadcast %mul3A_1 : i32 to vector<16xi32>
      %sub3A_947 = arith.subi %get3A_945, %sub3A_946 : vector<16xi32>
      %ge3A_948 = arith.constant 0 : i32
      %ge3A_949 = vector.broadcast %ge3A_948 : i32 to vector<16xi32>
      %ge3A_950 = arith.cmpi sge, %sub3A_947, %ge3A_949 : vector<16xi32>
      %lt3A_951 = arith.constant 5000 : i32
      %lt3A_952 = vector.broadcast %lt3A_951 : i32 to vector<16xi32>
      %lt3A_953 = arith.cmpi slt, %sub3A_947, %lt3A_952 : vector<16xi32>
      %and3A_954 = arith.andi %ge3A_950, %lt3A_953 : vector<16xi1>
      %mul3A_955 = arith.constant 64 : i32
      %mul3A_956 = vector.broadcast %mul3A_955 : i32 to vector<16xi32>
      %mul3A_957 = arith.muli %sub3A_947, %mul3A_956 : vector<16xi32>
      %get3A_958 = arith.constant 16 : index
      %get3A_959 = tpu.vector_load %arg15[%get3A_958] {strides = array<i32>} : memref<80xi32, #tpu.memory_space<vmem>>, vector<16xi32>,
      %get3A_960 = vector.shape_cast %get3A_959 : vector<16xi32> to vector<16xi32>
      %add3A_961 = arith.addi %mul3A_957, %get3A_960 : vector<16xi32>
      %broadcast_in_dim3A_962 = vector.broadcast %add3A_0 : i32 to vector<16xi32>
      %select_n3A_963 = arith.select %and3A_954, %add3A_961, %broadcast_in_dim3A_962 : vector<16xi1>, vector<16xi32>
      %swap3A_964 = arith.constant 16 : index
      %swap3A_965 = tpu.vector_load %arg17[%swap3A_964] {strides = array<i32>} : memref<80xi32, #tpu.memory_space<vmem>>, vector<16xi32>,
      %swap3A_966 = vector.shape_cast %swap3A_965 : vector<16xi32> to vector<16xi32>
      %swap3A_967 = vector.shape_cast %select_n3A_963 : vector<16xi32> to vector<16xi32>
      tpu.vector_store %arg17[%swap3A_964], %swap3A_967 {strides = array<i32>} : memref<80xi32, #tpu.memory_space<vmem>>, vector<16xi32>,
      %get3A_968 = arith.constant 32 : index
      %get3A_969 = tpu.vector_load %arg13[%get3A_968] {strides = array<i32>} : memref<80xi32, #tpu.memory_space<vmem>>, vector<16xi32>,
      %get3A_970 = vector.shape_cast %get3A_969 : vector<16xi32> to vector<16xi32>
      %sub3A_971 = vector.broadcast %mul3A_1 : i32 to vector<16xi32>
      %sub3A_972 = arith.subi %get3A_970, %sub3A_971 : vector<16xi32>
      %ge3A_973 = arith.constant 0 : i32
      %ge3A_974 = vector.broadcast %ge3A_973 : i32 to vector<16xi32>
      %ge3A_975 = arith.cmpi sge, %sub3A_972, %ge3A_974 : vector<16xi32>
      %lt3A_976 = arith.constant 5000 : i32
      %lt3A_977 = vector.broadcast %lt3A_976 : i32 to vector<16xi32>
      %lt3A_978 = arith.cmpi slt, %sub3A_972, %lt3A_977 : vector<16xi32>
      %and3A_979 = arith.andi %ge3A_975, %lt3A_978 : vector<16xi1>
      %mul3A_980 = arith.constant 64 : i32
      %mul3A_981 = vector.broadcast %mul3A_980 : i32 to vector<16xi32>
      %mul3A_982 = arith.muli %sub3A_972, %mul3A_981 : vector<16xi32>
      %get3A_983 = arith.constant 32 : index
      %get3A_984 = tpu.vector_load %arg15[%get3A_983] {strides = array<i32>} : memref<80xi32, #tpu.memory_space<vmem>>, vector<16xi32>,
      %get3A_985 = vector.shape_cast %get3A_984 : vector<16xi32> to vector<16xi32>
      %add3A_986 = arith.addi %mul3A_982, %get3A_985 : vector<16xi32>
      %broadcast_in_dim3A_987 = vector.broadcast %add3A_0 : i32 to vector<16xi32>
      %select_n3A_988 = arith.select %and3A_979, %add3A_986, %broadcast_in_dim3A_987 : vector<16xi1>, vector<16xi32>
      %swap3A_989 = arith.constant 32 : index
      %swap3A_990 = tpu.vector_load %arg17[%swap3A_989] {strides = array<i32>} : memref<80xi32, #tpu.memory_space<vmem>>, vector<16xi32>,
      %swap3A_991 = vector.shape_cast %swap3A_990 : vector<16xi32> to vector<16xi32>
      %swap3A_992 = vector.shape_cast %select_n3A_988 : vector<16xi32> to vector<16xi32>
      tpu.vector_store %arg17[%swap3A_989], %swap3A_992 {strides = array<i32>} : memref<80xi32, #tpu.memory_space<vmem>>, vector<16xi32>,
      %get3A_993 = arith.constant 48 : index
      %get3A_994 = tpu.vector_load %arg13[%get3A_993] {strides = array<i32>} : memref<80xi32, #tpu.memory_space<vmem>>, vector<16xi32>,
      %get3A_995 = vector.shape_cast %get3A_994 : vector<16xi32> to vector<16xi32>
      %sub3A_996 = vector.broadcast %mul3A_1 : i32 to vector<16xi32>
      %sub3A_997 = arith.subi %get3A_995, %sub3A_996 : vector<16xi32>
      %ge3A_998 = arith.constant 0 : i32
      %ge3A_999 = vector.broadcast %ge3A_998 : i32 to vector<16xi32>
      %ge3A_1000 = arith.cmpi sge, %sub3A_997, %ge3A_999 : vector<16xi32>
      %lt3A_1001 = arith.constant 5000 : i32
      %lt3A_1002 = vector.broadcast %lt3A_1001 : i32 to vector<16xi32>
      %lt3A_1003 = arith.cmpi slt, %sub3A_997, %lt3A_1002 : vector<16xi32>
      %and3A_1004 = arith.andi %ge3A_1000, %lt3A_1003 : vector<16xi1>
      %mul3A_1005 = arith.constant 64 : i32
      %mul3A_1006 = vector.broadcast %mul3A_1005 : i32 to vector<16xi32>
      %mul3A_1007 = arith.muli %sub3A_997, %mul3A_1006 : vector<16xi32>
      %get3A_1008 = arith.constant 48 : index
      %get3A_1009 = tpu.vector_load %arg15[%get3A_1008] {strides = array<i32>} : memref<80xi32, #tpu.memory_space<vmem>>, vector<16xi32>,
      %get3A_1010 = vector.shape_cast %get3A_1009 : vector<16xi32> to vector<16xi32>
      %add3A_1011 = arith.addi %mul3A_1007, %get3A_1010 : vector<16xi32>
      %broadcast_in_dim3A_1012 = vector.broadcast %add3A_0 : i32 to vector<16xi32>
      %select_n3A_1013 = arith.select %and3A_1004, %add3A_1011, %broadcast_in_dim3A_1012 : vector<16xi1>, vector<16xi32>
      %swap3A_1014 = arith.constant 48 : index
      %swap3A_1015 = tpu.vector_load %arg17[%swap3A_1014] {strides = array<i32>} : memref<80xi32, #tpu.memory_space<vmem>>, vector<16xi32>,
      %swap3A_1016 = vector.shape_cast %swap3A_1015 : vector<16xi32> to vector<16xi32>
      %swap3A_1017 = vector.shape_cast %select_n3A_1013 : vector<16xi32> to vector<16xi32>
      tpu.vector_store %arg17[%swap3A_1014], %swap3A_1017 {strides = array<i32>} : memref<80xi32, #tpu.memory_space<vmem>>, vector<16xi32>,
      %get3A_1018 = arith.constant 64 : index
      %get3A_1019 = tpu.vector_load %arg13[%get3A_1018] {strides = array<i32>} : memref<80xi32, #tpu.memory_space<vmem>>, vector<16xi32>,
      %get3A_1020 = vector.shape_cast %get3A_1019 : vector<16xi32> to vector<16xi32>
      %sub3A_1021 = vector.broadcast %mul3A_1 : i32 to vector<16xi32>
      %sub3A_1022 = arith.subi %get3A_1020, %sub3A_1021 : vector<16xi32>
      %ge3A_1023 = arith.constant 0 : i32
      %ge3A_1024 = vector.broadcast %ge3A_1023 : i32 to vector<16xi32>
      %ge3A_1025 = arith.cmpi sge, %sub3A_1022, %ge3A_1024 : vector<16xi32>
      %lt3A_1026 = arith.constant 5000 : i32
      %lt3A_1027 = vector.broadcast %lt3A_1026 : i32 to vector<16xi32>
      %lt3A_1028 = arith.cmpi slt, %sub3A_1022, %lt3A_1027 : vector<16xi32>
      %and3A_1029 = arith.andi %ge3A_1025, %lt3A_1028 : vector<16xi1>
      %mul3A_1030 = arith.constant 64 : i32
      %mul3A_1031 = vector.broadcast %mul3A_1030 : i32 to vector<16xi32>
      %mul3A_1032 = arith.muli %sub3A_1022, %mul3A_1031 : vector<16xi32>
      %get3A_1033 = arith.constant 64 : index
      %get3A_1034 = tpu.vector_load %arg15[%get3A_1033] {strides = array<i32>} : memref<80xi32, #tpu.memory_space<vmem>>, vector<16xi32>,
      %get3A_1035 = vector.shape_cast %get3A_1034 : vector<16xi32> to vector<16xi32>
      %add3A_1036 = arith.addi %mul3A_1032, %get3A_1035 : vector<16xi32>
      %broadcast_in_dim3A_1037 = vector.broadcast %add3A_0 : i32 to vector<16xi32>
      %select_n3A_1038 = arith.select %and3A_1029, %add3A_1036, %broadcast_in_dim3A_1037 : vector<16xi1>, vector<16xi32>
      %swap3A_1039 = arith.constant 64 : index
      %swap3A_1040 = tpu.vector_load %arg17[%swap3A_1039] {strides = array<i32>} : memref<80xi32, #tpu.memory_space<vmem>>, vector<16xi32>,
      %swap3A_1041 = vector.shape_cast %swap3A_1040 : vector<16xi32> to vector<16xi32>
      %swap3A_1042 = vector.shape_cast %select_n3A_1038 : vector<16xi32> to vector<16xi32>
      tpu.vector_store %arg17[%swap3A_1039], %swap3A_1042 {strides = array<i32>} : memref<80xi32, #tpu.memory_space<vmem>>, vector<16xi32>,
      %get3A_1043 = arith.constant 0 : index
      %get3A_1044 = tpu.vector_load %arg19[%get3A_1043] {strides = array<i32>} : memref<80xi32, #tpu.memory_space<vmem>>, vector<16xi32>,
      %get3A_1045 = vector.shape_cast %get3A_1044 : vector<16xi32> to vector<16xi32>
      %sub3A_1046 = vector.broadcast %mul3A_1 : i32 to vector<16xi32>
      %sub3A_1047 = arith.subi %get3A_1045, %sub3A_1046 : vector<16xi32>
      %ge3A_1048 = arith.constant 0 : i32
      %ge3A_1049 = vector.broadcast %ge3A_1048 : i32 to vector<16xi32>
      %ge3A_1050 = arith.cmpi sge, %sub3A_1047, %ge3A_1049 : vector<16xi32>
      %lt3A_1051 = arith.constant 5000 : i32
      %lt3A_1052 = vector.broadcast %lt3A_1051 : i32 to vector<16xi32>
      %lt3A_1053 = arith.cmpi slt, %sub3A_1047, %lt3A_1052 : vector<16xi32>
      %and3A_1054 = arith.andi %ge3A_1050, %lt3A_1053 : vector<16xi1>
      %mul3A_1055 = arith.constant 64 : i32
      %mul3A_1056 = vector.broadcast %mul3A_1055 : i32 to vector<16xi32>
      %mul3A_1057 = arith.muli %sub3A_1047, %mul3A_1056 : vector<16xi32>
      %get3A_1058 = arith.constant 0 : index
      %get3A_1059 = tpu.vector_load %arg21[%get3A_1058] {strides = array<i32>} : memref<80xi32, #tpu.memory_space<vmem>>, vector<16xi32>,
      %get3A_1060 = vector.shape_cast %get3A_1059 : vector<16xi32> to vector<16xi32>
      %add3A_1061 = arith.addi %mul3A_1057, %get3A_1060 : vector<16xi32>
      %broadcast_in_dim3A_1062 = vector.broadcast %add3A_0 : i32 to vector<16xi32>
      %select_n3A_1063 = arith.select %and3A_1054, %add3A_1061, %broadcast_in_dim3A_1062 : vector<16xi1>, vector<16xi32>
      %swap3A_1064 = arith.constant 0 : index
      %swap3A_1065 = tpu.vector_load %arg23[%swap3A_1064] {strides = array<i32>} : memref<80xi32, #tpu.memory_space<vmem>>, vector<16xi32>,
      %swap3A_1066 = vector.shape_cast %swap3A_1065 : vector<16xi32> to vector<16xi32>
      %swap3A_1067 = vector.shape_cast %select_n3A_1063 : vector<16xi32> to vector<16xi32>
      tpu.vector_store %arg23[%swap3A_1064], %swap3A_1067 {strides = array<i32>} : memref<80xi32, #tpu.memory_space<vmem>>, vector<16xi32>,
      %get3A_1068 = arith.constant 16 : index
      %get3A_1069 = tpu.vector_load %arg19[%get3A_1068] {strides = array<i32>} : memref<80xi32, #tpu.memory_space<vmem>>, vector<16xi32>,
      %get3A_1070 = vector.shape_cast %get3A_1069 : vector<16xi32> to vector<16xi32>
      %sub3A_1071 = vector.broadcast %mul3A_1 : i32 to vector<16xi32>
      %sub3A_1072 = arith.subi %get3A_1070, %sub3A_1071 : vector<16xi32>
      %ge3A_1073 = arith.constant 0 : i32
      %ge3A_1074 = vector.broadcast %ge3A_1073 : i32 to vector<16xi32>
      %ge3A_1075 = arith.cmpi sge, %sub3A_1072, %ge3A_1074 : vector<16xi32>
      %lt3A_1076 = arith.constant 5000 : i32
      %lt3A_1077 = vector.broadcast %lt3A_1076 : i32 to vector<16xi32>
      %lt3A_1078 = arith.cmpi slt, %sub3A_1072, %lt3A_1077 : vector<16xi32>
      %and3A_1079 = arith.andi %ge3A_1075, %lt3A_1078 : vector<16xi1>
      %mul3A_1080 = arith.constant 64 : i32
      %mul3A_1081 = vector.broadcast %mul3A_1080 : i32 to vector<16xi32>
      %mul3A_1082 = arith.muli %sub3A_1072, %mul3A_1081 : vector<16xi32>
      %get3A_1083 = arith.constant 16 : index
      %get3A_1084 = tpu.vector_load %arg21[%get3A_1083] {strides = array<i32>} : memref<80xi32, #tpu.memory_space<vmem>>, vector<16xi32>,
      %get3A_1085 = vector.shape_cast %get3A_1084 : vector<16xi32> to vector<16xi32>
      %add3A_1086 = arith.addi %mul3A_1082, %get3A_1085 : vector<16xi32>
      %broadcast_in_dim3A_1087 = vector.broadcast %add3A_0 : i32 to vector<16xi32>
      %select_n3A_1088 = arith.select %and3A_1079, %add3A_1086, %broadcast_in_dim3A_1087 : vector<16xi1>, vector<16xi32>
      %swap3A_1089 = arith.constant 16 : index
      %swap3A_1090 = tpu.vector_load %arg23[%swap3A_1089] {strides = array<i32>} : memref<80xi32, #tpu.memory_space<vmem>>, vector<16xi32>,
      %swap3A_1091 = vector.shape_cast %swap3A_1090 : vector<16xi32> to vector<16xi32>
      %swap3A_1092 = vector.shape_cast %select_n3A_1088 : vector<16xi32> to vector<16xi32>
      tpu.vector_store %arg23[%swap3A_1089], %swap3A_1092 {strides = array<i32>} : memref<80xi32, #tpu.memory_space<vmem>>, vector<16xi32>,
      %get3A_1093 = arith.constant 32 : index
      %get3A_1094 = tpu.vector_load %arg19[%get3A_1093] {strides = array<i32>} : memref<80xi32, #tpu.memory_space<vmem>>, vector<16xi32>,
      %get3A_1095 = vector.shape_cast %get3A_1094 : vector<16xi32> to vector<16xi32>
      %sub3A_1096 = vector.broadcast %mul3A_1 : i32 to vector<16xi32>
      %sub3A_1097 = arith.subi %get3A_1095, %sub3A_1096 : vector<16xi32>
      %ge3A_1098 = arith.constant 0 : i32
      %ge3A_1099 = vector.broadcast %ge3A_1098 : i32 to vector<16xi32>
      %ge3A_1100 = arith.cmpi sge, %sub3A_1097, %ge3A_1099 : vector<16xi32>
      %lt3A_1101 = arith.constant 5000 : i32
      %lt3A_1102 = vector.broadcast %lt3A_1101 : i32 to vector<16xi32>
      %lt3A_1103 = arith.cmpi slt, %sub3A_1097, %lt3A_1102 : vector<16xi32>
      %and3A_1104 = arith.andi %ge3A_1100, %lt3A_1103 : vector<16xi1>
      %mul3A_1105 = arith.constant 64 : i32
      %mul3A_1106 = vector.broadcast %mul3A_1105 : i32 to vector<16xi32>
      %mul3A_1107 = arith.muli %sub3A_1097, %mul3A_1106 : vector<16xi32>
      %get3A_1108 = arith.constant 32 : index
      %get3A_1109 = tpu.vector_load %arg21[%get3A_1108] {strides = array<i32>} : memref<80xi32, #tpu.memory_space<vmem>>, vector<16xi32>,
      %get3A_1110 = vector.shape_cast %get3A_1109 : vector<16xi32> to vector<16xi32>
      %add3A_1111 = arith.addi %mul3A_1107, %get3A_1110 : vector<16xi32>
      %broadcast_in_dim3A_1112 = vector.broadcast %add3A_0 : i32 to vector<16xi32>
      %select_n3A_1113 = arith.select %and3A_1104, %add3A_1111, %broadcast_in_dim3A_1112 : vector<16xi1>, vector<16xi32>
      %swap3A_1114 = arith.constant 32 : index
      %swap3A_1115 = tpu.vector_load %arg23[%swap3A_1114] {strides = array<i32>} : memref<80xi32, #tpu.memory_space<vmem>>, vector<16xi32>,
      %swap3A_1116 = vector.shape_cast %swap3A_1115 : vector<16xi32> to vector<16xi32>
      %swap3A_1117 = vector.shape_cast %select_n3A_1113 : vector<16xi32> to vector<16xi32>
      tpu.vector_store %arg23[%swap3A_1114], %swap3A_1117 {strides = array<i32>} : memref<80xi32, #tpu.memory_space<vmem>>, vector<16xi32>,
      %get3A_1118 = arith.constant 48 : index
      %get3A_1119 = tpu.vector_load %arg19[%get3A_1118] {strides = array<i32>} : memref<80xi32, #tpu.memory_space<vmem>>, vector<16xi32>,
      %get3A_1120 = vector.shape_cast %get3A_1119 : vector<16xi32> to vector<16xi32>
      %sub3A_1121 = vector.broadcast %mul3A_1 : i32 to vector<16xi32>
      %sub3A_1122 = arith.subi %get3A_1120, %sub3A_1121 : vector<16xi32>
      %ge3A_1123 = arith.constant 0 : i32
      %ge3A_1124 = vector.broadcast %ge3A_1123 : i32 to vector<16xi32>
      %ge3A_1125 = arith.cmpi sge, %sub3A_1122, %ge3A_1124 : vector<16xi32>
      %lt3A_1126 = arith.constant 5000 : i32
      %lt3A_1127 = vector.broadcast %lt3A_1126 : i32 to vector<16xi32>
      %lt3A_1128 = arith.cmpi slt, %sub3A_1122, %lt3A_1127 : vector<16xi32>
      %and3A_1129 = arith.andi %ge3A_1125, %lt3A_1128 : vector<16xi1>
      %mul3A_1130 = arith.constant 64 : i32
      %mul3A_1131 = vector.broadcast %mul3A_1130 : i32 to vector<16xi32>
      %mul3A_1132 = arith.muli %sub3A_1122, %mul3A_1131 : vector<16xi32>
      %get3A_1133 = arith.constant 48 : index
      %get3A_1134 = tpu.vector_load %arg21[%get3A_1133] {strides = array<i32>} : memref<80xi32, #tpu.memory_space<vmem>>, vector<16xi32>,
      %get3A_1135 = vector.shape_cast %get3A_1134 : vector<16xi32> to vector<16xi32>
      %add3A_1136 = arith.addi %mul3A_1132, %get3A_1135 : vector<16xi32>
      %broadcast_in_dim3A_1137 = vector.broadcast %add3A_0 : i32 to vector<16xi32>
      %select_n3A_1138 = arith.select %and3A_1129, %add3A_1136, %broadcast_in_dim3A_1137 : vector<16xi1>, vector<16xi32>
      %swap3A_1139 = arith.constant 48 : index
      %swap3A_1140 = tpu.vector_load %arg23[%swap3A_1139] {strides = array<i32>} : memref<80xi32, #tpu.memory_space<vmem>>, vector<16xi32>,
      %swap3A_1141 = vector.shape_cast %swap3A_1140 : vector<16xi32> to vector<16xi32>
      %swap3A_1142 = vector.shape_cast %select_n3A_1138 : vector<16xi32> to vector<16xi32>
      tpu.vector_store %arg23[%swap3A_1139], %swap3A_1142 {strides = array<i32>} : memref<80xi32, #tpu.memory_space<vmem>>, vector<16xi32>,
      %get3A_1143 = arith.constant 64 : index
      %get3A_1144 = tpu.vector_load %arg19[%get3A_1143] {strides = array<i32>} : memref<80xi32, #tpu.memory_space<vmem>>, vector<16xi32>,
      %get3A_1145 = vector.shape_cast %get3A_1144 : vector<16xi32> to vector<16xi32>
      %sub3A_1146 = vector.broadcast %mul3A_1 : i32 to vector<16xi32>
      %sub3A_1147 = arith.subi %get3A_1145, %sub3A_1146 : vector<16xi32>
      %ge3A_1148 = arith.constant 0 : i32
      %ge3A_1149 = vector.broadcast %ge3A_1148 : i32 to vector<16xi32>
      %ge3A_1150 = arith.cmpi sge, %sub3A_1147, %ge3A_1149 : vector<16xi32>
      %lt3A_1151 = arith.constant 5000 : i32
      %lt3A_1152 = vector.broadcast %lt3A_1151 : i32 to vector<16xi32>
      %lt3A_1153 = arith.cmpi slt, %sub3A_1147, %lt3A_1152 : vector<16xi32>
      %and3A_1154 = arith.andi %ge3A_1150, %lt3A_1153 : vector<16xi1>
      %mul3A_1155 = arith.constant 64 : i32
      %mul3A_1156 = vector.broadcast %mul3A_1155 : i32 to vector<16xi32>
      %mul3A_1157 = arith.muli %sub3A_1147, %mul3A_1156 : vector<16xi32>
      %get3A_1158 = arith.constant 64 : index
      %get3A_1159 = tpu.vector_load %arg21[%get3A_1158] {strides = array<i32>} : memref<80xi32, #tpu.memory_space<vmem>>, vector<16xi32>,
      %get3A_1160 = vector.shape_cast %get3A_1159 : vector<16xi32> to vector<16xi32>
      %add3A_1161 = arith.addi %mul3A_1157, %get3A_1160 : vector<16xi32>
      %broadcast_in_dim3A_1162 = vector.broadcast %add3A_0 : i32 to vector<16xi32>
      %select_n3A_1163 = arith.select %and3A_1154, %add3A_1161, %broadcast_in_dim3A_1162 : vector<16xi1>, vector<16xi32>
      %swap3A_1164 = arith.constant 64 : index
      %swap3A_1165 = tpu.vector_load %arg23[%swap3A_1164] {strides = array<i32>} : memref<80xi32, #tpu.memory_space<vmem>>, vector<16xi32>,
      %swap3A_1166 = vector.shape_cast %swap3A_1165 : vector<16xi32> to vector<16xi32>
      %swap3A_1167 = vector.shape_cast %select_n3A_1163 : vector<16xi32> to vector<16xi32>
      tpu.vector_store %arg23[%swap3A_1164], %swap3A_1167 {strides = array<i32>} : memref<80xi32, #tpu.memory_space<vmem>>, vector<16xi32>,
      %dma_start3A_1168 = arith.constant 0 : i32
      %dma_start3A_1169 = arith.constant 0 : i32
      %dma_start3A_1170 = tpu.memref_slice %arg2[%dma_start3A_1168, %dma_start3A_1169] : memref<10000x128xf32, #tpu.memory_space<hbm>> -> memref<10000x128xf32, #tpu.memory_space<hbm>>
      tpu.enqueue_indirect_dma source(%dma_start3A_1170 : memref<10000x128xf32, #tpu.memory_space<hbm>>) target(%arg25 : memref<80x128xf32, #tpu.memory_space<vmem>>) offsets(%arg11 : memref<80xi32, #tpu.memory_space<vmem>>) semaphore(%arg33 : memref<!tpu.dma_semaphore, #tpu.memory_space<semaphore_mem>>)
      %dma_wait3A_1171 = arith.constant 0 : i32
      %dma_wait3A_1172 = arith.constant 0 : i32
      %dma_wait3A_1173 = tpu.memref_slice %arg29[%dma_wait3A_1171, %dma_wait3A_1172] : memref<10000x128xf32, #tpu.memory_space<vmem_shared>> -> memref<10000x128xf32, #tpu.memory_space<vmem_shared>>
      tpu.wait_indirect_dma semaphore(%arg34 : memref<!tpu.dma_semaphore, #tpu.memory_space<semaphore_mem>>) src(%arg24 : memref<80x128xf32, #tpu.memory_space<vmem>>) dst(%dma_wait3A_1173 : memref<10000x128xf32, #tpu.memory_space<vmem_shared>>)
      %dma_wait3A_1174 = arith.constant 0 : i32
      %dma_wait3A_1175 = tpu.memref_slice %arg30[%dma_wait3A_1174] : memref<320128xf32, #tpu.memory_space<vmem_shared>> -> memref<320128xf32, #tpu.memory_space<vmem_shared>>
      tpu.wait_indirect_dma semaphore(%arg34 : memref<!tpu.dma_semaphore, #tpu.memory_space<semaphore_mem>>) src(%arg28 : memref<80xf32, #tpu.memory_space<vmem>>) dst(%dma_wait3A_1175 : memref<320128xf32, #tpu.memory_space<vmem_shared>>)
      %dma_wait3A_1176 = arith.constant 0 : i32
      %dma_wait3A_1177 = tpu.memref_slice %arg30[%dma_wait3A_1176] : memref<320128xf32, #tpu.memory_space<vmem_shared>> -> memref<320128xf32, #tpu.memory_space<vmem_shared>>
      tpu.wait_indirect_dma semaphore(%arg34 : memref<!tpu.dma_semaphore, #tpu.memory_space<semaphore_mem>>) src(%arg28 : memref<80xf32, #tpu.memory_space<vmem>>) dst(%dma_wait3A_1177 : memref<320128xf32, #tpu.memory_space<vmem_shared>>)
      %lt3A_1178 = arith.constant 61 : i32
      %lt3A_1179 = arith.cmpi slt, %scan3A_622, %lt3A_1178 : i32
      %convert_element_type3A_1180 = arith.extui %lt3A_1179 : i1 to i32
      %cond3A_1181 = arith.constant 0 : i32
      %cond3A_1182 = arith.cmpi ne, %convert_element_type3A_1180, %cond3A_1181 : i32
      scf.if %cond3A_1182 {
        %add3A_1206 = arith.constant 2 : i32
        %add3A_1207 = arith.addi %mul3A_625, %add3A_1206 : i32
        %mul3A_1208 = arith.constant 80 : i32
        %mul3A_1209 = arith.muli %add3A_1207, %mul3A_1208 : i32
        %add3A_1210 = arith.addi %mul3A_6, %mul3A_1209 : i32
        %mul3A_1211 = arith.constant 80 : i32
        %mul3A_1212 = arith.muli %add3A_1207, %mul3A_1211 : i32
        %add3A_1213 = arith.addi %mul3A_12, %mul3A_1212 : i32
        %dma_start3A_1214 = tpu.memref_slice %arg3[%add3A_1210] : memref<640000xi32, #tpu.memory_space<hbm>> -> memref<80xi32, #tpu.memory_space<hbm>>
        %dma_start3A_1215 = tpu.memref_slice %arg3[%add3A_1210] : memref<640000xi32, #tpu.memory_space<hbm>> -> memref<80xi32, #tpu.memory_space<hbm>>
        tpu.enqueue_dma source(%dma_start3A_1215 : memref<80xi32, #tpu.memory_space<hbm>>) target(%arg10 : memref<80xi32, #tpu.memory_space<vmem>>) target_semaphore(%arg31 : memref<!tpu.dma_semaphore, #tpu.memory_space<semaphore_mem>>)
        %add3A_1216 = arith.constant 320000 : i32
        %add3A_1217 = arith.addi %add3A_1216, %add3A_1210 : i32
        %dma_start3A_1218 = tpu.memref_slice %arg3[%add3A_1217] : memref<640000xi32, #tpu.memory_space<hbm>> -> memref<80xi32, #tpu.memory_space<hbm>>
        %dma_start3A_1219 = tpu.memref_slice %arg3[%add3A_1217] : memref<640000xi32, #tpu.memory_space<hbm>> -> memref<80xi32, #tpu.memory_space<hbm>>
        tpu.enqueue_dma source(%dma_start3A_1219 : memref<80xi32, #tpu.memory_space<hbm>>) target(%arg12 : memref<80xi32, #tpu.memory_space<vmem>>) target_semaphore(%arg31 : memref<!tpu.dma_semaphore, #tpu.memory_space<semaphore_mem>>)
        %dma_start3A_1220 = tpu.memref_slice %arg4[%add3A_1210] : memref<320000xi32, #tpu.memory_space<hbm>> -> memref<80xi32, #tpu.memory_space<hbm>>
        %dma_start3A_1221 = tpu.memref_slice %arg4[%add3A_1210] : memref<320000xi32, #tpu.memory_space<hbm>> -> memref<80xi32, #tpu.memory_space<hbm>>
        tpu.enqueue_dma source(%dma_start3A_1221 : memref<80xi32, #tpu.memory_space<hbm>>) target(%arg14 : memref<80xi32, #tpu.memory_space<vmem>>) target_semaphore(%arg31 : memref<!tpu.dma_semaphore, #tpu.memory_space<semaphore_mem>>)
        %add3A_1222 = arith.constant 320000 : i32
        %add3A_1223 = arith.addi %add3A_1222, %add3A_1213 : i32
        %dma_start3A_1224 = tpu.memref_slice %arg3[%add3A_1223] : memref<640000xi32, #tpu.memory_space<hbm>> -> memref<80xi32, #tpu.memory_space<hbm>>
        %dma_start3A_1225 = tpu.memref_slice %arg3[%add3A_1223] : memref<640000xi32, #tpu.memory_space<hbm>> -> memref<80xi32, #tpu.memory_space<hbm>>
        tpu.enqueue_dma source(%dma_start3A_1225 : memref<80xi32, #tpu.memory_space<hbm>>) target(%arg18 : memref<80xi32, #tpu.memory_space<vmem>>) target_semaphore(%arg31 : memref<!tpu.dma_semaphore, #tpu.memory_space<semaphore_mem>>)
        %dma_start3A_1226 = tpu.memref_slice %arg4[%add3A_1213] : memref<320000xi32, #tpu.memory_space<hbm>> -> memref<80xi32, #tpu.memory_space<hbm>>
        %dma_start3A_1227 = tpu.memref_slice %arg4[%add3A_1213] : memref<320000xi32, #tpu.memory_space<hbm>> -> memref<80xi32, #tpu.memory_space<hbm>>
        tpu.enqueue_dma source(%dma_start3A_1227 : memref<80xi32, #tpu.memory_space<hbm>>) target(%arg20 : memref<80xi32, #tpu.memory_space<vmem>>) target_semaphore(%arg31 : memref<!tpu.dma_semaphore, #tpu.memory_space<semaphore_mem>>)
        %dma_wait3A_1228 = tpu.memref_slice %arg3[%add3A_1210] : memref<640000xi32, #tpu.memory_space<hbm>> -> memref<80xi32, #tpu.memory_space<hbm>>
        %dma_wait3A_1229 = tpu.memref_slice %arg3[%add3A_1210] : memref<640000xi32, #tpu.memory_space<hbm>> -> memref<80xi32, #tpu.memory_space<hbm>>
        tpu.wait_dma2 semaphore(%arg31 : memref<!tpu.dma_semaphore, #tpu.memory_space<semaphore_mem>>) src(%dma_wait3A_1229 : memref<80xi32, #tpu.memory_space<hbm>>) dst(%arg10 : memref<80xi32, #tpu.memory_space<vmem>>)
        %dma_wait3A_1230 = tpu.memref_slice %arg3[%add3A_1217] : memref<640000xi32, #tpu.memory_space<hbm>> -> memref<80xi32, #tpu.memory_space<hbm>>
        %dma_wait3A_1231 = tpu.memref_slice %arg3[%add3A_1217] : memref<640000xi32, #tpu.memory_space<hbm>> -> memref<80xi32, #tpu.memory_space<hbm>>
        tpu.wait_dma2 semaphore(%arg31 : memref<!tpu.dma_semaphore, #tpu.memory_space<semaphore_mem>>) src(%dma_wait3A_1231 : memref<80xi32, #tpu.memory_space<hbm>>) dst(%arg12 : memref<80xi32, #tpu.memory_space<vmem>>)
        %dma_wait3A_1232 = tpu.memref_slice %arg4[%add3A_1210] : memref<320000xi32, #tpu.memory_space<hbm>> -> memref<80xi32, #tpu.memory_space<hbm>>
        %dma_wait3A_1233 = tpu.memref_slice %arg4[%add3A_1210] : memref<320000xi32, #tpu.memory_space<hbm>> -> memref<80xi32, #tpu.memory_space<hbm>>
        tpu.wait_dma2 semaphore(%arg31 : memref<!tpu.dma_semaphore, #tpu.memory_space<semaphore_mem>>) src(%dma_wait3A_1233 : memref<80xi32, #tpu.memory_space<hbm>>) dst(%arg14 : memref<80xi32, #tpu.memory_space<vmem>>)
        %dma_wait3A_1234 = tpu.memref_slice %arg3[%add3A_1223] : memref<640000xi32, #tpu.memory_space<hbm>> -> memref<80xi32, #tpu.memory_space<hbm>>
        %dma_wait3A_1235 = tpu.memref_slice %arg3[%add3A_1223] : memref<640000xi32, #tpu.memory_space<hbm>> -> memref<80xi32, #tpu.memory_space<hbm>>
        tpu.wait_dma2 semaphore(%arg31 : memref<!tpu.dma_semaphore, #tpu.memory_space<semaphore_mem>>) src(%dma_wait3A_1235 : memref<80xi32, #tpu.memory_space<hbm>>) dst(%arg18 : memref<80xi32, #tpu.memory_space<vmem>>)
        %dma_wait3A_1236 = tpu.memref_slice %arg4[%add3A_1213] : memref<320000xi32, #tpu.memory_space<hbm>> -> memref<80xi32, #tpu.memory_space<hbm>>
        %dma_wait3A_1237 = tpu.memref_slice %arg4[%add3A_1213] : memref<320000xi32, #tpu.memory_space<hbm>> -> memref<80xi32, #tpu.memory_space<hbm>>
        tpu.wait_dma2 semaphore(%arg31 : memref<!tpu.dma_semaphore, #tpu.memory_space<semaphore_mem>>) src(%dma_wait3A_1237 : memref<80xi32, #tpu.memory_space<hbm>>) dst(%arg20 : memref<80xi32, #tpu.memory_space<vmem>>)
      } else {
      }
      %dma_wait3A_1183 = arith.constant 0 : i32
      %dma_wait3A_1184 = arith.constant 0 : i32
      %dma_wait3A_1185 = tpu.memref_slice %arg2[%dma_wait3A_1183, %dma_wait3A_1184] : memref<10000x128xf32, #tpu.memory_space<hbm>> -> memref<10000x128xf32, #tpu.memory_space<hbm>>
      tpu.wait_indirect_dma semaphore(%arg33 : memref<!tpu.dma_semaphore, #tpu.memory_space<semaphore_mem>>) src(%dma_wait3A_1185 : memref<10000x128xf32, #tpu.memory_space<hbm>>) dst(%arg25 : memref<80x128xf32, #tpu.memory_space<vmem>>)
      %dma_start3A_1186 = arith.constant 0 : i32
      %dma_start3A_1187 = arith.constant 0 : i32
      %dma_start3A_1188 = tpu.memref_slice %arg29[%dma_start3A_1186, %dma_start3A_1187] : memref<10000x128xf32, #tpu.memory_space<vmem_shared>> -> memref<10000x128xf32, #tpu.memory_space<vmem_shared>>
      tpu.enqueue_indirect_dma source(%arg25 : memref<80x128xf32, #tpu.memory_space<vmem>>) target(%dma_start3A_1188 : memref<10000x128xf32, #tpu.memory_space<vmem_shared>>) offsets(%arg13 : memref<80xi32, #tpu.memory_space<vmem>>) semaphore(%arg35 : memref<!tpu.dma_semaphore, #tpu.memory_space<semaphore_mem>>) {add = true}
      %dma_start3A_1189 = arith.constant 0 : i32
      %dma_start3A_1190 = tpu.memref_slice %arg30[%dma_start3A_1189] : memref<320128xf32, #tpu.memory_space<vmem_shared>> -> memref<320128xf32, #tpu.memory_space<vmem_shared>>
      tpu.enqueue_indirect_dma source(%arg28 : memref<80xf32, #tpu.memory_space<vmem>>) target(%dma_start3A_1190 : memref<320128xf32, #tpu.memory_space<vmem_shared>>) offsets(%arg17 : memref<80xi32, #tpu.memory_space<vmem>>) semaphore(%arg35 : memref<!tpu.dma_semaphore, #tpu.memory_space<semaphore_mem>>) {add = true}
      %dma_start3A_1191 = arith.constant 0 : i32
      %dma_start3A_1192 = tpu.memref_slice %arg30[%dma_start3A_1191] : memref<320128xf32, #tpu.memory_space<vmem_shared>> -> memref<320128xf32, #tpu.memory_space<vmem_shared>>
      tpu.enqueue_indirect_dma source(%arg28 : memref<80xf32, #tpu.memory_space<vmem>>) target(%dma_start3A_1192 : memref<320128xf32, #tpu.memory_space<vmem_shared>>) offsets(%arg23 : memref<80xi32, #tpu.memory_space<vmem>>) semaphore(%arg35 : memref<!tpu.dma_semaphore, #tpu.memory_space<semaphore_mem>>) {add = true}
      %lt3A_1193 = arith.constant 61 : i32
      %lt3A_1194 = arith.cmpi slt, %scan3A_622, %lt3A_1193 : i32
      %convert_element_type3A_1195 = arith.extui %lt3A_1194 : i1 to i32
      %cond3A_1196 = arith.constant 0 : i32
      %cond3A_1197 = arith.cmpi ne, %convert_element_type3A_1195, %cond3A_1196 : i32
      scf.if %cond3A_1197 {
        %dma_start3A_1206 = arith.constant 0 : i32
        %dma_start3A_1207 = arith.constant 0 : i32
        %dma_start3A_1208 = tpu.memref_slice %arg2[%dma_start3A_1206, %dma_start3A_1207] : memref<10000x128xf32, #tpu.memory_space<hbm>> -> memref<10000x128xf32, #tpu.memory_space<hbm>>
        tpu.enqueue_indirect_dma source(%dma_start3A_1208 : memref<10000x128xf32, #tpu.memory_space<hbm>>) target(%arg24 : memref<80x128xf32, #tpu.memory_space<vmem>>) offsets(%arg10 : memref<80xi32, #tpu.memory_space<vmem>>) semaphore(%arg32 : memref<!tpu.dma_semaphore, #tpu.memory_space<semaphore_mem>>)
      } else {
      }
      %dma_wait3A_1198 = arith.constant 0 : i32
      %dma_wait3A_1199 = arith.constant 0 : i32
      %dma_wait3A_1200 = tpu.memref_slice %arg29[%dma_wait3A_1198, %dma_wait3A_1199] : memref<10000x128xf32, #tpu.memory_space<vmem_shared>> -> memref<10000x128xf32, #tpu.memory_space<vmem_shared>>
      tpu.wait_indirect_dma semaphore(%arg35 : memref<!tpu.dma_semaphore, #tpu.memory_space<semaphore_mem>>) src(%arg25 : memref<80x128xf32, #tpu.memory_space<vmem>>) dst(%dma_wait3A_1200 : memref<10000x128xf32, #tpu.memory_space<vmem_shared>>)
      %dma_wait3A_1201 = arith.constant 0 : i32
      %dma_wait3A_1202 = tpu.memref_slice %arg30[%dma_wait3A_1201] : memref<320128xf32, #tpu.memory_space<vmem_shared>> -> memref<320128xf32, #tpu.memory_space<vmem_shared>>
      tpu.wait_indirect_dma semaphore(%arg35 : memref<!tpu.dma_semaphore, #tpu.memory_space<semaphore_mem>>) src(%arg28 : memref<80xf32, #tpu.memory_space<vmem>>) dst(%dma_wait3A_1202 : memref<320128xf32, #tpu.memory_space<vmem_shared>>)
      %dma_wait3A_1203 = arith.constant 0 : i32
      %dma_wait3A_1204 = tpu.memref_slice %arg30[%dma_wait3A_1203] : memref<320128xf32, #tpu.memory_space<vmem_shared>> -> memref<320128xf32, #tpu.memory_space<vmem_shared>>
      tpu.wait_indirect_dma semaphore(%arg35 : memref<!tpu.dma_semaphore, #tpu.memory_space<semaphore_mem>>) src(%arg28 : memref<80xf32, #tpu.memory_space<vmem>>) dst(%dma_wait3A_1204 : memref<320128xf32, #tpu.memory_space<vmem_shared>>)
      %scan3A_1205 = arith.constant 0 : i32
      scf.yield %scan3A_1205 : i32
    }
    %scan3A_158 = arith.constant 62 : i32
    %add3A_159 = arith.constant 9920 : i32
    %add3A_160 = arith.addi %mul3A_6, %add3A_159 : i32
    %add3A_161 = arith.constant 9920 : i32
    %add3A_162 = arith.addi %mul3A_12, %add3A_161 : i32
    %dma_start3A_163 = tpu.memref_slice %arg3[%add3A_160] : memref<640000xi32, #tpu.memory_space<hbm>> -> memref<80xi32, #tpu.memory_space<hbm>>
    %dma_start3A_164 = tpu.memref_slice %arg3[%add3A_160] : memref<640000xi32, #tpu.memory_space<hbm>> -> memref<80xi32, #tpu.memory_space<hbm>>
    tpu.enqueue_dma source(%dma_start3A_164 : memref<80xi32, #tpu.memory_space<hbm>>) target(%arg10 : memref<80xi32, #tpu.memory_space<vmem>>) target_semaphore(%arg31 : memref<!tpu.dma_semaphore, #tpu.memory_space<semaphore_mem>>)
    %add3A_165 = arith.constant 320000 : i32
    %add3A_166 = arith.addi %add3A_165, %add3A_160 : i32
    %dma_start3A_167 = tpu.memref_slice %arg3[%add3A_166] : memref<640000xi32, #tpu.memory_space<hbm>> -> memref<80xi32, #tpu.memory_space<hbm>>
    %dma_start3A_168 = tpu.memref_slice %arg3[%add3A_166] : memref<640000xi32, #tpu.memory_space<hbm>> -> memref<80xi32, #tpu.memory_space<hbm>>
    tpu.enqueue_dma source(%dma_start3A_168 : memref<80xi32, #tpu.memory_space<hbm>>) target(%arg12 : memref<80xi32, #tpu.memory_space<vmem>>) target_semaphore(%arg31 : memref<!tpu.dma_semaphore, #tpu.memory_space<semaphore_mem>>)
    %dma_start3A_169 = tpu.memref_slice %arg4[%add3A_160] : memref<320000xi32, #tpu.memory_space<hbm>> -> memref<80xi32, #tpu.memory_space<hbm>>
    %dma_start3A_170 = tpu.memref_slice %arg4[%add3A_160] : memref<320000xi32, #tpu.memory_space<hbm>> -> memref<80xi32, #tpu.memory_space<hbm>>
    tpu.enqueue_dma source(%dma_start3A_170 : memref<80xi32, #tpu.memory_space<hbm>>) target(%arg14 : memref<80xi32, #tpu.memory_space<vmem>>) target_semaphore(%arg31 : memref<!tpu.dma_semaphore, #tpu.memory_space<semaphore_mem>>)
    %add3A_171 = arith.constant 320000 : i32
    %add3A_172 = arith.addi %add3A_171, %add3A_162 : i32
    %dma_start3A_173 = tpu.memref_slice %arg3[%add3A_172] : memref<640000xi32, #tpu.memory_space<hbm>> -> memref<80xi32, #tpu.memory_space<hbm>>
    %dma_start3A_174 = tpu.memref_slice %arg3[%add3A_172] : memref<640000xi32, #tpu.memory_space<hbm>> -> memref<80xi32, #tpu.memory_space<hbm>>
    tpu.enqueue_dma source(%dma_start3A_174 : memref<80xi32, #tpu.memory_space<hbm>>) target(%arg18 : memref<80xi32, #tpu.memory_space<vmem>>) target_semaphore(%arg31 : memref<!tpu.dma_semaphore, #tpu.memory_space<semaphore_mem>>)
    %dma_start3A_175 = tpu.memref_slice %arg4[%add3A_162] : memref<320000xi32, #tpu.memory_space<hbm>> -> memref<80xi32, #tpu.memory_space<hbm>>
    %dma_start3A_176 = tpu.memref_slice %arg4[%add3A_162] : memref<320000xi32, #tpu.memory_space<hbm>> -> memref<80xi32, #tpu.memory_space<hbm>>
    tpu.enqueue_dma source(%dma_start3A_176 : memref<80xi32, #tpu.memory_space<hbm>>) target(%arg20 : memref<80xi32, #tpu.memory_space<vmem>>) target_semaphore(%arg31 : memref<!tpu.dma_semaphore, #tpu.memory_space<semaphore_mem>>)
    %dma_wait3A_177 = tpu.memref_slice %arg3[%add3A_160] : memref<640000xi32, #tpu.memory_space<hbm>> -> memref<80xi32, #tpu.memory_space<hbm>>
    %dma_wait3A_178 = tpu.memref_slice %arg3[%add3A_160] : memref<640000xi32, #tpu.memory_space<hbm>> -> memref<80xi32, #tpu.memory_space<hbm>>
    tpu.wait_dma2 semaphore(%arg31 : memref<!tpu.dma_semaphore, #tpu.memory_space<semaphore_mem>>) src(%dma_wait3A_178 : memref<80xi32, #tpu.memory_space<hbm>>) dst(%arg10 : memref<80xi32, #tpu.memory_space<vmem>>)
    %dma_wait3A_179 = tpu.memref_slice %arg3[%add3A_166] : memref<640000xi32, #tpu.memory_space<hbm>> -> memref<80xi32, #tpu.memory_space<hbm>>
    %dma_wait3A_180 = tpu.memref_slice %arg3[%add3A_166] : memref<640000xi32, #tpu.memory_space<hbm>> -> memref<80xi32, #tpu.memory_space<hbm>>
    tpu.wait_dma2 semaphore(%arg31 : memref<!tpu.dma_semaphore, #tpu.memory_space<semaphore_mem>>) src(%dma_wait3A_180 : memref<80xi32, #tpu.memory_space<hbm>>) dst(%arg12 : memref<80xi32, #tpu.memory_space<vmem>>)
    %dma_wait3A_181 = tpu.memref_slice %arg4[%add3A_160] : memref<320000xi32, #tpu.memory_space<hbm>> -> memref<80xi32, #tpu.memory_space<hbm>>
    %dma_wait3A_182 = tpu.memref_slice %arg4[%add3A_160] : memref<320000xi32, #tpu.memory_space<hbm>> -> memref<80xi32, #tpu.memory_space<hbm>>
    tpu.wait_dma2 semaphore(%arg31 : memref<!tpu.dma_semaphore, #tpu.memory_space<semaphore_mem>>) src(%dma_wait3A_182 : memref<80xi32, #tpu.memory_space<hbm>>) dst(%arg14 : memref<80xi32, #tpu.memory_space<vmem>>)
    %dma_wait3A_183 = tpu.memref_slice %arg3[%add3A_172] : memref<640000xi32, #tpu.memory_space<hbm>> -> memref<80xi32, #tpu.memory_space<hbm>>
    %dma_wait3A_184 = tpu.memref_slice %arg3[%add3A_172] : memref<640000xi32, #tpu.memory_space<hbm>> -> memref<80xi32, #tpu.memory_space<hbm>>
    tpu.wait_dma2 semaphore(%arg31 : memref<!tpu.dma_semaphore, #tpu.memory_space<semaphore_mem>>) src(%dma_wait3A_184 : memref<80xi32, #tpu.memory_space<hbm>>) dst(%arg18 : memref<80xi32, #tpu.memory_space<vmem>>)
    %dma_wait3A_185 = tpu.memref_slice %arg4[%add3A_162] : memref<320000xi32, #tpu.memory_space<hbm>> -> memref<80xi32, #tpu.memory_space<hbm>>
    %dma_wait3A_186 = tpu.memref_slice %arg4[%add3A_162] : memref<320000xi32, #tpu.memory_space<hbm>> -> memref<80xi32, #tpu.memory_space<hbm>>
    tpu.wait_dma2 semaphore(%arg31 : memref<!tpu.dma_semaphore, #tpu.memory_space<semaphore_mem>>) src(%dma_wait3A_186 : memref<80xi32, #tpu.memory_space<hbm>>) dst(%arg20 : memref<80xi32, #tpu.memory_space<vmem>>)
    %get3A = arith.constant 0 : index
    %get3A_187 = tpu.vector_load %arg12[%get3A] {strides = array<i32>} : memref<80xi32, #tpu.memory_space<vmem>>, vector<16xi32>,
    %get3A_188 = vector.shape_cast %get3A_187 : vector<16xi32> to vector<16xi32>
    %sub3A_189 = vector.broadcast %mul3A_1 : i32 to vector<16xi32>
    %sub3A_190 = arith.subi %get3A_188, %sub3A_189 : vector<16xi32>
    %ge3A = arith.constant 0 : i32
    %ge3A_191 = vector.broadcast %ge3A : i32 to vector<16xi32>
    %ge3A_192 = arith.cmpi sge, %sub3A_190, %ge3A_191 : vector<16xi32>
    %lt3A_193 = arith.constant 5000 : i32
    %lt3A_194 = vector.broadcast %lt3A_193 : i32 to vector<16xi32>
    %lt3A_195 = arith.cmpi slt, %sub3A_190, %lt3A_194 : vector<16xi32>
    %and3A = arith.andi %ge3A_192, %lt3A_195 : vector<16xi1>
    %mul3A_196 = arith.constant 64 : i32
    %mul3A_197 = vector.broadcast %mul3A_196 : i32 to vector<16xi32>
    %mul3A_198 = arith.muli %sub3A_190, %mul3A_197 : vector<16xi32>
    %get3A_199 = arith.constant 0 : index
    %get3A_200 = tpu.vector_load %arg14[%get3A_199] {strides = array<i32>} : memref<80xi32, #tpu.memory_space<vmem>>, vector<16xi32>,
    %get3A_201 = vector.shape_cast %get3A_200 : vector<16xi32> to vector<16xi32>
    %add3A_202 = arith.addi %mul3A_198, %get3A_201 : vector<16xi32>
    %broadcast_in_dim3A = vector.broadcast %add3A_0 : i32 to vector<16xi32>
    %select_n3A = arith.select %and3A, %add3A_202, %broadcast_in_dim3A : vector<16xi1>, vector<16xi32>
    %swap3A = arith.constant 0 : index
    %swap3A_203 = tpu.vector_load %arg16[%swap3A] {strides = array<i32>} : memref<80xi32, #tpu.memory_space<vmem>>, vector<16xi32>,
    %swap3A_204 = vector.shape_cast %swap3A_203 : vector<16xi32> to vector<16xi32>
    %swap3A_205 = vector.shape_cast %select_n3A : vector<16xi32> to vector<16xi32>
    tpu.vector_store %arg16[%swap3A], %swap3A_205 {strides = array<i32>} : memref<80xi32, #tpu.memory_space<vmem>>, vector<16xi32>,
    %get3A_206 = arith.constant 16 : index
    %get3A_207 = tpu.vector_load %arg12[%get3A_206] {strides = array<i32>} : memref<80xi32, #tpu.memory_space<vmem>>, vector<16xi32>,
    %get3A_208 = vector.shape_cast %get3A_207 : vector<16xi32> to vector<16xi32>
    %sub3A_209 = vector.broadcast %mul3A_1 : i32 to vector<16xi32>
    %sub3A_210 = arith.subi %get3A_208, %sub3A_209 : vector<16xi32>
    %ge3A_211 = arith.constant 0 : i32
    %ge3A_212 = vector.broadcast %ge3A_211 : i32 to vector<16xi32>
    %ge3A_213 = arith.cmpi sge, %sub3A_210, %ge3A_212 : vector<16xi32>
    %lt3A_214 = arith.constant 5000 : i32
    %lt3A_215 = vector.broadcast %lt3A_214 : i32 to vector<16xi32>
    %lt3A_216 = arith.cmpi slt, %sub3A_210, %lt3A_215 : vector<16xi32>
    %and3A_217 = arith.andi %ge3A_213, %lt3A_216 : vector<16xi1>
    %mul3A_218 = arith.constant 64 : i32
    %mul3A_219 = vector.broadcast %mul3A_218 : i32 to vector<16xi32>
    %mul3A_220 = arith.muli %sub3A_210, %mul3A_219 : vector<16xi32>
    %get3A_221 = arith.constant 16 : index
    %get3A_222 = tpu.vector_load %arg14[%get3A_221] {strides = array<i32>} : memref<80xi32, #tpu.memory_space<vmem>>, vector<16xi32>,
    %get3A_223 = vector.shape_cast %get3A_222 : vector<16xi32> to vector<16xi32>
    %add3A_224 = arith.addi %mul3A_220, %get3A_223 : vector<16xi32>
    %broadcast_in_dim3A_225 = vector.broadcast %add3A_0 : i32 to vector<16xi32>
    %select_n3A_226 = arith.select %and3A_217, %add3A_224, %broadcast_in_dim3A_225 : vector<16xi1>, vector<16xi32>
    %swap3A_227 = arith.constant 16 : index
    %swap3A_228 = tpu.vector_load %arg16[%swap3A_227] {strides = array<i32>} : memref<80xi32, #tpu.memory_space<vmem>>, vector<16xi32>,
    %swap3A_229 = vector.shape_cast %swap3A_228 : vector<16xi32> to vector<16xi32>
    %swap3A_230 = vector.shape_cast %select_n3A_226 : vector<16xi32> to vector<16xi32>
    tpu.vector_store %arg16[%swap3A_227], %swap3A_230 {strides = array<i32>} : memref<80xi32, #tpu.memory_space<vmem>>, vector<16xi32>,
    %get3A_231 = arith.constant 32 : index
    %get3A_232 = tpu.vector_load %arg12[%get3A_231] {strides = array<i32>} : memref<80xi32, #tpu.memory_space<vmem>>, vector<16xi32>,
    %get3A_233 = vector.shape_cast %get3A_232 : vector<16xi32> to vector<16xi32>
    %sub3A_234 = vector.broadcast %mul3A_1 : i32 to vector<16xi32>
    %sub3A_235 = arith.subi %get3A_233, %sub3A_234 : vector<16xi32>
    %ge3A_236 = arith.constant 0 : i32
    %ge3A_237 = vector.broadcast %ge3A_236 : i32 to vector<16xi32>
    %ge3A_238 = arith.cmpi sge, %sub3A_235, %ge3A_237 : vector<16xi32>
    %lt3A_239 = arith.constant 5000 : i32
    %lt3A_240 = vector.broadcast %lt3A_239 : i32 to vector<16xi32>
    %lt3A_241 = arith.cmpi slt, %sub3A_235, %lt3A_240 : vector<16xi32>
    %and3A_242 = arith.andi %ge3A_238, %lt3A_241 : vector<16xi1>
    %mul3A_243 = arith.constant 64 : i32
    %mul3A_244 = vector.broadcast %mul3A_243 : i32 to vector<16xi32>
    %mul3A_245 = arith.muli %sub3A_235, %mul3A_244 : vector<16xi32>
    %get3A_246 = arith.constant 32 : index
    %get3A_247 = tpu.vector_load %arg14[%get3A_246] {strides = array<i32>} : memref<80xi32, #tpu.memory_space<vmem>>, vector<16xi32>,
    %get3A_248 = vector.shape_cast %get3A_247 : vector<16xi32> to vector<16xi32>
    %add3A_249 = arith.addi %mul3A_245, %get3A_248 : vector<16xi32>
    %broadcast_in_dim3A_250 = vector.broadcast %add3A_0 : i32 to vector<16xi32>
    %select_n3A_251 = arith.select %and3A_242, %add3A_249, %broadcast_in_dim3A_250 : vector<16xi1>, vector<16xi32>
    %swap3A_252 = arith.constant 32 : index
    %swap3A_253 = tpu.vector_load %arg16[%swap3A_252] {strides = array<i32>} : memref<80xi32, #tpu.memory_space<vmem>>, vector<16xi32>,
    %swap3A_254 = vector.shape_cast %swap3A_253 : vector<16xi32> to vector<16xi32>
    %swap3A_255 = vector.shape_cast %select_n3A_251 : vector<16xi32> to vector<16xi32>
    tpu.vector_store %arg16[%swap3A_252], %swap3A_255 {strides = array<i32>} : memref<80xi32, #tpu.memory_space<vmem>>, vector<16xi32>,
    %get3A_256 = arith.constant 48 : index
    %get3A_257 = tpu.vector_load %arg12[%get3A_256] {strides = array<i32>} : memref<80xi32, #tpu.memory_space<vmem>>, vector<16xi32>,
    %get3A_258 = vector.shape_cast %get3A_257 : vector<16xi32> to vector<16xi32>
    %sub3A_259 = vector.broadcast %mul3A_1 : i32 to vector<16xi32>
    %sub3A_260 = arith.subi %get3A_258, %sub3A_259 : vector<16xi32>
    %ge3A_261 = arith.constant 0 : i32
    %ge3A_262 = vector.broadcast %ge3A_261 : i32 to vector<16xi32>
    %ge3A_263 = arith.cmpi sge, %sub3A_260, %ge3A_262 : vector<16xi32>
    %lt3A_264 = arith.constant 5000 : i32
    %lt3A_265 = vector.broadcast %lt3A_264 : i32 to vector<16xi32>
    %lt3A_266 = arith.cmpi slt, %sub3A_260, %lt3A_265 : vector<16xi32>
    %and3A_267 = arith.andi %ge3A_263, %lt3A_266 : vector<16xi1>
    %mul3A_268 = arith.constant 64 : i32
    %mul3A_269 = vector.broadcast %mul3A_268 : i32 to vector<16xi32>
    %mul3A_270 = arith.muli %sub3A_260, %mul3A_269 : vector<16xi32>
    %get3A_271 = arith.constant 48 : index
    %get3A_272 = tpu.vector_load %arg14[%get3A_271] {strides = array<i32>} : memref<80xi32, #tpu.memory_space<vmem>>, vector<16xi32>,
    %get3A_273 = vector.shape_cast %get3A_272 : vector<16xi32> to vector<16xi32>
    %add3A_274 = arith.addi %mul3A_270, %get3A_273 : vector<16xi32>
    %broadcast_in_dim3A_275 = vector.broadcast %add3A_0 : i32 to vector<16xi32>
    %select_n3A_276 = arith.select %and3A_267, %add3A_274, %broadcast_in_dim3A_275 : vector<16xi1>, vector<16xi32>
    %swap3A_277 = arith.constant 48 : index
    %swap3A_278 = tpu.vector_load %arg16[%swap3A_277] {strides = array<i32>} : memref<80xi32, #tpu.memory_space<vmem>>, vector<16xi32>,
    %swap3A_279 = vector.shape_cast %swap3A_278 : vector<16xi32> to vector<16xi32>
    %swap3A_280 = vector.shape_cast %select_n3A_276 : vector<16xi32> to vector<16xi32>
    tpu.vector_store %arg16[%swap3A_277], %swap3A_280 {strides = array<i32>} : memref<80xi32, #tpu.memory_space<vmem>>, vector<16xi32>,
    %get3A_281 = arith.constant 64 : index
    %get3A_282 = tpu.vector_load %arg12[%get3A_281] {strides = array<i32>} : memref<80xi32, #tpu.memory_space<vmem>>, vector<16xi32>,
    %get3A_283 = vector.shape_cast %get3A_282 : vector<16xi32> to vector<16xi32>
    %sub3A_284 = vector.broadcast %mul3A_1 : i32 to vector<16xi32>
    %sub3A_285 = arith.subi %get3A_283, %sub3A_284 : vector<16xi32>
    %ge3A_286 = arith.constant 0 : i32
    %ge3A_287 = vector.broadcast %ge3A_286 : i32 to vector<16xi32>
    %ge3A_288 = arith.cmpi sge, %sub3A_285, %ge3A_287 : vector<16xi32>
    %lt3A_289 = arith.constant 5000 : i32
    %lt3A_290 = vector.broadcast %lt3A_289 : i32 to vector<16xi32>
    %lt3A_291 = arith.cmpi slt, %sub3A_285, %lt3A_290 : vector<16xi32>
    %and3A_292 = arith.andi %ge3A_288, %lt3A_291 : vector<16xi1>
    %mul3A_293 = arith.constant 64 : i32
    %mul3A_294 = vector.broadcast %mul3A_293 : i32 to vector<16xi32>
    %mul3A_295 = arith.muli %sub3A_285, %mul3A_294 : vector<16xi32>
    %get3A_296 = arith.constant 64 : index
    %get3A_297 = tpu.vector_load %arg14[%get3A_296] {strides = array<i32>} : memref<80xi32, #tpu.memory_space<vmem>>, vector<16xi32>,
    %get3A_298 = vector.shape_cast %get3A_297 : vector<16xi32> to vector<16xi32>
    %add3A_299 = arith.addi %mul3A_295, %get3A_298 : vector<16xi32>
    %broadcast_in_dim3A_300 = vector.broadcast %add3A_0 : i32 to vector<16xi32>
    %select_n3A_301 = arith.select %and3A_292, %add3A_299, %broadcast_in_dim3A_300 : vector<16xi1>, vector<16xi32>
    %swap3A_302 = arith.constant 64 : index
    %swap3A_303 = tpu.vector_load %arg16[%swap3A_302] {strides = array<i32>} : memref<80xi32, #tpu.memory_space<vmem>>, vector<16xi32>,
    %swap3A_304 = vector.shape_cast %swap3A_303 : vector<16xi32> to vector<16xi32>
    %swap3A_305 = vector.shape_cast %select_n3A_301 : vector<16xi32> to vector<16xi32>
    tpu.vector_store %arg16[%swap3A_302], %swap3A_305 {strides = array<i32>} : memref<80xi32, #tpu.memory_space<vmem>>, vector<16xi32>,
    %get3A_306 = arith.constant 0 : index
    %get3A_307 = tpu.vector_load %arg18[%get3A_306] {strides = array<i32>} : memref<80xi32, #tpu.memory_space<vmem>>, vector<16xi32>,
    %get3A_308 = vector.shape_cast %get3A_307 : vector<16xi32> to vector<16xi32>
    %sub3A_309 = vector.broadcast %mul3A_1 : i32 to vector<16xi32>
    %sub3A_310 = arith.subi %get3A_308, %sub3A_309 : vector<16xi32>
    %ge3A_311 = arith.constant 0 : i32
    %ge3A_312 = vector.broadcast %ge3A_311 : i32 to vector<16xi32>
    %ge3A_313 = arith.cmpi sge, %sub3A_310, %ge3A_312 : vector<16xi32>
    %lt3A_314 = arith.constant 5000 : i32
    %lt3A_315 = vector.broadcast %lt3A_314 : i32 to vector<16xi32>
    %lt3A_316 = arith.cmpi slt, %sub3A_310, %lt3A_315 : vector<16xi32>
    %and3A_317 = arith.andi %ge3A_313, %lt3A_316 : vector<16xi1>
    %mul3A_318 = arith.constant 64 : i32
    %mul3A_319 = vector.broadcast %mul3A_318 : i32 to vector<16xi32>
    %mul3A_320 = arith.muli %sub3A_310, %mul3A_319 : vector<16xi32>
    %get3A_321 = arith.constant 0 : index
    %get3A_322 = tpu.vector_load %arg20[%get3A_321] {strides = array<i32>} : memref<80xi32, #tpu.memory_space<vmem>>, vector<16xi32>,
    %get3A_323 = vector.shape_cast %get3A_322 : vector<16xi32> to vector<16xi32>
    %add3A_324 = arith.addi %mul3A_320, %get3A_323 : vector<16xi32>
    %broadcast_in_dim3A_325 = vector.broadcast %add3A_0 : i32 to vector<16xi32>
    %select_n3A_326 = arith.select %and3A_317, %add3A_324, %broadcast_in_dim3A_325 : vector<16xi1>, vector<16xi32>
    %swap3A_327 = arith.constant 0 : index
    %swap3A_328 = tpu.vector_load %arg22[%swap3A_327] {strides = array<i32>} : memref<80xi32, #tpu.memory_space<vmem>>, vector<16xi32>,
    %swap3A_329 = vector.shape_cast %swap3A_328 : vector<16xi32> to vector<16xi32>
    %swap3A_330 = vector.shape_cast %select_n3A_326 : vector<16xi32> to vector<16xi32>
    tpu.vector_store %arg22[%swap3A_327], %swap3A_330 {strides = array<i32>} : memref<80xi32, #tpu.memory_space<vmem>>, vector<16xi32>,
    %get3A_331 = arith.constant 16 : index
    %get3A_332 = tpu.vector_load %arg18[%get3A_331] {strides = array<i32>} : memref<80xi32, #tpu.memory_space<vmem>>, vector<16xi32>,
    %get3A_333 = vector.shape_cast %get3A_332 : vector<16xi32> to vector<16xi32>
    %sub3A_334 = vector.broadcast %mul3A_1 : i32 to vector<16xi32>
    %sub3A_335 = arith.subi %get3A_333, %sub3A_334 : vector<16xi32>
    %ge3A_336 = arith.constant 0 : i32
    %ge3A_337 = vector.broadcast %ge3A_336 : i32 to vector<16xi32>
    %ge3A_338 = arith.cmpi sge, %sub3A_335, %ge3A_337 : vector<16xi32>
    %lt3A_339 = arith.constant 5000 : i32
    %lt3A_340 = vector.broadcast %lt3A_339 : i32 to vector<16xi32>
    %lt3A_341 = arith.cmpi slt, %sub3A_335, %lt3A_340 : vector<16xi32>
    %and3A_342 = arith.andi %ge3A_338, %lt3A_341 : vector<16xi1>
    %mul3A_343 = arith.constant 64 : i32
    %mul3A_344 = vector.broadcast %mul3A_343 : i32 to vector<16xi32>
    %mul3A_345 = arith.muli %sub3A_335, %mul3A_344 : vector<16xi32>
    %get3A_346 = arith.constant 16 : index
    %get3A_347 = tpu.vector_load %arg20[%get3A_346] {strides = array<i32>} : memref<80xi32, #tpu.memory_space<vmem>>, vector<16xi32>,
    %get3A_348 = vector.shape_cast %get3A_347 : vector<16xi32> to vector<16xi32>
    %add3A_349 = arith.addi %mul3A_345, %get3A_348 : vector<16xi32>
    %broadcast_in_dim3A_350 = vector.broadcast %add3A_0 : i32 to vector<16xi32>
    %select_n3A_351 = arith.select %and3A_342, %add3A_349, %broadcast_in_dim3A_350 : vector<16xi1>, vector<16xi32>
    %swap3A_352 = arith.constant 16 : index
    %swap3A_353 = tpu.vector_load %arg22[%swap3A_352] {strides = array<i32>} : memref<80xi32, #tpu.memory_space<vmem>>, vector<16xi32>,
    %swap3A_354 = vector.shape_cast %swap3A_353 : vector<16xi32> to vector<16xi32>
    %swap3A_355 = vector.shape_cast %select_n3A_351 : vector<16xi32> to vector<16xi32>
    tpu.vector_store %arg22[%swap3A_352], %swap3A_355 {strides = array<i32>} : memref<80xi32, #tpu.memory_space<vmem>>, vector<16xi32>,
    %get3A_356 = arith.constant 32 : index
    %get3A_357 = tpu.vector_load %arg18[%get3A_356] {strides = array<i32>} : memref<80xi32, #tpu.memory_space<vmem>>, vector<16xi32>,
    %get3A_358 = vector.shape_cast %get3A_357 : vector<16xi32> to vector<16xi32>
    %sub3A_359 = vector.broadcast %mul3A_1 : i32 to vector<16xi32>
    %sub3A_360 = arith.subi %get3A_358, %sub3A_359 : vector<16xi32>
    %ge3A_361 = arith.constant 0 : i32
    %ge3A_362 = vector.broadcast %ge3A_361 : i32 to vector<16xi32>
    %ge3A_363 = arith.cmpi sge, %sub3A_360, %ge3A_362 : vector<16xi32>
    %lt3A_364 = arith.constant 5000 : i32
    %lt3A_365 = vector.broadcast %lt3A_364 : i32 to vector<16xi32>
    %lt3A_366 = arith.cmpi slt, %sub3A_360, %lt3A_365 : vector<16xi32>
    %and3A_367 = arith.andi %ge3A_363, %lt3A_366 : vector<16xi1>
    %mul3A_368 = arith.constant 64 : i32
    %mul3A_369 = vector.broadcast %mul3A_368 : i32 to vector<16xi32>
    %mul3A_370 = arith.muli %sub3A_360, %mul3A_369 : vector<16xi32>
    %get3A_371 = arith.constant 32 : index
    %get3A_372 = tpu.vector_load %arg20[%get3A_371] {strides = array<i32>} : memref<80xi32, #tpu.memory_space<vmem>>, vector<16xi32>,
    %get3A_373 = vector.shape_cast %get3A_372 : vector<16xi32> to vector<16xi32>
    %add3A_374 = arith.addi %mul3A_370, %get3A_373 : vector<16xi32>
    %broadcast_in_dim3A_375 = vector.broadcast %add3A_0 : i32 to vector<16xi32>
    %select_n3A_376 = arith.select %and3A_367, %add3A_374, %broadcast_in_dim3A_375 : vector<16xi1>, vector<16xi32>
    %swap3A_377 = arith.constant 32 : index
    %swap3A_378 = tpu.vector_load %arg22[%swap3A_377] {strides = array<i32>} : memref<80xi32, #tpu.memory_space<vmem>>, vector<16xi32>,
    %swap3A_379 = vector.shape_cast %swap3A_378 : vector<16xi32> to vector<16xi32>
    %swap3A_380 = vector.shape_cast %select_n3A_376 : vector<16xi32> to vector<16xi32>
    tpu.vector_store %arg22[%swap3A_377], %swap3A_380 {strides = array<i32>} : memref<80xi32, #tpu.memory_space<vmem>>, vector<16xi32>,
    %get3A_381 = arith.constant 48 : index
    %get3A_382 = tpu.vector_load %arg18[%get3A_381] {strides = array<i32>} : memref<80xi32, #tpu.memory_space<vmem>>, vector<16xi32>,
    %get3A_383 = vector.shape_cast %get3A_382 : vector<16xi32> to vector<16xi32>
    %sub3A_384 = vector.broadcast %mul3A_1 : i32 to vector<16xi32>
    %sub3A_385 = arith.subi %get3A_383, %sub3A_384 : vector<16xi32>
    %ge3A_386 = arith.constant 0 : i32
    %ge3A_387 = vector.broadcast %ge3A_386 : i32 to vector<16xi32>
    %ge3A_388 = arith.cmpi sge, %sub3A_385, %ge3A_387 : vector<16xi32>
    %lt3A_389 = arith.constant 5000 : i32
    %lt3A_390 = vector.broadcast %lt3A_389 : i32 to vector<16xi32>
    %lt3A_391 = arith.cmpi slt, %sub3A_385, %lt3A_390 : vector<16xi32>
    %and3A_392 = arith.andi %ge3A_388, %lt3A_391 : vector<16xi1>
    %mul3A_393 = arith.constant 64 : i32
    %mul3A_394 = vector.broadcast %mul3A_393 : i32 to vector<16xi32>
    %mul3A_395 = arith.muli %sub3A_385, %mul3A_394 : vector<16xi32>
    %get3A_396 = arith.constant 48 : index
    %get3A_397 = tpu.vector_load %arg20[%get3A_396] {strides = array<i32>} : memref<80xi32, #tpu.memory_space<vmem>>, vector<16xi32>,
    %get3A_398 = vector.shape_cast %get3A_397 : vector<16xi32> to vector<16xi32>
    %add3A_399 = arith.addi %mul3A_395, %get3A_398 : vector<16xi32>
    %broadcast_in_dim3A_400 = vector.broadcast %add3A_0 : i32 to vector<16xi32>
    %select_n3A_401 = arith.select %and3A_392, %add3A_399, %broadcast_in_dim3A_400 : vector<16xi1>, vector<16xi32>
    %swap3A_402 = arith.constant 48 : index
    %swap3A_403 = tpu.vector_load %arg22[%swap3A_402] {strides = array<i32>} : memref<80xi32, #tpu.memory_space<vmem>>, vector<16xi32>,
    %swap3A_404 = vector.shape_cast %swap3A_403 : vector<16xi32> to vector<16xi32>
    %swap3A_405 = vector.shape_cast %select_n3A_401 : vector<16xi32> to vector<16xi32>
    tpu.vector_store %arg22[%swap3A_402], %swap3A_405 {strides = array<i32>} : memref<80xi32, #tpu.memory_space<vmem>>, vector<16xi32>,
    %get3A_406 = arith.constant 64 : index
    %get3A_407 = tpu.vector_load %arg18[%get3A_406] {strides = array<i32>} : memref<80xi32, #tpu.memory_space<vmem>>, vector<16xi32>,
    %get3A_408 = vector.shape_cast %get3A_407 : vector<16xi32> to vector<16xi32>
    %sub3A_409 = vector.broadcast %mul3A_1 : i32 to vector<16xi32>
    %sub3A_410 = arith.subi %get3A_408, %sub3A_409 : vector<16xi32>
    %ge3A_411 = arith.constant 0 : i32
    %ge3A_412 = vector.broadcast %ge3A_411 : i32 to vector<16xi32>
    %ge3A_413 = arith.cmpi sge, %sub3A_410, %ge3A_412 : vector<16xi32>
    %lt3A_414 = arith.constant 5000 : i32
    %lt3A_415 = vector.broadcast %lt3A_414 : i32 to vector<16xi32>
    %lt3A_416 = arith.cmpi slt, %sub3A_410, %lt3A_415 : vector<16xi32>
    %and3A_417 = arith.andi %ge3A_413, %lt3A_416 : vector<16xi1>
    %mul3A_418 = arith.constant 64 : i32
    %mul3A_419 = vector.broadcast %mul3A_418 : i32 to vector<16xi32>
    %mul3A_420 = arith.muli %sub3A_410, %mul3A_419 : vector<16xi32>
    %get3A_421 = arith.constant 64 : index
    %get3A_422 = tpu.vector_load %arg20[%get3A_421] {strides = array<i32>} : memref<80xi32, #tpu.memory_space<vmem>>, vector<16xi32>,
    %get3A_423 = vector.shape_cast %get3A_422 : vector<16xi32> to vector<16xi32>
    %add3A_424 = arith.addi %mul3A_420, %get3A_423 : vector<16xi32>
    %broadcast_in_dim3A_425 = vector.broadcast %add3A_0 : i32 to vector<16xi32>
    %select_n3A_426 = arith.select %and3A_417, %add3A_424, %broadcast_in_dim3A_425 : vector<16xi1>, vector<16xi32>
    %swap3A_427 = arith.constant 64 : index
    %swap3A_428 = tpu.vector_load %arg22[%swap3A_427] {strides = array<i32>} : memref<80xi32, #tpu.memory_space<vmem>>, vector<16xi32>,
    %swap3A_429 = vector.shape_cast %swap3A_428 : vector<16xi32> to vector<16xi32>
    %swap3A_430 = vector.shape_cast %select_n3A_426 : vector<16xi32> to vector<16xi32>
    tpu.vector_store %arg22[%swap3A_427], %swap3A_430 {strides = array<i32>} : memref<80xi32, #tpu.memory_space<vmem>>, vector<16xi32>,
    %dma_start3A_431 = arith.constant 0 : i32
    %dma_start3A_432 = arith.constant 0 : i32
    %dma_start3A_433 = tpu.memref_slice %arg2[%dma_start3A_431, %dma_start3A_432] : memref<10000x128xf32, #tpu.memory_space<hbm>> -> memref<10000x128xf32, #tpu.memory_space<hbm>>
    tpu.enqueue_indirect_dma source(%dma_start3A_433 : memref<10000x128xf32, #tpu.memory_space<hbm>>) target(%arg24 : memref<80x128xf32, #tpu.memory_space<vmem>>) offsets(%arg10 : memref<80xi32, #tpu.memory_space<vmem>>) semaphore(%arg32 : memref<!tpu.dma_semaphore, #tpu.memory_space<semaphore_mem>>)
    %dma_wait3A_434 = arith.constant 0 : i32
    %dma_wait3A_435 = arith.constant 0 : i32
    %dma_wait3A_436 = tpu.memref_slice %arg2[%dma_wait3A_434, %dma_wait3A_435] : memref<10000x128xf32, #tpu.memory_space<hbm>> -> memref<10000x128xf32, #tpu.memory_space<hbm>>
    tpu.wait_indirect_dma semaphore(%arg32 : memref<!tpu.dma_semaphore, #tpu.memory_space<semaphore_mem>>) src(%dma_wait3A_436 : memref<10000x128xf32, #tpu.memory_space<hbm>>) dst(%arg24 : memref<80x128xf32, #tpu.memory_space<vmem>>)
    %dma_start3A_437 = arith.constant 0 : i32
    %dma_start3A_438 = arith.constant 0 : i32
    %dma_start3A_439 = tpu.memref_slice %arg29[%dma_start3A_437, %dma_start3A_438] : memref<10000x128xf32, #tpu.memory_space<vmem_shared>> -> memref<10000x128xf32, #tpu.memory_space<vmem_shared>>
    tpu.enqueue_indirect_dma source(%arg24 : memref<80x128xf32, #tpu.memory_space<vmem>>) target(%dma_start3A_439 : memref<10000x128xf32, #tpu.memory_space<vmem_shared>>) offsets(%arg12 : memref<80xi32, #tpu.memory_space<vmem>>) semaphore(%arg34 : memref<!tpu.dma_semaphore, #tpu.memory_space<semaphore_mem>>) {add = true}
    %dma_start3A_440 = arith.constant 0 : i32
    %dma_start3A_441 = tpu.memref_slice %arg30[%dma_start3A_440] : memref<320128xf32, #tpu.memory_space<vmem_shared>> -> memref<320128xf32, #tpu.memory_space<vmem_shared>>
    tpu.enqueue_indirect_dma source(%arg28 : memref<80xf32, #tpu.memory_space<vmem>>) target(%dma_start3A_441 : memref<320128xf32, #tpu.memory_space<vmem_shared>>) offsets(%arg16 : memref<80xi32, #tpu.memory_space<vmem>>) semaphore(%arg34 : memref<!tpu.dma_semaphore, #tpu.memory_space<semaphore_mem>>) {add = true}
    %dma_start3A_442 = arith.constant 0 : i32
    %dma_start3A_443 = tpu.memref_slice %arg30[%dma_start3A_442] : memref<320128xf32, #tpu.memory_space<vmem_shared>> -> memref<320128xf32, #tpu.memory_space<vmem_shared>>
    tpu.enqueue_indirect_dma source(%arg28 : memref<80xf32, #tpu.memory_space<vmem>>) target(%dma_start3A_443 : memref<320128xf32, #tpu.memory_space<vmem_shared>>) offsets(%arg22 : memref<80xi32, #tpu.memory_space<vmem>>) semaphore(%arg34 : memref<!tpu.dma_semaphore, #tpu.memory_space<semaphore_mem>>) {add = true}
    %dma_wait3A_444 = arith.constant 0 : i32
    %dma_wait3A_445 = arith.constant 0 : i32
    %dma_wait3A_446 = tpu.memref_slice %arg29[%dma_wait3A_444, %dma_wait3A_445] : memref<10000x128xf32, #tpu.memory_space<vmem_shared>> -> memref<10000x128xf32, #tpu.memory_space<vmem_shared>>
    tpu.wait_indirect_dma semaphore(%arg34 : memref<!tpu.dma_semaphore, #tpu.memory_space<semaphore_mem>>) src(%arg24 : memref<80x128xf32, #tpu.memory_space<vmem>>) dst(%dma_wait3A_446 : memref<10000x128xf32, #tpu.memory_space<vmem_shared>>)
    %dma_wait3A_447 = arith.constant 0 : i32
    %dma_wait3A_448 = tpu.memref_slice %arg30[%dma_wait3A_447] : memref<320128xf32, #tpu.memory_space<vmem_shared>> -> memref<320128xf32, #tpu.memory_space<vmem_shared>>
    tpu.wait_indirect_dma semaphore(%arg34 : memref<!tpu.dma_semaphore, #tpu.memory_space<semaphore_mem>>) src(%arg28 : memref<80xf32, #tpu.memory_space<vmem>>) dst(%dma_wait3A_448 : memref<320128xf32, #tpu.memory_space<vmem_shared>>)
    %dma_wait3A_449 = arith.constant 0 : i32
    %dma_wait3A_450 = tpu.memref_slice %arg30[%dma_wait3A_449] : memref<320128xf32, #tpu.memory_space<vmem_shared>> -> memref<320128xf32, #tpu.memory_space<vmem_shared>>
    tpu.wait_indirect_dma semaphore(%arg34 : memref<!tpu.dma_semaphore, #tpu.memory_space<semaphore_mem>>) src(%arg28 : memref<80xf32, #tpu.memory_space<vmem>>) dst(%dma_wait3A_450 : memref<320128xf32, #tpu.memory_space<vmem_shared>>)
    %barrier3A_451 = arith.constant 0 : index
    tpu.barrier barrier_id(%barrier3A_451)
    %lt3A_452 = arith.constant 15 : i32
    %lt3A_453 = arith.cmpi slt, %arg1, %lt3A_452 : i32
    %convert_element_type3A_454 = arith.extui %lt3A_453 : i1 to i32
    %cond3A_455 = arith.constant 0 : i32
    %cond3A_456 = arith.cmpi ne, %convert_element_type3A_454, %cond3A_455 : i32
    scf.if %cond3A_456 {
      %mul3A_622 = arith.constant 624 : i32
      %mul3A_623 = arith.muli %arg1, %mul3A_622 : i32
      %mul3A_624 = arith.constant 624 : i32
      %mul3A_625 = arith.muli %arg1, %mul3A_624 : i32
      %dma_start3A_626 = arith.constant 0 : i32
      %dma_start3A_627 = tpu.memref_slice %arg8[%arg0, %mul3A_625, %dma_start3A_626] : memref<2x10000x128xf32, #tpu.memory_space<hbm>> -> memref<1x624x128xf32, #tpu.memory_space<hbm>>
      %dma_start3A_628 = tpu.memref_squeeze %dma_start3A_627 : memref<1x624x128xf32, #tpu.memory_space<hbm>> -> memref<624x128xf32, #tpu.memory_space<hbm>>
      %dma_start3A_629 = arith.constant 0 : i32
      %dma_start3A_630 = tpu.memref_slice %arg29[%mul3A_623, %dma_start3A_629] : memref<10000x128xf32, #tpu.memory_space<vmem_shared>> -> memref<624x128xf32, #tpu.memory_space<vmem_shared>>
      tpu.enqueue_dma source(%dma_start3A_630 : memref<624x128xf32, #tpu.memory_space<vmem_shared>>) target(%dma_start3A_628 : memref<624x128xf32, #tpu.memory_space<hbm>>) target_semaphore(%arg32 : memref<!tpu.dma_semaphore, #tpu.memory_space<semaphore_mem>>)
    } else {
    }
    %eq3A_457 = arith.constant 15 : i32
    %eq3A_458 = arith.cmpi eq, %arg1, %eq3A_457 : i32
    %convert_element_type3A_459 = arith.extui %eq3A_458 : i1 to i32
    %cond3A_460 = arith.constant 0 : i32
    %cond3A_461 = arith.cmpi ne, %convert_element_type3A_459, %cond3A_460 : i32
    scf.if %cond3A_461 {
      %dma_start3A_622 = arith.constant 9360 : i32
      %dma_start3A_623 = arith.constant 0 : i32
      %dma_start3A_624 = tpu.memref_slice %arg8[%arg0, %dma_start3A_622, %dma_start3A_623] : memref<2x10000x128xf32, #tpu.memory_space<hbm>> -> memref<1x640x128xf32, #tpu.memory_space<hbm>>
      %dma_start3A_625 = tpu.memref_squeeze %dma_start3A_624 : memref<1x640x128xf32, #tpu.memory_space<hbm>> -> memref<640x128xf32, #tpu.memory_space<hbm>>
      %dma_start3A_626 = arith.constant 9360 : i32
      %dma_start3A_627 = arith.constant 0 : i32
      %dma_start3A_628 = tpu.memref_slice %arg29[%dma_start3A_626, %dma_start3A_627] : memref<10000x128xf32, #tpu.memory_space<vmem_shared>> -> memref<640x128xf32, #tpu.memory_space<vmem_shared>>
      tpu.enqueue_dma source(%dma_start3A_628 : memref<640x128xf32, #tpu.memory_space<vmem_shared>>) target(%dma_start3A_625 : memref<640x128xf32, #tpu.memory_space<hbm>>) target_semaphore(%arg32 : memref<!tpu.dma_semaphore, #tpu.memory_space<semaphore_mem>>)
    } else {
    }
    %mul3A_462 = arith.constant 20000 : i32
    %mul3A_463 = arith.muli %arg1, %mul3A_462 : i32
    %add3A_464 = arith.constant 0 : i32
    %add3A_465 = arith.addi %mul3A_463, %add3A_464 : i32
    "tpu.region"() ({
      %run_scoped3A = tpu.sem_alloc : memref<!tpu.dma_semaphore, #tpu.memory_space<semaphore_mem>>
      %dma_start3A_622 = tpu.memref_slice %arg30[%add3A_465] : memref<320128xf32, #tpu.memory_space<vmem_shared>> -> memref<2000xf32, #tpu.memory_space<vmem_shared>>
      %dma_start3A_623 = tpu.memref_slice %arg30[%add3A_465] : memref<320128xf32, #tpu.memory_space<vmem_shared>> -> memref<2000xf32, #tpu.memory_space<vmem_shared>>
      tpu.enqueue_dma source(%dma_start3A_623 : memref<2000xf32, #tpu.memory_space<vmem_shared>>) target(%arg26 : memref<2000xf32, #tpu.memory_space<vmem>>) target_semaphore(%run_scoped3A : memref<!tpu.dma_semaphore, #tpu.memory_space<semaphore_mem>>)
      %dma_wait3A_624 = tpu.memref_slice %arg30[%add3A_465] : memref<320128xf32, #tpu.memory_space<vmem_shared>> -> memref<2000xf32, #tpu.memory_space<vmem_shared>>
      %dma_wait3A_625 = tpu.memref_slice %arg30[%add3A_465] : memref<320128xf32, #tpu.memory_space<vmem_shared>> -> memref<2000xf32, #tpu.memory_space<vmem_shared>>
      tpu.wait_dma2 semaphore(%run_scoped3A : memref<!tpu.dma_semaphore, #tpu.memory_space<semaphore_mem>>) src(%dma_wait3A_625 : memref<2000xf32, #tpu.memory_space<vmem_shared>>) dst(%arg26 : memref<2000xf32, #tpu.memory_space<vmem>>)
      tpu.yield
    }) : () -> ()
    %mul3A_466 = arith.constant 320000 : i32
    %mul3A_467 = arith.muli %arg0, %mul3A_466 : i32
    %mul3A_468 = arith.constant 20000 : i32
    %mul3A_469 = arith.muli %arg1, %mul3A_468 : i32
    %add3A_470 = arith.addi %mul3A_467, %mul3A_469 : i32
    %add3A_471 = arith.constant 0 : i32
    %add3A_472 = arith.addi %add3A_470, %add3A_471 : i32
    %dma_start3A_473 = tpu.memref_slice %arg9[%add3A_472] : memref<640000xf32, #tpu.memory_space<hbm>> -> memref<2000xf32, #tpu.memory_space<hbm>>
    %dma_start3A_474 = tpu.memref_slice %arg9[%add3A_472] : memref<640000xf32, #tpu.memory_space<hbm>> -> memref<2000xf32, #tpu.memory_space<hbm>>
    tpu.enqueue_dma source(%arg26 : memref<2000xf32, #tpu.memory_space<vmem>>) target(%dma_start3A_474 : memref<2000xf32, #tpu.memory_space<hbm>>) target_semaphore(%arg33 : memref<!tpu.dma_semaphore, #tpu.memory_space<semaphore_mem>>)
    %mul3A_475 = arith.constant 20000 : i32
    %mul3A_476 = arith.muli %arg1, %mul3A_475 : i32
    %add3A_477 = arith.constant 2000 : i32
    %add3A_478 = arith.addi %mul3A_476, %add3A_477 : i32
    "tpu.region"() ({
      %run_scoped3A = tpu.sem_alloc : memref<!tpu.dma_semaphore, #tpu.memory_space<semaphore_mem>>
      %dma_start3A_622 = tpu.memref_slice %arg30[%add3A_478] : memref<320128xf32, #tpu.memory_space<vmem_shared>> -> memref<2000xf32, #tpu.memory_space<vmem_shared>>
      %dma_start3A_623 = tpu.memref_slice %arg30[%add3A_478] : memref<320128xf32, #tpu.memory_space<vmem_shared>> -> memref<2000xf32, #tpu.memory_space<vmem_shared>>
      tpu.enqueue_dma source(%dma_start3A_623 : memref<2000xf32, #tpu.memory_space<vmem_shared>>) target(%arg27 : memref<2000xf32, #tpu.memory_space<vmem>>) target_semaphore(%run_scoped3A : memref<!tpu.dma_semaphore, #tpu.memory_space<semaphore_mem>>)
      %dma_wait3A_624 = tpu.memref_slice %arg30[%add3A_478] : memref<320128xf32, #tpu.memory_space<vmem_shared>> -> memref<2000xf32, #tpu.memory_space<vmem_shared>>
      %dma_wait3A_625 = tpu.memref_slice %arg30[%add3A_478] : memref<320128xf32, #tpu.memory_space<vmem_shared>> -> memref<2000xf32, #tpu.memory_space<vmem_shared>>
      tpu.wait_dma2 semaphore(%run_scoped3A : memref<!tpu.dma_semaphore, #tpu.memory_space<semaphore_mem>>) src(%dma_wait3A_625 : memref<2000xf32, #tpu.memory_space<vmem_shared>>) dst(%arg27 : memref<2000xf32, #tpu.memory_space<vmem>>)
      tpu.yield
    }) : () -> ()
    %mul3A_479 = arith.constant 320000 : i32
    %mul3A_480 = arith.muli %arg0, %mul3A_479 : i32
    %mul3A_481 = arith.constant 20000 : i32
    %mul3A_482 = arith.muli %arg1, %mul3A_481 : i32
    %add3A_483 = arith.addi %mul3A_480, %mul3A_482 : i32
    %add3A_484 = arith.constant 2000 : i32
    %add3A_485 = arith.addi %add3A_483, %add3A_484 : i32
    %dma_start3A_486 = tpu.memref_slice %arg9[%add3A_485] : memref<640000xf32, #tpu.memory_space<hbm>> -> memref<2000xf32, #tpu.memory_space<hbm>>
    %dma_start3A_487 = tpu.memref_slice %arg9[%add3A_485] : memref<640000xf32, #tpu.memory_space<hbm>> -> memref<2000xf32, #tpu.memory_space<hbm>>
    tpu.enqueue_dma source(%arg27 : memref<2000xf32, #tpu.memory_space<vmem>>) target(%dma_start3A_487 : memref<2000xf32, #tpu.memory_space<hbm>>) target_semaphore(%arg33 : memref<!tpu.dma_semaphore, #tpu.memory_space<semaphore_mem>>)
    %dma_wait3A_488 = tpu.memref_slice %arg9[%add3A_472] : memref<640000xf32, #tpu.memory_space<hbm>> -> memref<2000xf32, #tpu.memory_space<hbm>>
    %dma_wait3A_489 = tpu.memref_slice %arg9[%add3A_472] : memref<640000xf32, #tpu.memory_space<hbm>> -> memref<2000xf32, #tpu.memory_space<hbm>>
    tpu.wait_dma2 semaphore(%arg33 : memref<!tpu.dma_semaphore, #tpu.memory_space<semaphore_mem>>) src(%arg26 : memref<2000xf32, #tpu.memory_space<vmem>>) dst(%dma_wait3A_489 : memref<2000xf32, #tpu.memory_space<hbm>>)
    %mul3A_490 = arith.constant 20000 : i32
    %mul3A_491 = arith.muli %arg1, %mul3A_490 : i32
    %add3A_492 = arith.constant 4000 : i32
    %add3A_493 = arith.addi %mul3A_491, %add3A_492 : i32
    "tpu.region"() ({
      %run_scoped3A = tpu.sem_alloc : memref<!tpu.dma_semaphore, #tpu.memory_space<semaphore_mem>>
      %dma_start3A_622 = tpu.memref_slice %arg30[%add3A_493] : memref<320128xf32, #tpu.memory_space<vmem_shared>> -> memref<2000xf32, #tpu.memory_space<vmem_shared>>
      %dma_start3A_623 = tpu.memref_slice %arg30[%add3A_493] : memref<320128xf32, #tpu.memory_space<vmem_shared>> -> memref<2000xf32, #tpu.memory_space<vmem_shared>>
      tpu.enqueue_dma source(%dma_start3A_623 : memref<2000xf32, #tpu.memory_space<vmem_shared>>) target(%arg26 : memref<2000xf32, #tpu.memory_space<vmem>>) target_semaphore(%run_scoped3A : memref<!tpu.dma_semaphore, #tpu.memory_space<semaphore_mem>>)
      %dma_wait3A_624 = tpu.memref_slice %arg30[%add3A_493] : memref<320128xf32, #tpu.memory_space<vmem_shared>> -> memref<2000xf32, #tpu.memory_space<vmem_shared>>
      %dma_wait3A_625 = tpu.memref_slice %arg30[%add3A_493] : memref<320128xf32, #tpu.memory_space<vmem_shared>> -> memref<2000xf32, #tpu.memory_space<vmem_shared>>
      tpu.wait_dma2 semaphore(%run_scoped3A : memref<!tpu.dma_semaphore, #tpu.memory_space<semaphore_mem>>) src(%dma_wait3A_625 : memref<2000xf32, #tpu.memory_space<vmem_shared>>) dst(%arg26 : memref<2000xf32, #tpu.memory_space<vmem>>)
      tpu.yield
    }) : () -> ()
    %mul3A_494 = arith.constant 320000 : i32
    %mul3A_495 = arith.muli %arg0, %mul3A_494 : i32
    %mul3A_496 = arith.constant 20000 : i32
    %mul3A_497 = arith.muli %arg1, %mul3A_496 : i32
    %add3A_498 = arith.addi %mul3A_495, %mul3A_497 : i32
    %add3A_499 = arith.constant 4000 : i32
    %add3A_500 = arith.addi %add3A_498, %add3A_499 : i32
    %dma_start3A_501 = tpu.memref_slice %arg9[%add3A_500] : memref<640000xf32, #tpu.memory_space<hbm>> -> memref<2000xf32, #tpu.memory_space<hbm>>
    %dma_start3A_502 = tpu.memref_slice %arg9[%add3A_500] : memref<640000xf32, #tpu.memory_space<hbm>> -> memref<2000xf32, #tpu.memory_space<hbm>>
    tpu.enqueue_dma source(%arg26 : memref<2000xf32, #tpu.memory_space<vmem>>) target(%dma_start3A_502 : memref<2000xf32, #tpu.memory_space<hbm>>) target_semaphore(%arg33 : memref<!tpu.dma_semaphore, #tpu.memory_space<semaphore_mem>>)
    %dma_wait3A_503 = tpu.memref_slice %arg9[%add3A_485] : memref<640000xf32, #tpu.memory_space<hbm>> -> memref<2000xf32, #tpu.memory_space<hbm>>
    %dma_wait3A_504 = tpu.memref_slice %arg9[%add3A_485] : memref<640000xf32, #tpu.memory_space<hbm>> -> memref<2000xf32, #tpu.memory_space<hbm>>
    tpu.wait_dma2 semaphore(%arg33 : memref<!tpu.dma_semaphore, #tpu.memory_space<semaphore_mem>>) src(%arg27 : memref<2000xf32, #tpu.memory_space<vmem>>) dst(%dma_wait3A_504 : memref<2000xf32, #tpu.memory_space<hbm>>)
    %mul3A_505 = arith.constant 20000 : i32
    %mul3A_506 = arith.muli %arg1, %mul3A_505 : i32
    %add3A_507 = arith.constant 6000 : i32
    %add3A_508 = arith.addi %mul3A_506, %add3A_507 : i32
    "tpu.region"() ({
      %run_scoped3A = tpu.sem_alloc : memref<!tpu.dma_semaphore, #tpu.memory_space<semaphore_mem>>
      %dma_start3A_622 = tpu.memref_slice %arg30[%add3A_508] : memref<320128xf32, #tpu.memory_space<vmem_shared>> -> memref<2000xf32, #tpu.memory_space<vmem_shared>>
      %dma_start3A_623 = tpu.memref_slice %arg30[%add3A_508] : memref<320128xf32, #tpu.memory_space<vmem_shared>> -> memref<2000xf32, #tpu.memory_space<vmem_shared>>
      tpu.enqueue_dma source(%dma_start3A_623 : memref<2000xf32, #tpu.memory_space<vmem_shared>>) target(%arg27 : memref<2000xf32, #tpu.memory_space<vmem>>) target_semaphore(%run_scoped3A : memref<!tpu.dma_semaphore, #tpu.memory_space<semaphore_mem>>)
      %dma_wait3A_624 = tpu.memref_slice %arg30[%add3A_508] : memref<320128xf32, #tpu.memory_space<vmem_shared>> -> memref<2000xf32, #tpu.memory_space<vmem_shared>>
      %dma_wait3A_625 = tpu.memref_slice %arg30[%add3A_508] : memref<320128xf32, #tpu.memory_space<vmem_shared>> -> memref<2000xf32, #tpu.memory_space<vmem_shared>>
      tpu.wait_dma2 semaphore(%run_scoped3A : memref<!tpu.dma_semaphore, #tpu.memory_space<semaphore_mem>>) src(%dma_wait3A_625 : memref<2000xf32, #tpu.memory_space<vmem_shared>>) dst(%arg27 : memref<2000xf32, #tpu.memory_space<vmem>>)
      tpu.yield
    }) : () -> ()
    %mul3A_509 = arith.constant 320000 : i32
    %mul3A_510 = arith.muli %arg0, %mul3A_509 : i32
    %mul3A_511 = arith.constant 20000 : i32
    %mul3A_512 = arith.muli %arg1, %mul3A_511 : i32
    %add3A_513 = arith.addi %mul3A_510, %mul3A_512 : i32
    %add3A_514 = arith.constant 6000 : i32
    %add3A_515 = arith.addi %add3A_513, %add3A_514 : i32
    %dma_start3A_516 = tpu.memref_slice %arg9[%add3A_515] : memref<640000xf32, #tpu.memory_space<hbm>> -> memref<2000xf32, #tpu.memory_space<hbm>>
    %dma_start3A_517 = tpu.memref_slice %arg9[%add3A_515] : memref<640000xf32, #tpu.memory_space<hbm>> -> memref<2000xf32, #tpu.memory_space<hbm>>
    tpu.enqueue_dma source(%arg27 : memref<2000xf32, #tpu.memory_space<vmem>>) target(%dma_start3A_517 : memref<2000xf32, #tpu.memory_space<hbm>>) target_semaphore(%arg33 : memref<!tpu.dma_semaphore, #tpu.memory_space<semaphore_mem>>)
    %dma_wait3A_518 = tpu.memref_slice %arg9[%add3A_500] : memref<640000xf32, #tpu.memory_space<hbm>> -> memref<2000xf32, #tpu.memory_space<hbm>>
    %dma_wait3A_519 = tpu.memref_slice %arg9[%add3A_500] : memref<640000xf32, #tpu.memory_space<hbm>> -> memref<2000xf32, #tpu.memory_space<hbm>>
    tpu.wait_dma2 semaphore(%arg33 : memref<!tpu.dma_semaphore, #tpu.memory_space<semaphore_mem>>) src(%arg26 : memref<2000xf32, #tpu.memory_space<vmem>>) dst(%dma_wait3A_519 : memref<2000xf32, #tpu.memory_space<hbm>>)
    %mul3A_520 = arith.constant 20000 : i32
    %mul3A_521 = arith.muli %arg1, %mul3A_520 : i32
    %add3A_522 = arith.constant 8000 : i32
    %add3A_523 = arith.addi %mul3A_521, %add3A_522 : i32
    "tpu.region"() ({
      %run_scoped3A = tpu.sem_alloc : memref<!tpu.dma_semaphore, #tpu.memory_space<semaphore_mem>>
      %dma_start3A_622 = tpu.memref_slice %arg30[%add3A_523] : memref<320128xf32, #tpu.memory_space<vmem_shared>> -> memref<2000xf32, #tpu.memory_space<vmem_shared>>
      %dma_start3A_623 = tpu.memref_slice %arg30[%add3A_523] : memref<320128xf32, #tpu.memory_space<vmem_shared>> -> memref<2000xf32, #tpu.memory_space<vmem_shared>>
      tpu.enqueue_dma source(%dma_start3A_623 : memref<2000xf32, #tpu.memory_space<vmem_shared>>) target(%arg26 : memref<2000xf32, #tpu.memory_space<vmem>>) target_semaphore(%run_scoped3A : memref<!tpu.dma_semaphore, #tpu.memory_space<semaphore_mem>>)
      %dma_wait3A_624 = tpu.memref_slice %arg30[%add3A_523] : memref<320128xf32, #tpu.memory_space<vmem_shared>> -> memref<2000xf32, #tpu.memory_space<vmem_shared>>
      %dma_wait3A_625 = tpu.memref_slice %arg30[%add3A_523] : memref<320128xf32, #tpu.memory_space<vmem_shared>> -> memref<2000xf32, #tpu.memory_space<vmem_shared>>
      tpu.wait_dma2 semaphore(%run_scoped3A : memref<!tpu.dma_semaphore, #tpu.memory_space<semaphore_mem>>) src(%dma_wait3A_625 : memref<2000xf32, #tpu.memory_space<vmem_shared>>) dst(%arg26 : memref<2000xf32, #tpu.memory_space<vmem>>)
      tpu.yield
    }) : () -> ()
    %mul3A_524 = arith.constant 320000 : i32
    %mul3A_525 = arith.muli %arg0, %mul3A_524 : i32
    %mul3A_526 = arith.constant 20000 : i32
    %mul3A_527 = arith.muli %arg1, %mul3A_526 : i32
    %add3A_528 = arith.addi %mul3A_525, %mul3A_527 : i32
    %add3A_529 = arith.constant 8000 : i32
    %add3A_530 = arith.addi %add3A_528, %add3A_529 : i32
    %dma_start3A_531 = tpu.memref_slice %arg9[%add3A_530] : memref<640000xf32, #tpu.memory_space<hbm>> -> memref<2000xf32, #tpu.memory_space<hbm>>
    %dma_start3A_532 = tpu.memref_slice %arg9[%add3A_530] : memref<640000xf32, #tpu.memory_space<hbm>> -> memref<2000xf32, #tpu.memory_space<hbm>>
    tpu.enqueue_dma source(%arg26 : memref<2000xf32, #tpu.memory_space<vmem>>) target(%dma_start3A_532 : memref<2000xf32, #tpu.memory_space<hbm>>) target_semaphore(%arg33 : memref<!tpu.dma_semaphore, #tpu.memory_space<semaphore_mem>>)
    %dma_wait3A_533 = tpu.memref_slice %arg9[%add3A_515] : memref<640000xf32, #tpu.memory_space<hbm>> -> memref<2000xf32, #tpu.memory_space<hbm>>
    %dma_wait3A_534 = tpu.memref_slice %arg9[%add3A_515] : memref<640000xf32, #tpu.memory_space<hbm>> -> memref<2000xf32, #tpu.memory_space<hbm>>
    tpu.wait_dma2 semaphore(%arg33 : memref<!tpu.dma_semaphore, #tpu.memory_space<semaphore_mem>>) src(%arg27 : memref<2000xf32, #tpu.memory_space<vmem>>) dst(%dma_wait3A_534 : memref<2000xf32, #tpu.memory_space<hbm>>)
    %mul3A_535 = arith.constant 20000 : i32
    %mul3A_536 = arith.muli %arg1, %mul3A_535 : i32
    %add3A_537 = arith.constant 10000 : i32
    %add3A_538 = arith.addi %mul3A_536, %add3A_537 : i32
    "tpu.region"() ({
      %run_scoped3A = tpu.sem_alloc : memref<!tpu.dma_semaphore, #tpu.memory_space<semaphore_mem>>
      %dma_start3A_622 = tpu.memref_slice %arg30[%add3A_538] : memref<320128xf32, #tpu.memory_space<vmem_shared>> -> memref<2000xf32, #tpu.memory_space<vmem_shared>>
      %dma_start3A_623 = tpu.memref_slice %arg30[%add3A_538] : memref<320128xf32, #tpu.memory_space<vmem_shared>> -> memref<2000xf32, #tpu.memory_space<vmem_shared>>
      tpu.enqueue_dma source(%dma_start3A_623 : memref<2000xf32, #tpu.memory_space<vmem_shared>>) target(%arg27 : memref<2000xf32, #tpu.memory_space<vmem>>) target_semaphore(%run_scoped3A : memref<!tpu.dma_semaphore, #tpu.memory_space<semaphore_mem>>)
      %dma_wait3A_624 = tpu.memref_slice %arg30[%add3A_538] : memref<320128xf32, #tpu.memory_space<vmem_shared>> -> memref<2000xf32, #tpu.memory_space<vmem_shared>>
      %dma_wait3A_625 = tpu.memref_slice %arg30[%add3A_538] : memref<320128xf32, #tpu.memory_space<vmem_shared>> -> memref<2000xf32, #tpu.memory_space<vmem_shared>>
      tpu.wait_dma2 semaphore(%run_scoped3A : memref<!tpu.dma_semaphore, #tpu.memory_space<semaphore_mem>>) src(%dma_wait3A_625 : memref<2000xf32, #tpu.memory_space<vmem_shared>>) dst(%arg27 : memref<2000xf32, #tpu.memory_space<vmem>>)
      tpu.yield
    }) : () -> ()
    %mul3A_539 = arith.constant 320000 : i32
    %mul3A_540 = arith.muli %arg0, %mul3A_539 : i32
    %mul3A_541 = arith.constant 20000 : i32
    %mul3A_542 = arith.muli %arg1, %mul3A_541 : i32
    %add3A_543 = arith.addi %mul3A_540, %mul3A_542 : i32
    %add3A_544 = arith.constant 10000 : i32
    %add3A_545 = arith.addi %add3A_543, %add3A_544 : i32
    %dma_start3A_546 = tpu.memref_slice %arg9[%add3A_545] : memref<640000xf32, #tpu.memory_space<hbm>> -> memref<2000xf32, #tpu.memory_space<hbm>>
    %dma_start3A_547 = tpu.memref_slice %arg9[%add3A_545] : memref<640000xf32, #tpu.memory_space<hbm>> -> memref<2000xf32, #tpu.memory_space<hbm>>
    tpu.enqueue_dma source(%arg27 : memref<2000xf32, #tpu.memory_space<vmem>>) target(%dma_start3A_547 : memref<2000xf32, #tpu.memory_space<hbm>>) target_semaphore(%arg33 : memref<!tpu.dma_semaphore, #tpu.memory_space<semaphore_mem>>)
    %dma_wait3A_548 = tpu.memref_slice %arg9[%add3A_530] : memref<640000xf32, #tpu.memory_space<hbm>> -> memref<2000xf32, #tpu.memory_space<hbm>>
    %dma_wait3A_549 = tpu.memref_slice %arg9[%add3A_530] : memref<640000xf32, #tpu.memory_space<hbm>> -> memref<2000xf32, #tpu.memory_space<hbm>>
    tpu.wait_dma2 semaphore(%arg33 : memref<!tpu.dma_semaphore, #tpu.memory_space<semaphore_mem>>) src(%arg26 : memref<2000xf32, #tpu.memory_space<vmem>>) dst(%dma_wait3A_549 : memref<2000xf32, #tpu.memory_space<hbm>>)
    %mul3A_550 = arith.constant 20000 : i32
    %mul3A_551 = arith.muli %arg1, %mul3A_550 : i32
    %add3A_552 = arith.constant 12000 : i32
    %add3A_553 = arith.addi %mul3A_551, %add3A_552 : i32
    "tpu.region"() ({
      %run_scoped3A = tpu.sem_alloc : memref<!tpu.dma_semaphore, #tpu.memory_space<semaphore_mem>>
      %dma_start3A_622 = tpu.memref_slice %arg30[%add3A_553] : memref<320128xf32, #tpu.memory_space<vmem_shared>> -> memref<2000xf32, #tpu.memory_space<vmem_shared>>
      %dma_start3A_623 = tpu.memref_slice %arg30[%add3A_553] : memref<320128xf32, #tpu.memory_space<vmem_shared>> -> memref<2000xf32, #tpu.memory_space<vmem_shared>>
      tpu.enqueue_dma source(%dma_start3A_623 : memref<2000xf32, #tpu.memory_space<vmem_shared>>) target(%arg26 : memref<2000xf32, #tpu.memory_space<vmem>>) target_semaphore(%run_scoped3A : memref<!tpu.dma_semaphore, #tpu.memory_space<semaphore_mem>>)
      %dma_wait3A_624 = tpu.memref_slice %arg30[%add3A_553] : memref<320128xf32, #tpu.memory_space<vmem_shared>> -> memref<2000xf32, #tpu.memory_space<vmem_shared>>
      %dma_wait3A_625 = tpu.memref_slice %arg30[%add3A_553] : memref<320128xf32, #tpu.memory_space<vmem_shared>> -> memref<2000xf32, #tpu.memory_space<vmem_shared>>
      tpu.wait_dma2 semaphore(%run_scoped3A : memref<!tpu.dma_semaphore, #tpu.memory_space<semaphore_mem>>) src(%dma_wait3A_625 : memref<2000xf32, #tpu.memory_space<vmem_shared>>) dst(%arg26 : memref<2000xf32, #tpu.memory_space<vmem>>)
      tpu.yield
    }) : () -> ()
    %mul3A_554 = arith.constant 320000 : i32
    %mul3A_555 = arith.muli %arg0, %mul3A_554 : i32
    %mul3A_556 = arith.constant 20000 : i32
    %mul3A_557 = arith.muli %arg1, %mul3A_556 : i32
    %add3A_558 = arith.addi %mul3A_555, %mul3A_557 : i32
    %add3A_559 = arith.constant 12000 : i32
    %add3A_560 = arith.addi %add3A_558, %add3A_559 : i32
    %dma_start3A_561 = tpu.memref_slice %arg9[%add3A_560] : memref<640000xf32, #tpu.memory_space<hbm>> -> memref<2000xf32, #tpu.memory_space<hbm>>
    %dma_start3A_562 = tpu.memref_slice %arg9[%add3A_560] : memref<640000xf32, #tpu.memory_space<hbm>> -> memref<2000xf32, #tpu.memory_space<hbm>>
    tpu.enqueue_dma source(%arg26 : memref<2000xf32, #tpu.memory_space<vmem>>) target(%dma_start3A_562 : memref<2000xf32, #tpu.memory_space<hbm>>) target_semaphore(%arg33 : memref<!tpu.dma_semaphore, #tpu.memory_space<semaphore_mem>>)
    %dma_wait3A_563 = tpu.memref_slice %arg9[%add3A_545] : memref<640000xf32, #tpu.memory_space<hbm>> -> memref<2000xf32, #tpu.memory_space<hbm>>
    %dma_wait3A_564 = tpu.memref_slice %arg9[%add3A_545] : memref<640000xf32, #tpu.memory_space<hbm>> -> memref<2000xf32, #tpu.memory_space<hbm>>
    tpu.wait_dma2 semaphore(%arg33 : memref<!tpu.dma_semaphore, #tpu.memory_space<semaphore_mem>>) src(%arg27 : memref<2000xf32, #tpu.memory_space<vmem>>) dst(%dma_wait3A_564 : memref<2000xf32, #tpu.memory_space<hbm>>)
    %mul3A_565 = arith.constant 20000 : i32
    %mul3A_566 = arith.muli %arg1, %mul3A_565 : i32
    %add3A_567 = arith.constant 14000 : i32
    %add3A_568 = arith.addi %mul3A_566, %add3A_567 : i32
    "tpu.region"() ({
      %run_scoped3A = tpu.sem_alloc : memref<!tpu.dma_semaphore, #tpu.memory_space<semaphore_mem>>
      %dma_start3A_622 = tpu.memref_slice %arg30[%add3A_568] : memref<320128xf32, #tpu.memory_space<vmem_shared>> -> memref<2000xf32, #tpu.memory_space<vmem_shared>>
      %dma_start3A_623 = tpu.memref_slice %arg30[%add3A_568] : memref<320128xf32, #tpu.memory_space<vmem_shared>> -> memref<2000xf32, #tpu.memory_space<vmem_shared>>
      tpu.enqueue_dma source(%dma_start3A_623 : memref<2000xf32, #tpu.memory_space<vmem_shared>>) target(%arg27 : memref<2000xf32, #tpu.memory_space<vmem>>) target_semaphore(%run_scoped3A : memref<!tpu.dma_semaphore, #tpu.memory_space<semaphore_mem>>)
      %dma_wait3A_624 = tpu.memref_slice %arg30[%add3A_568] : memref<320128xf32, #tpu.memory_space<vmem_shared>> -> memref<2000xf32, #tpu.memory_space<vmem_shared>>
      %dma_wait3A_625 = tpu.memref_slice %arg30[%add3A_568] : memref<320128xf32, #tpu.memory_space<vmem_shared>> -> memref<2000xf32, #tpu.memory_space<vmem_shared>>
      tpu.wait_dma2 semaphore(%run_scoped3A : memref<!tpu.dma_semaphore, #tpu.memory_space<semaphore_mem>>) src(%dma_wait3A_625 : memref<2000xf32, #tpu.memory_space<vmem_shared>>) dst(%arg27 : memref<2000xf32, #tpu.memory_space<vmem>>)
      tpu.yield
    }) : () -> ()
    %mul3A_569 = arith.constant 320000 : i32
    %mul3A_570 = arith.muli %arg0, %mul3A_569 : i32
    %mul3A_571 = arith.constant 20000 : i32
    %mul3A_572 = arith.muli %arg1, %mul3A_571 : i32
    %add3A_573 = arith.addi %mul3A_570, %mul3A_572 : i32
    %add3A_574 = arith.constant 14000 : i32
    %add3A_575 = arith.addi %add3A_573, %add3A_574 : i32
    %dma_start3A_576 = tpu.memref_slice %arg9[%add3A_575] : memref<640000xf32, #tpu.memory_space<hbm>> -> memref<2000xf32, #tpu.memory_space<hbm>>
    %dma_start3A_577 = tpu.memref_slice %arg9[%add3A_575] : memref<640000xf32, #tpu.memory_space<hbm>> -> memref<2000xf32, #tpu.memory_space<hbm>>
    tpu.enqueue_dma source(%arg27 : memref<2000xf32, #tpu.memory_space<vmem>>) target(%dma_start3A_577 : memref<2000xf32, #tpu.memory_space<hbm>>) target_semaphore(%arg33 : memref<!tpu.dma_semaphore, #tpu.memory_space<semaphore_mem>>)
    %dma_wait3A_578 = tpu.memref_slice %arg9[%add3A_560] : memref<640000xf32, #tpu.memory_space<hbm>> -> memref<2000xf32, #tpu.memory_space<hbm>>
    %dma_wait3A_579 = tpu.memref_slice %arg9[%add3A_560] : memref<640000xf32, #tpu.memory_space<hbm>> -> memref<2000xf32, #tpu.memory_space<hbm>>
    tpu.wait_dma2 semaphore(%arg33 : memref<!tpu.dma_semaphore, #tpu.memory_space<semaphore_mem>>) src(%arg26 : memref<2000xf32, #tpu.memory_space<vmem>>) dst(%dma_wait3A_579 : memref<2000xf32, #tpu.memory_space<hbm>>)
    %mul3A_580 = arith.constant 20000 : i32
    %mul3A_581 = arith.muli %arg1, %mul3A_580 : i32
    %add3A_582 = arith.constant 16000 : i32
    %add3A_583 = arith.addi %mul3A_581, %add3A_582 : i32
    "tpu.region"() ({
      %run_scoped3A = tpu.sem_alloc : memref<!tpu.dma_semaphore, #tpu.memory_space<semaphore_mem>>
      %dma_start3A_622 = tpu.memref_slice %arg30[%add3A_583] : memref<320128xf32, #tpu.memory_space<vmem_shared>> -> memref<2000xf32, #tpu.memory_space<vmem_shared>>
      %dma_start3A_623 = tpu.memref_slice %arg30[%add3A_583] : memref<320128xf32, #tpu.memory_space<vmem_shared>> -> memref<2000xf32, #tpu.memory_space<vmem_shared>>
      tpu.enqueue_dma source(%dma_start3A_623 : memref<2000xf32, #tpu.memory_space<vmem_shared>>) target(%arg26 : memref<2000xf32, #tpu.memory_space<vmem>>) target_semaphore(%run_scoped3A : memref<!tpu.dma_semaphore, #tpu.memory_space<semaphore_mem>>)
      %dma_wait3A_624 = tpu.memref_slice %arg30[%add3A_583] : memref<320128xf32, #tpu.memory_space<vmem_shared>> -> memref<2000xf32, #tpu.memory_space<vmem_shared>>
      %dma_wait3A_625 = tpu.memref_slice %arg30[%add3A_583] : memref<320128xf32, #tpu.memory_space<vmem_shared>> -> memref<2000xf32, #tpu.memory_space<vmem_shared>>
      tpu.wait_dma2 semaphore(%run_scoped3A : memref<!tpu.dma_semaphore, #tpu.memory_space<semaphore_mem>>) src(%dma_wait3A_625 : memref<2000xf32, #tpu.memory_space<vmem_shared>>) dst(%arg26 : memref<2000xf32, #tpu.memory_space<vmem>>)
      tpu.yield
    }) : () -> ()
    %mul3A_584 = arith.constant 320000 : i32
    %mul3A_585 = arith.muli %arg0, %mul3A_584 : i32
    %mul3A_586 = arith.constant 20000 : i32
    %mul3A_587 = arith.muli %arg1, %mul3A_586 : i32
    %add3A_588 = arith.addi %mul3A_585, %mul3A_587 : i32
    %add3A_589 = arith.constant 16000 : i32
    %add3A_590 = arith.addi %add3A_588, %add3A_589 : i32
    %dma_start3A_591 = tpu.memref_slice %arg9[%add3A_590] : memref<640000xf32, #tpu.memory_space<hbm>> -> memref<2000xf32, #tpu.memory_space<hbm>>
    %dma_start3A_592 = tpu.memref_slice %arg9[%add3A_590] : memref<640000xf32, #tpu.memory_space<hbm>> -> memref<2000xf32, #tpu.memory_space<hbm>>
    tpu.enqueue_dma source(%arg26 : memref<2000xf32, #tpu.memory_space<vmem>>) target(%dma_start3A_592 : memref<2000xf32, #tpu.memory_space<hbm>>) target_semaphore(%arg33 : memref<!tpu.dma_semaphore, #tpu.memory_space<semaphore_mem>>)
    %dma_wait3A_593 = tpu.memref_slice %arg9[%add3A_575] : memref<640000xf32, #tpu.memory_space<hbm>> -> memref<2000xf32, #tpu.memory_space<hbm>>
    %dma_wait3A_594 = tpu.memref_slice %arg9[%add3A_575] : memref<640000xf32, #tpu.memory_space<hbm>> -> memref<2000xf32, #tpu.memory_space<hbm>>
    tpu.wait_dma2 semaphore(%arg33 : memref<!tpu.dma_semaphore, #tpu.memory_space<semaphore_mem>>) src(%arg27 : memref<2000xf32, #tpu.memory_space<vmem>>) dst(%dma_wait3A_594 : memref<2000xf32, #tpu.memory_space<hbm>>)
    %mul3A_595 = arith.constant 20000 : i32
    %mul3A_596 = arith.muli %arg1, %mul3A_595 : i32
    %add3A_597 = arith.constant 18000 : i32
    %add3A_598 = arith.addi %mul3A_596, %add3A_597 : i32
    "tpu.region"() ({
      %run_scoped3A = tpu.sem_alloc : memref<!tpu.dma_semaphore, #tpu.memory_space<semaphore_mem>>
      %dma_start3A_622 = tpu.memref_slice %arg30[%add3A_598] : memref<320128xf32, #tpu.memory_space<vmem_shared>> -> memref<2000xf32, #tpu.memory_space<vmem_shared>>
      %dma_start3A_623 = tpu.memref_slice %arg30[%add3A_598] : memref<320128xf32, #tpu.memory_space<vmem_shared>> -> memref<2000xf32, #tpu.memory_space<vmem_shared>>
      tpu.enqueue_dma source(%dma_start3A_623 : memref<2000xf32, #tpu.memory_space<vmem_shared>>) target(%arg27 : memref<2000xf32, #tpu.memory_space<vmem>>) target_semaphore(%run_scoped3A : memref<!tpu.dma_semaphore, #tpu.memory_space<semaphore_mem>>)
      %dma_wait3A_624 = tpu.memref_slice %arg30[%add3A_598] : memref<320128xf32, #tpu.memory_space<vmem_shared>> -> memref<2000xf32, #tpu.memory_space<vmem_shared>>
      %dma_wait3A_625 = tpu.memref_slice %arg30[%add3A_598] : memref<320128xf32, #tpu.memory_space<vmem_shared>> -> memref<2000xf32, #tpu.memory_space<vmem_shared>>
      tpu.wait_dma2 semaphore(%run_scoped3A : memref<!tpu.dma_semaphore, #tpu.memory_space<semaphore_mem>>) src(%dma_wait3A_625 : memref<2000xf32, #tpu.memory_space<vmem_shared>>) dst(%arg27 : memref<2000xf32, #tpu.memory_space<vmem>>)
      tpu.yield
    }) : () -> ()
    %mul3A_599 = arith.constant 320000 : i32
    %mul3A_600 = arith.muli %arg0, %mul3A_599 : i32
    %mul3A_601 = arith.constant 20000 : i32
    %mul3A_602 = arith.muli %arg1, %mul3A_601 : i32
    %add3A_603 = arith.addi %mul3A_600, %mul3A_602 : i32
    %add3A_604 = arith.constant 18000 : i32
    %add3A_605 = arith.addi %add3A_603, %add3A_604 : i32
    %dma_start3A_606 = tpu.memref_slice %arg9[%add3A_605] : memref<640000xf32, #tpu.memory_space<hbm>> -> memref<2000xf32, #tpu.memory_space<hbm>>
    %dma_start3A_607 = tpu.memref_slice %arg9[%add3A_605] : memref<640000xf32, #tpu.memory_space<hbm>> -> memref<2000xf32, #tpu.memory_space<hbm>>
    tpu.enqueue_dma source(%arg27 : memref<2000xf32, #tpu.memory_space<vmem>>) target(%dma_start3A_607 : memref<2000xf32, #tpu.memory_space<hbm>>) target_semaphore(%arg33 : memref<!tpu.dma_semaphore, #tpu.memory_space<semaphore_mem>>)
    %dma_wait3A_608 = tpu.memref_slice %arg9[%add3A_590] : memref<640000xf32, #tpu.memory_space<hbm>> -> memref<2000xf32, #tpu.memory_space<hbm>>
    %dma_wait3A_609 = tpu.memref_slice %arg9[%add3A_590] : memref<640000xf32, #tpu.memory_space<hbm>> -> memref<2000xf32, #tpu.memory_space<hbm>>
    tpu.wait_dma2 semaphore(%arg33 : memref<!tpu.dma_semaphore, #tpu.memory_space<semaphore_mem>>) src(%arg26 : memref<2000xf32, #tpu.memory_space<vmem>>) dst(%dma_wait3A_609 : memref<2000xf32, #tpu.memory_space<hbm>>)
    %dma_wait3A_610 = tpu.memref_slice %arg9[%add3A_605] : memref<640000xf32, #tpu.memory_space<hbm>> -> memref<2000xf32, #tpu.memory_space<hbm>>
    %dma_wait3A_611 = tpu.memref_slice %arg9[%add3A_605] : memref<640000xf32, #tpu.memory_space<hbm>> -> memref<2000xf32, #tpu.memory_space<hbm>>
    tpu.wait_dma2 semaphore(%arg33 : memref<!tpu.dma_semaphore, #tpu.memory_space<semaphore_mem>>) src(%arg27 : memref<2000xf32, #tpu.memory_space<vmem>>) dst(%dma_wait3A_611 : memref<2000xf32, #tpu.memory_space<hbm>>)
    %lt3A_612 = arith.constant 15 : i32
    %lt3A_613 = arith.cmpi slt, %arg1, %lt3A_612 : i32
    %convert_element_type3A_614 = arith.extui %lt3A_613 : i1 to i32
    %cond3A_615 = arith.constant 0 : i32
    %cond3A_616 = arith.cmpi ne, %convert_element_type3A_614, %cond3A_615 : i32
    scf.if %cond3A_616 {
      %mul3A_622 = arith.constant 624 : i32
      %mul3A_623 = arith.muli %arg1, %mul3A_622 : i32
      %mul3A_624 = arith.constant 624 : i32
      %mul3A_625 = arith.muli %arg1, %mul3A_624 : i32
      %dma_wait3A_626 = arith.constant 0 : i32
      %dma_wait3A_627 = tpu.memref_slice %arg8[%arg0, %mul3A_625, %dma_wait3A_626] : memref<2x10000x128xf32, #tpu.memory_space<hbm>> -> memref<1x624x128xf32, #tpu.memory_space<hbm>>
      %dma_wait3A_628 = tpu.memref_squeeze %dma_wait3A_627 : memref<1x624x128xf32, #tpu.memory_space<hbm>> -> memref<624x128xf32, #tpu.memory_space<hbm>>
      %dma_wait3A_629 = arith.constant 0 : i32
      %dma_wait3A_630 = tpu.memref_slice %arg29[%mul3A_623, %dma_wait3A_629] : memref<10000x128xf32, #tpu.memory_space<vmem_shared>> -> memref<624x128xf32, #tpu.memory_space<vmem_shared>>
      tpu.wait_dma2 semaphore(%arg32 : memref<!tpu.dma_semaphore, #tpu.memory_space<semaphore_mem>>) src(%dma_wait3A_630 : memref<624x128xf32, #tpu.memory_space<vmem_shared>>) dst(%dma_wait3A_628 : memref<624x128xf32, #tpu.memory_space<hbm>>)
    } else {
    }
    %eq3A_617 = arith.constant 15 : i32
    %eq3A_618 = arith.cmpi eq, %arg1, %eq3A_617 : i32
    %convert_element_type3A_619 = arith.extui %eq3A_618 : i1 to i32
    %cond3A_620 = arith.constant 0 : i32
    %cond3A_621 = arith.cmpi ne, %convert_element_type3A_619, %cond3A_620 : i32
    scf.if %cond3A_621 {
      %dma_wait3A_622 = arith.constant 9360 : i32
      %dma_wait3A_623 = arith.constant 0 : i32
      %dma_wait3A_624 = tpu.memref_slice %arg8[%arg0, %dma_wait3A_622, %dma_wait3A_623] : memref<2x10000x128xf32, #tpu.memory_space<hbm>> -> memref<1x640x128xf32, #tpu.memory_space<hbm>>
      %dma_wait3A_625 = tpu.memref_squeeze %dma_wait3A_624 : memref<1x640x128xf32, #tpu.memory_space<hbm>> -> memref<640x128xf32, #tpu.memory_space<hbm>>
      %dma_wait3A_626 = arith.constant 9360 : i32
      %dma_wait3A_627 = arith.constant 0 : i32
      %dma_wait3A_628 = tpu.memref_slice %arg29[%dma_wait3A_626, %dma_wait3A_627] : memref<10000x128xf32, #tpu.memory_space<vmem_shared>> -> memref<640x128xf32, #tpu.memory_space<vmem_shared>>
      tpu.wait_dma2 semaphore(%arg32 : memref<!tpu.dma_semaphore, #tpu.memory_space<semaphore_mem>>) src(%dma_wait3A_628 : memref<640x128xf32, #tpu.memory_space<vmem_shared>>) dst(%dma_wait3A_625 : memref<640x128xf32, #tpu.memory_space<hbm>>)
    } else {
    }
    return
  }
}

module attributes {stable_mosaic.version = 14 : i64} {
  func.func @_ln_body(%arg0: i32, %arg1: memref<1000x128xf32, #tpu.memory_space<vmem>>, %arg2: memref<1x128xf32, #tpu.memory_space<vmem>>, %arg3: memref<1x128xf32, #tpu.memory_space<vmem>>, %arg4: memref<1000x128xf32, #tpu.memory_space<vmem>>) attributes {dimension_semantics = [#tpu.dimension_semantics<arbitrary>], iteration_bounds = array<i64: 10>, scalar_prefetch = 0 : i64, scratch_operands = 0 : i64, tpu.core_type = #tpu.core_type<tc>, window_params = [{transform_indices = @transform_0, window_bounds = array<i64: 1000, 128>}, {pipeline_mode = #tpu.pipeline_mode<synchronous>, transform_indices = @transform_1, window_bounds = array<i64: 1, 128>}, {pipeline_mode = #tpu.pipeline_mode<synchronous>, transform_indices = @transform_2, window_bounds = array<i64: 1, 128>}, {transform_indices = @transform_3, window_bounds = array<i64: 1000, 128>}]} {
    %get3A = arith.constant 0 : index
    %get3A_0 = arith.constant 0 : index
    %get3A_1 = vector.load %arg1[%get3A, %get3A_0] : memref<1000x128xf32, #tpu.memory_space<vmem>>, vector<1000x128xf32>
    %reduce_sum3A = arith.constant dense<0.000000e+00> : vector<1000xf32>
    %reduce_sum3A_2 = vector.multi_reduction <add>, %get3A_1, %reduce_sum3A [1] : vector<1000x128xf32> to vector<1000xf32>
    %broadcast_in_dim3A = vector.shape_cast %reduce_sum3A_2 : vector<1000xf32> to vector<1000x1xf32>
    %div3A = arith.constant 1.280000e+02 : f32
    %div3A_3 = vector.broadcast %div3A : f32 to vector<1000x1xf32>
    %div3A_4 = arith.divf %broadcast_in_dim3A, %div3A_3 : vector<1000x1xf32>
    %sub3A = vector.broadcast %div3A_4 : vector<1000x1xf32> to vector<1000x128xf32>
    %sub3A_5 = arith.subf %get3A_1, %sub3A : vector<1000x128xf32>
    %mul3A = arith.mulf %sub3A_5, %sub3A_5 : vector<1000x128xf32>
    %reduce_sum3A_6 = arith.constant dense<0.000000e+00> : vector<1000xf32>
    %reduce_sum3A_7 = vector.multi_reduction <add>, %mul3A, %reduce_sum3A_6 [1] : vector<1000x128xf32> to vector<1000xf32>
    %broadcast_in_dim3A_8 = vector.shape_cast %reduce_sum3A_7 : vector<1000xf32> to vector<1000x1xf32>
    %div3A_9 = arith.constant 1.280000e+02 : f32
    %div3A_10 = vector.broadcast %div3A_9 : f32 to vector<1000x1xf32>
    %div3A_11 = arith.divf %broadcast_in_dim3A_8, %div3A_10 : vector<1000x1xf32>
    %add3A = arith.constant 9.99999974E-6 : f32
    %add3A_12 = vector.broadcast %add3A : f32 to vector<1000x1xf32>
    %add3A_13 = arith.addf %div3A_11, %add3A_12 : vector<1000x1xf32>
    %rsqrt3A = math.rsqrt %add3A_13 : vector<1000x1xf32>
    %mul3A_14 = vector.broadcast %rsqrt3A : vector<1000x1xf32> to vector<1000x128xf32>
    %mul3A_15 = arith.mulf %sub3A_5, %mul3A_14 : vector<1000x128xf32>
    %get3A_16 = arith.constant 0 : index
    %get3A_17 = arith.constant 0 : index
    %get3A_18 = vector.load %arg2[%get3A_16, %get3A_17] : memref<1x128xf32, #tpu.memory_space<vmem>>, vector<1x128xf32>
    %mul3A_19 = vector.broadcast %get3A_18 : vector<1x128xf32> to vector<1000x128xf32>
    %mul3A_20 = arith.mulf %mul3A_15, %mul3A_19 : vector<1000x128xf32>
    %get3A_21 = arith.constant 0 : index
    %get3A_22 = arith.constant 0 : index
    %get3A_23 = vector.load %arg3[%get3A_21, %get3A_22] : memref<1x128xf32, #tpu.memory_space<vmem>>, vector<1x128xf32>
    %add3A_24 = vector.broadcast %get3A_23 : vector<1x128xf32> to vector<1000x128xf32>
    %add3A_25 = arith.addf %mul3A_20, %add3A_24 : vector<1000x128xf32>
    %swap3A = arith.constant 0 : index
    %swap3A_26 = arith.constant 0 : index
    %swap3A_27 = vector.load %arg4[%swap3A, %swap3A_26] : memref<1000x128xf32, #tpu.memory_space<vmem>>, vector<1000x128xf32>
    tpu.vector_store %arg4[%swap3A, %swap3A_26], %add3A_25 {strides = array<i32>} : memref<1000x128xf32, #tpu.memory_space<vmem>>, vector<1000x128xf32>,
    return
  }
  func.func @transform_0(%arg0: i32) -> (i32, i32) {
    %c0_i32 = arith.constant 0 : i32
    %c0_i32_0 = arith.constant 0 : i32
    return %arg0, %c0_i32 : i32, i32
  }
  func.func @transform_1(%arg0: i32) -> (i32, i32) {
    %c0_i32 = arith.constant 0 : i32
    %c0_i32_0 = arith.constant 0 : i32
    %c0_i32_1 = arith.constant 0 : i32
    return %c0_i32, %c0_i32_0 : i32, i32
  }
  func.func @transform_2(%arg0: i32) -> (i32, i32) {
    %c0_i32 = arith.constant 0 : i32
    %c0_i32_0 = arith.constant 0 : i32
    %c0_i32_1 = arith.constant 0 : i32
    return %c0_i32, %c0_i32_0 : i32, i32
  }
  func.func @transform_3(%arg0: i32) -> (i32, i32) {
    %c0_i32 = arith.constant 0 : i32
    %c0_i32_0 = arith.constant 0 : i32
    return %arg0, %c0_i32 : i32, i32
  }
}

module attributes {stable_mosaic.version = 14 : i64} {
  func.func @_combine_body(%arg0: i32, %arg1: memref<2x1000x128xf32, #tpu.memory_space<vmem>>, %arg2: memref<1000x64xf32, #tpu.memory_space<vmem>>, %arg3: memref<64x128xf32, #tpu.memory_space<vmem>>, %arg4: memref<128x128xf32, #tpu.memory_space<vmem>>, %arg5: memref<1000x128xf32, #tpu.memory_space<vmem>>, %arg6: memref<1000x128xf32, #tpu.memory_space<vmem>>) attributes {dimension_semantics = [#tpu.dimension_semantics<arbitrary>], iteration_bounds = array<i64: 10>, scalar_prefetch = 0 : i64, scratch_operands = 0 : i64, tpu.core_type = #tpu.core_type<tc>, window_params = [{transform_indices = @transform_0, window_bounds = array<i64: 2, 1000, 128>}, {transform_indices = @transform_1, window_bounds = array<i64: 1000, 64>}, {pipeline_mode = #tpu.pipeline_mode<synchronous>, transform_indices = @transform_2, window_bounds = array<i64: 64, 128>}, {pipeline_mode = #tpu.pipeline_mode<synchronous>, transform_indices = @transform_3, window_bounds = array<i64: 128, 128>}, {transform_indices = @transform_4, window_bounds = array<i64: 1000, 128>}, {transform_indices = @transform_5, window_bounds = array<i64: 1000, 128>}]} {
    %get3A = arith.constant 0 : index
    %get3A_0 = arith.constant 0 : index
    %get3A_1 = vector.load %arg2[%get3A, %get3A_0] : memref<1000x64xf32, #tpu.memory_space<vmem>>, vector<1000x64xf32>
    %reduce_sum3A = arith.constant dense<0.000000e+00> : vector<1000xf32>
    %reduce_sum3A_2 = vector.multi_reduction <add>, %get3A_1, %reduce_sum3A [1] : vector<1000x64xf32> to vector<1000xf32>
    %broadcast_in_dim3A = vector.shape_cast %reduce_sum3A_2 : vector<1000xf32> to vector<1000x1xf32>
    %get3A_3 = arith.constant 0 : index
    %get3A_4 = arith.constant 0 : index
    %get3A_5 = arith.constant 0 : index
    %get3A_6 = vector.load %arg1[%get3A_3, %get3A_4, %get3A_5] : memref<2x1000x128xf32, #tpu.memory_space<vmem>>, vector<1x1000x128xf32>
    %get3A_7 = vector.shape_cast %get3A_6 : vector<1x1000x128xf32> to vector<1000x128xf32>
    %get3A_8 = arith.constant 1 : index
    %get3A_9 = arith.constant 0 : index
    %get3A_10 = arith.constant 0 : index
    %get3A_11 = vector.load %arg1[%get3A_8, %get3A_9, %get3A_10] : memref<2x1000x128xf32, #tpu.memory_space<vmem>>, vector<1x1000x128xf32>
    %get3A_12 = vector.shape_cast %get3A_11 : vector<1x1000x128xf32> to vector<1000x128xf32>
    %add3A = arith.addf %get3A_7, %get3A_12 : vector<1000x128xf32>
    %get3A_13 = arith.constant 0 : index
    %get3A_14 = arith.constant 0 : index
    %get3A_15 = vector.load %arg3[%get3A_13, %get3A_14] : memref<64x128xf32, #tpu.memory_space<vmem>>, vector<64x128xf32>
    %dot_general3A = arith.constant dense<0.000000e+00> : vector<1000x128xf32>
    %dot_general3A_16 = tpu.matmul %get3A_1, %get3A_15, %dot_general3A {dimension_numbers = #tpu.dot_dimension_numbers<[1], [0], [0], [1], [0, 0, 1, 1], [], []>, transpose_lhs_hint = false} : vector<1000x64xf32>, vector<64x128xf32>, vector<1000x128xf32> -> vector<1000x128xf32>
    %add3A_17 = arith.addf %add3A, %dot_general3A_16 : vector<1000x128xf32>
    %max3A = arith.constant 1.000000e+00 : f32
    %max3A_18 = vector.broadcast %max3A : f32 to vector<1000x1xf32>
    %max3A_19 = arith.maximumf %broadcast_in_dim3A, %max3A_18 : vector<1000x1xf32>
    %div3A = vector.broadcast %max3A_19 : vector<1000x1xf32> to vector<1000x128xf32>
    %div3A_20 = arith.divf %add3A_17, %div3A : vector<1000x128xf32>
    %get3A_21 = arith.constant 0 : index
    %get3A_22 = arith.constant 0 : index
    %get3A_23 = vector.load %arg4[%get3A_21, %get3A_22] : memref<128x128xf32, #tpu.memory_space<vmem>>, vector<128x128xf32>
    %dot_general3A_24 = arith.constant dense<0.000000e+00> : vector<1000x128xf32>
    %dot_general3A_25 = tpu.matmul %div3A_20, %get3A_23, %dot_general3A_24 {dimension_numbers = #tpu.dot_dimension_numbers<[1], [0], [0], [1], [0, 0, 1, 1], [], []>, transpose_lhs_hint = false} : vector<1000x128xf32>, vector<128x128xf32>, vector<1000x128xf32> -> vector<1000x128xf32>
    %get3A_26 = arith.constant 0 : index
    %get3A_27 = arith.constant 0 : index
    %get3A_28 = vector.load %arg5[%get3A_26, %get3A_27] : memref<1000x128xf32, #tpu.memory_space<vmem>>, vector<1000x128xf32>
    %add3A_29 = arith.addf %dot_general3A_25, %get3A_28 : vector<1000x128xf32>
    %swap3A = arith.constant 0 : index
    %swap3A_30 = arith.constant 0 : index
    %swap3A_31 = vector.load %arg6[%swap3A, %swap3A_30] : memref<1000x128xf32, #tpu.memory_space<vmem>>, vector<1000x128xf32>
    tpu.vector_store %arg6[%swap3A, %swap3A_30], %add3A_29 {strides = array<i32>} : memref<1000x128xf32, #tpu.memory_space<vmem>>, vector<1000x128xf32>,
    return
  }
  func.func @transform_0(%arg0: i32) -> (i32, i32, i32) {
    %c0_i32 = arith.constant 0 : i32
    %c0_i32_0 = arith.constant 0 : i32
    %c0_i32_1 = arith.constant 0 : i32
    return %c0_i32, %arg0, %c0_i32_0 : i32, i32, i32
  }
  func.func @transform_1(%arg0: i32) -> (i32, i32) {
    %c0_i32 = arith.constant 0 : i32
    %c0_i32_0 = arith.constant 0 : i32
    return %arg0, %c0_i32 : i32, i32
  }
  func.func @transform_2(%arg0: i32) -> (i32, i32) {
    %c0_i32 = arith.constant 0 : i32
    %c0_i32_0 = arith.constant 0 : i32
    %c0_i32_1 = arith.constant 0 : i32
    return %c0_i32, %c0_i32_0 : i32, i32
  }
  func.func @transform_3(%arg0: i32) -> (i32, i32) {
    %c0_i32 = arith.constant 0 : i32
    %c0_i32_0 = arith.constant 0 : i32
    %c0_i32_1 = arith.constant 0 : i32
    return %c0_i32, %c0_i32_0 : i32, i32
  }
  func.func @transform_4(%arg0: i32) -> (i32, i32) {
    %c0_i32 = arith.constant 0 : i32
    %c0_i32_0 = arith.constant 0 : i32
    return %arg0, %c0_i32 : i32, i32
  }
  func.func @transform_5(%arg0: i32) -> (i32, i32) {
    %c0_i32 = arith.constant 0 : i32
    %c0_i32_0 = arith.constant 0 : i32
    return %arg0, %c0_i32 : i32, i32
  }
}

</mosaic_0001>

<sc_bundles>
// kernel: kernel.5.cloned.1.call-start
scs
__scs_entry_jumppad:
0x0: {  	(pc) =	sbr.rel $0x88, $3  }
0x1: {  	(tag) =	ssettag $0x0;
	lr =	simm.s32 $0x1  }
0x2: {  	[smem:$0x3F9A] =	sst lr;
	_ =	strace $0xD0000000  }
0x3: {  	_ = 	snop  }
0x4: {  	_ = 	snop  }
0x5: {  	_ = 	snop  }
0x6: {  	_ = 	snop  }
0x7: {  	_ = 	snop  }
__scs_overlays_trampoline_lowered:
0x8: {  	[smem:$0x3FA9] =	sst s0  }
0x9: {  	[smem:$0x3FAA] =	sst s1  }
0xa: {  	[smem:$0x3FAB] =	sst s2  }
0xb: {  	[smem:$0x3FAC] =	sst s3  }
0xc: {  	[smem:$0x3FAD] =	sst s4  }
0xd: {  	[smem:$0x3FAE] =	sst s5  }
0xe: {  	[smem:$0x3FAF] =	sst s6  }
0xf: {  	[smem:$0x3FB0] =	sst s7  }
0x10: {  	[smem:$0x3FB1] =	sst s8  }
0x11: {  	[smem:$0x3FB2] =	sst s9;
	s0 =	simm.s32 @!p0 $0x0  }
0x12: {  	s1 =	sld [smem:$0x3F98];
	s0 =	simm.s32 @p0 $0x1  }
0x13: {  	[smem:$0x3FB3] =	sst s0;
	s0 =	simm.s32 @!p1 $0x0  }
0x14: {  	s2 =	sld [smem:$0x3F97];
	s0 =	simm.s32 @p1 $0x1  }
0x15: {  	[smem:$0x3FB4] =	sst s0;
	s0 =	simm.s32 @!p2 $0x0  }
0x16: {  	s3 =	sld [smem:$0x3FDB];
	s0 =	simm.s32 @p2 $0x1  }
0x17: {  	s4 =	simm.s32 $0x1BF5;
	[smem:$0x3FB6] =	sst s0  }
0x18: {  	s0 =	sld [smem:$0x3F99];
	_ =	swait.ge [sflag:s4], $0x0  }
0x19: {  	s7 =	sld [smem:$0x3F9A]  }
0x1a: {  	s8 =	sadd.s32 $0xFFFFE003, lr  }
0x1b: {  	s9 =	sadd.s32 $0xFFFFFEF7, lr;
	s5 =	simm.s32 $0xFFFFFFFF;
	p2 =	slt.u32 s8, $0xFFFFF086  }
0x1c: {  	p1 =	slt.u32 s9, $0xF7A;
	s5 =	simm.s32 @!p2 $0x0  }
0x1d: {  	s5 =	simm.s32 @p1 $0x1;
	p0 =	seq.s32 s7, s2  }
0x1e: {  	s7 =	smul.u32 @!p0 $0xF7A, s2;
	p2 =	seq.s32 @!p0 s5, $0x0  }
0x1f: {  	s9 =	smul.u32 $0xF7A, s1;
	s8 =	simm.s32 @!p0 $0x1BF5;
	p2 =	por !p2, p0  }
0x20: {  	[sflag:s8] =	ssyncset.s32 @!p0 $0xFFFFF086;
	s6 =	sadd.s32 @!p0 s3, s7;
	s7 =	simm.s32 @!p0 $0x108  }
0x21: {  	s3 =	sadd.s32 s3, s9;
	s6 =	sadd.s32 @!p0 $0x88, s6;
	s7 =	simm.s32 @p2 $0x1082  }
0x22: {  	[simem:s7], [sflag:s8] =	dma.local @!p0 [hbm:s6], $0xF7A  }
0x23: {  	s9 =	sor.u32 $0xD0000000, s2;
	s6 =	simm.s32 $0x108;
	_ =	swait.ge @!p0 [sflag:s8], $0x0  }
0x24: {  	s3 =	sadd.s32 $0x88, s3;
	s6 =	simm.s32 @!p1 $0x1082;
	[sflag:s4] =	ssyncset.s32 $0xFFFFF086  }
0x25: {  	[simem:s6], [sflag:s4] =	dma.local [hbm:s3], $0xF7A  }
0x26: {  	[smem:$0x3F9A] =	sst s1;
	(tag) =	ssettag s2;
	_ =	strace s9  }
0x27: {  	s1 =	sld [smem:$0x3FAA]  }
0x28: {  	s2 =	sld [smem:$0x3FAB]  }
0x29: {  	s4 =	sld [smem:$0x3FAD]  }
0x2a: {  	p0 =	seq.s32 s5, $0x0;
	s5 =	sld [smem:$0x3FAE]  }
0x2b: {  	s6 =	sld [smem:$0x3FAF]  }
0x2c: {  	s7 =	sld [smem:$0x3FB0]  }
0x2d: {  	s3 =	simm.s32 $0x108;
	s8 =	sld [smem:$0x3FB1]  }
0x2e: {  	s3 =	simm.s32 @!p0 $0x1082;
	s9 =	sld [smem:$0x3FB2]  }
0x2f: {  	lr =	sadd.s32 s0, s3;
	s0 =	sld [smem:$0x3FA9]  }
0x30: {  	s3 =	sld [smem:$0x3FAC]  }
0x31: {  	[smem:$0x3FB5] =	sst s10  }
0x32: {  	s10 =	sld [smem:$0x3FB3];
	_ =	sdelay $0x3  }
0x33: {  	p0 =	seq.s32 s10, $0x1;
	s10 =	sld [smem:$0x3FB5];
	_ =	sdelay $0x3  }
0x34: {  	[smem:$0x3FB5] =	sst s10  }
0x35: {  	s10 =	sld [smem:$0x3FB4];
	_ =	sdelay $0x3  }
0x36: {  	p1 =	seq.s32 s10, $0x1;
	s10 =	sld [smem:$0x3FB5];
	_ =	sdelay $0x3  }
0x37: {  	[smem:$0x3FB5] =	sst s10  }
0x38: {  	s10 =	sld [smem:$0x3FB6]  }
0x39: {  	_ = 	snop;
	(pc) =	sbr.ind lr, $3  }
0x3a: {  	_ = 	snop  }
0x3b: {  	_ = 	snop  }
0x3c: {  	p2 =	seq.s32 s10, $0x1;
	s10 =	sld [smem:$0x3FB5]  }
0x3d: {  	_ =	shalt  }
0x3e: {  	_ =	shalt  }
0x3f: {  	_ =	shalt  }
0x40: {  	_ =	shalt  }
0x41: {  	_ =	shalt  }
0x42: {  	_ =	shalt  }
0x43: {  	_ =	shalt  }
0x44: {  	_ =	shalt  }
0x45: {  	_ =	shalt  }
0x46: {  	_ =	shalt  }
0x47: {  	_ =	shalt  }
0x48: {  	_ =	shalt  }
0x49: {  	_ =	shalt  }
0x4a: {  	_ =	shalt  }
0x4b: {  	_ =	shalt  }
0x4c: {  	_ =	shalt  }
0x4d: {  	_ =	shalt  }
0x4e: {  	_ =	shalt  }
0x4f: {  	_ =	shalt  }
0x50: {  	_ =	shalt  }
0x51: {  	_ =	shalt  }
0x52: {  	_ =	shalt  }
0x53: {  	_ =	shalt  }
0x54: {  	_ =	shalt  }
0x55: {  	_ =	shalt  }
0x56: {  	_ =	shalt  }
0x57: {  	_ =	shalt  }
0x58: {  	_ =	shalt  }
0x59: {  	_ =	shalt  }
0x5a: {  	_ =	shalt  }
0x5b: {  	_ =	shalt  }
0x5c: {  	_ =	shalt  }
0x5d: {  	_ =	shalt  }
0x5e: {  	_ =	shalt  }
0x5f: {  	_ =	shalt  }
0x60: {  	_ =	shalt  }
0x61: {  	_ =	shalt  }
0x62: {  	_ =	shalt  }
0x63: {  	_ =	shalt  }
0x64: {  	_ =	shalt  }
0x65: {  	_ =	shalt  }
0x66: {  	_ =	shalt  }
0x67: {  	_ =	shalt  }
0x68: {  	_ =	shalt  }
0x69: {  	_ =	shalt  }
0x6a: {  	_ =	shalt  }
0x6b: {  	_ =	shalt  }
0x6c: {  	_ =	shalt  }
0x6d: {  	_ =	shalt  }
0x6e: {  	_ =	shalt  }
0x6f: {  	_ =	shalt  }
0x70: {  	_ =	shalt  }
0x71: {  	_ =	shalt  }
0x72: {  	_ =	shalt  }
0x73: {  	_ =	shalt  }
0x74: {  	_ =	shalt  }
0x75: {  	_ =	shalt  }
0x76: {  	_ =	shalt  }
0x77: {  	_ =	shalt  }
0x78: {  	_ =	shalt  }
0x79: {  	_ =	shalt  }
0x7a: {  	_ =	shalt  }
0x7b: {  	_ =	shalt  }
0x7c: {  	_ =	shalt  }
0x7d: {  	_ =	shalt  }
0x7e: {  	_ =	shalt  }
0x7f: {  	_ =	shalt  }
0x80: {  	_ =	shalt  }
0x81: {  	_ =	shalt  }
0x82: {  	_ =	shalt  }
0x83: {  	_ =	shalt  }
0x84: {  	_ =	shalt  }
0x85: {  	_ =	shalt  }
0x86: {  	_ =	shalt  }
0x87: {  	_ =	shalt  }
.Lfunc_end0:
.L_simem_size_0:
called_computation_lowered:
.L_overlay_start_0:
0x88: {  	s2 =	sld [smem:$0x3FD9]  }
0x89: {  	s3 =	sld [smem:$0x3FFE];
	_ =	sdelay $0x1  }
0x8a: {  	s1 =	srdreg.scid  }
0x8b: {  	s0 =	sand.u32 $0x1, s1  }
0x8c: {  	s17 =	sshll.u32 s0, $0xA;
	s2 =	sadd.s32 s3, s2  }
0x8d: {  	s2 =	sadd.s32 s2, s17  }
0x8e: {  	[smem:$0x3FC1] =	sst s2  }
0x8f: {  	_ = 	snop  }
0x90: {  	s2 =	sld [smem:$0x3FC6]  }
0x91: {  	s18 =	sld [smem:$0x3FD0];
	(tm) =	ssettm $0x1  }
0x92: {  	s4 =	sld [smem:$0x3FFB];
	_ =	sdelay $0x3  }
0x93: {  	_ =	strace s4  }
0x94: {  	s4 =	sld [smem:$0x3FFC];
	_ =	sdelay $0x3  }
0x95: {  	_ =	strace s4  }
0x96: {  	s4 =	sld [smem:$0x3FFD];
	_ =	sdelay $0x3  }
0x97: {  	_ =	strace s4  }
0x98: {  	_ =	strace $0x8FFFFFFF  }
0x99: {  	s19 =	sld [smem:$0x3FDB];
	_ =	sdelay $0x1  }
0x9a: {  	s5 =	simm.s32 $_scs_section_size  }
0x9b: {  	s6 =	simm.s32 $_size__tile_overlayer_lowered;
	s7 =	simm.s32 $_tile_overlayer_lowered  }
0x9c: {  	s22 =	simm.s32 $0x1BFF;
	s21 =	sshll.u32 s7, $0x1;
	s4 =	sadd.s32 s5, s19  }
0x9d: {  	s8 =	simm.s32 $0x0;
	s20 =	sshll.u32 s6, $0x1;
	s6 =	sadd.s32 s21, s4  }
0x9e: {  	[timem:s8], [sflag:s22] =	dma.local [hbm:s6], s20  }
0x9f: {  	_ =	swait.ge [sflag:s22], s20  }
0xa0: {  	s5 =	ssub.s32 $0x0, s20;
	[sflag:s22] =	ssyncset.done $0x0  }
0xa1: {  	[sflag:s22] =	ssyncadd.s32 s5;
	_ =	sdelay $0x1  }
0xa2: {  	s23 =	simm.s32 $0x1B8B  }
0xa3: {  	_ =	swait.ge [sflag:s23], $0x1  }
0xa4: {  	[sflag:s23] =	ssyncset.done $0x0  }
0xa5: {  	s25 =	simm.s32 $0x1B8E;
	s24 =	sld [smem:$0x3FFE];
	[sflag:s23] =	ssyncadd.s32 $0xFFFFFFFF  }
0xa6: {  	s26 =	simm.s32 $execute0_lowered;
	[smem:$0x3FD2] =	sst s25  }
0xa7: {  	s6 =	sshll.u32 s26, $0x1;
	_ =	strace $0x80000046;
	[dreg:$0x1] =	wrdreg $0xFFFFFFFF  }
0xa8: {  	s28 =	simm.s32 $_size_execute0_lowered;
	s4 =	sadd.s32 s4, s6;
	[dreg:$0x0] =	wrdreg $0x0  }
0xa9: {  	s6 =	sshll.u32 s28, $0x1;
	[dreg:$0x2] =	wrdreg s4  }
0xaa: {  	[dreg:$0x3] =	wrdreg s6  }
0xab: {  	[dreg:$0x4] =	wrdreg $0xC0  }
0xac: {  	_ =	task [dreg:s8], $0x5FFFF  }
0xad: {  	[dreg:$0x1] =	wrdreg $0xFFFFFFFF  }
0xae: {  	[dreg:$0x0] =	wrdreg $0x60  }
0xaf: {  	[dreg:$0x2] =	wrdreg s18  }
0xb0: {  	[dreg:$0x3] =	wrdreg s24  }
0xb1: {  	[dreg:$0x4] =	wrdreg s2  }
0xb2: {  	[dreg:$0x5] =	wrdreg $0x67800  }
0xb3: {  	[dreg:$0x6] =	wrdreg $0x1A0000  }
0xb4: {  	[dreg:$0x7] =	wrdreg $0x9  }
0xb5: {  	_ =	task.clear_ibuf [dreg:s8], $0x8FFFF;
	_ =	strace $0x90000046  }
0xb6: {  	s29 =	simm.s32 $0x9;
	_ =	strace $0x80000048  }
0xb7: {  	_ =	swait.ge [sflag:s29], $0x1  }
0xb8: {  	[sflag:s29] =	ssyncadd.s32 $0xFFFFFFFF  }
0xb9: {  	_ =	strace $0x90000048  }
0xba: {  	_ =	sfence  }
0xbb: {  	s30 =	sld [smem:$0x0];
	_ =	sdelay $0x2  }
0xbc: {  	s31 =	sshll.u32 s1, $0xD;
	s1 =	sshrl.u32 s1, $0x2  }
0xbd: {  	s3 =	sand.u32 $0x4000, s31;
	s1 =	sadd.s32 s1, s30  }
0xbe: {  	s0 =	sor.u32 s3, s0;
	s1 =	sshll.u32 s1, $0x11  }
0xbf: {  	s0 =	sor.u32 s1, s0  }
0xc0: {  	s0 =	sadd.s32 $0x8F2B, s0  }
0xc1: {  	[sflag:s0] =	ssyncadd.remote.s32 $0x1  }
0xc2: {  	_ =	sfence.sel $0xFFFF  }
0xc3: {  	[dreg:$0x0] =	wrdreg $0xFFFFFFFF;
	(pc) =	sbr.abs _section_cstart, $3  }
0xc4: {  	[dreg:$0x1] =	wrdreg $0xFFFFFFFF  }
0xc5: {  	_ =	task.clear_ibuf [dreg:s8], $0x2FFFF;
	_ =	strace $0x9FFFFFFF  }
0xc6: {  	(tm) =	ssettm $0x7FFFFFFF  }
0xc7: {  	_ =	shalt  }
tec
execute0_lowered:
.L_overlay_start_1:
0x0: {  	(tag) =	ssettag $0x1  }
0x1: {  	s1 =	rddreg [dreg:$0x0]  }
0x2: {  	s0 =	rddreg [dreg:$0x1]  }
0x3: {  	s2 =	rddreg [dreg:$0x2]  }
0x4: {  	s3 =	rddreg [dreg:$0x3]  }
0x5: {  	s4 =	rddreg [dreg:$0x4]  }
0x6: {  	s6 =	simm.s32 $0x0;
	s5 =	srdreg.scid;
	s8 =	stileid.u32  }
0x7: {  	[smem:$0x7FF] =	sst s6;
	s14 =	sand.u32 $0x1, s5;
	s5 =	smul.u32 $0x4E20, s8  }
0x8: {  	s7 =	sadd.s32 $0x1600, s0;
	s9 =	sadd.s32 $0x15400, s0;
	s10 =	sadd.s32 $0x15200, s0  }
0x9: {  	s19 =	sadd.s32 $0x15000, s0;
	_ =	strace $0x80000047;
	[dreg:$0x13] =	wrdreg s9  }
0xa: {  	s13 =	sadd.s32 $0x2B600, s0;
	s16 =	smul.u32 $0x2710, s8;
	[dreg:$0x14] =	wrdreg s10  }
0xb: {  	s18 =	smul.u32 $0x4E200, s14;
	[dreg:$0x15] =	wrdreg s19;
	s20 =	ssub.s32 $0x2, s14  }
0xc: {  	s15 =	smul.u32 $0x27100, s14;
	s12 =	sshll.u32 s14, $0x4;
	s11 =	sshrl.u32 s20, $0x1  }
0xd: {  	s17 =	ssub.s32 s8, s12;
	s9 =	sadd.s32 s5, s18;
	s10 =	ssub.s32 s20, s11  }
0xe: {  	s11 =	sadd.s32 s16, s15;
	s18 =	sor.u32 s8, s12;
	s12 =	smul.u32 $0x2710, s17  }
0xf: {  	s15 =	ssub.s32 s16, s15;
	s9 =	sshrl.u32 s9, $0x3;
	s21 =	sadd.s32 $0x4E2A0, s11  }
0x10: {  	s18 =	smul.u32 $0x2710, s18;
	s19 =	sadd.s32 $0x271A0, s15;
	s23 =	sadd.s32 $0x753A0, s15  }
0x11: {  	s20 =	sadd.s32 $0x50, s11;
	s9 =	sadd.s32 s9, s0;
	s0 =	smul.u32 $0x1388, s14  }
0x12: {  	s17 =	sshrl.u32 s21, $0x3;
	s22 =	sshrl.u32 s19, $0x3;
	s19 =	sshrl.u32 s23, $0x3  }
0x13: {  	s25 =	sshrl.u32 s20, $0x3;
	s20 =	sadd.s32 $0x4E250, s11;
	s17 =	sadd.s32 s17, s7  }
0x14: {  	s23 =	sadd.s32 $0x27150, s15;
	s24 =	sadd.s32 s19, s7;
	[dreg:$0x6] =	wrdreg s17  }
0x15: {  	s14 =	smul.u32 $0x138800, s14;
	s26 =	sadd.s32 s25, s2;
	[dreg:$0x8] =	wrdreg s24  }
0x16: {  	s15 =	sadd.s32 $0x75350, s15;
	s19 =	sadd.s32 s25, s7;
	[dreg:$0x9] =	wrdreg s26  }
0x17: {  	s15 =	sshrl.u32 s15, $0x3;
	s17 =	sadd.s32 s22, s2;
	[dreg:$0xa] =	wrdreg s19  }
0x18: {  	s18 =	sshrl.u32 s18, $0x3;
	s15 =	sadd.s32 s15, s7;
	[dreg:$0x7] =	wrdreg s17  }
0x19: {  	s21 =	sadd.s32 s7, s18;
	s26 =	simm.s32 $0x180;
	[dreg:$0xd] =	wrdreg s15  }
0x1a: {  	s24 =	sshrl.u32 s23, $0x3;
	s23 =	simm.s32 $0x480;
	[dreg:$0xe] =	wrdreg s26  }
0x1b: {  	s22 =	sadd.s32 $0x75300, s12;
	s17 =	sshrl.u32 s20, $0x3;
	[dreg:$0x10] =	wrdreg s23  }
0x1c: {  	s20 =	sshrl.u32 s22, $0x3;
	s22 =	simm.s32 $0x280;
	[dreg:$0x16] =	wrdreg s21  }
0x1d: {  	s25 =	smul.u32 $0x13800, s8;
	s26 =	simm.s32 $0x2F00;
	[dreg:$0xf] =	wrdreg s22  }
0x1e: {  	s16 =	sadd.s32 $0x27100, s12;
	s17 =	sadd.s32 s17, s7;
	[dreg:$0x12] =	wrdreg s26  }
0x1f: {  	s19 =	sadd.s32 s25, s14;
	s22 =	sadd.s32 s7, s20;
	[dreg:$0xb] =	wrdreg s17  }
0x20: {  	s19 =	sshrl.u32 s19, $0x3;
	s17 =	sadd.s32 s24, s2;
	[dreg:$0x19] =	wrdreg s22  }
0x21: {  	s14 =	sshrl.u32 s14, $0x3;
	s19 =	sadd.s32 s13, s19;
	[dreg:$0xc] =	wrdreg s17  }
0x22: {  	s23 =	sshrl.u32 s16, $0x3;
	s24 =	simm.s32 $0x580;
	[dreg:$0x17] =	wrdreg s19  }
0x23: {  	s13 =	sadd.s32 s13, s14;
	s14 =	sadd.s32 s2, s23;
	[dreg:$0x11] =	wrdreg s24  }
0x24: {  	s22 =	sadd.s32 $0x17C00, s9;
	[dreg:$0x1a] =	wrdreg s14  }
0x25: {  	s23 =	sadd.s32 $0x17CFA, s9;
	[smem:$0x7DA] =	sst s22  }
0x26: {  	s26 =	sadd.s32 $0x4D8, s18;
	s19 =	sadd.s32 s2, s18;
	[smem:$0x7DB] =	sst s23  }
0x27: {  	s18 =	sadd.s32 s7, s26;
	[dreg:$0x18] =	wrdreg s19  }
0x28: {  	s14 =	sadd.s32 s2, s26;
	[dreg:$0x1d] =	wrdreg s18  }
0x29: {  	s20 =	sadd.s32 $0x24900, s13;
	[dreg:$0x1e] =	wrdreg s14  }
0x2a: {  	s26 =	sadd.s32 $0x17FE8, s9;
	[smem:$0x7D9] =	sst s20  }
0x2b: {  	s25 =	smul.u32 $0x138A0, s8;
	s13 =	sadd.s32 $0x180E2, s9;
	[smem:$0x7DE] =	sst s26  }
0x2c: {  	s22 =	sadd.s32 $0x9C40, s21;
	[smem:$0x7DF] =	sst s13  }
0x2d: {  	s15 =	sshrl.u32 s25, $0x2;
	s23 =	sadd.s32 $0x124800, s3;
	[smem:$0x7E7] =	sst s22  }
0x2e: {  	s16 =	sadd.s32 s15, s4;
	[smem:$0x7E8] =	sst s23  }
0x2f: {  	s14 =	sadd.s32 $0x181DC, s9;
	[dreg:$0x1c] =	wrdreg s16  }
0x30: {  	s18 =	sadd.s32 $0x184CA, s9;
	[smem:$0x7E0] =	sst s14  }
0x31: {  	s20 =	sadd.s32 $0xA0, s11;
	[smem:$0x7E3] =	sst s18  }
0x32: {  	s17 =	smul.u32 $0x4E000, s8;
	s26 =	sadd.s32 $0x1770, s16;
	[smem:$0x7E5] =	sst s20  }
0x33: {  	s11 =	sadd.s32 $0x2EE0, s16;
	[smem:$0x7EB] =	sst s26  }
0x34: {  	s13 =	sadd.s32 $0x36B0, s16;
	s24 =	sshrl.u32 s17, $0x2;
	[smem:$0x7EE] =	sst s11  }
0x35: {  	s17 =	sadd.s32 $0x297C0, s12;
	[smem:$0x7EF] =	sst s13;
	s14 =	sadd.s32 $0x3E80, s16  }
0x36: {  	s12 =	sadd.s32 $0x779C0, s12;
	s25 =	sadd.s32 s24, s3;
	[smem:$0x7F0] =	sst s14  }
0x37: {  	s12 =	sshrl.u32 s12, $0x3;
	s24 =	sadd.s32 $0x17DF4, s9;
	[dreg:$0x1b] =	wrdreg s25  }
0x38: {  	s15 =	sshrl.u32 s17, $0x3;
	s17 =	sadd.s32 $0x183D0, s9;
	[smem:$0x7DC] =	sst s24  }
0x39: {  	s12 =	sadd.s32 s7, s12;
	[smem:$0x7E2] =	sst s17  }
0x3a: {  	s19 =	sadd.s32 s2, s15;
	[dreg:$0x1f] =	wrdreg s12  }
0x3b: {  	s25 =	sadd.s32 $0x17EEE, s9;
	[smem:$0x7D8] =	sst s19  }
0x3c: {  	s15 =	sadd.s32 $0x182D6, s9;
	[smem:$0x7DD] =	sst s25  }
0x3d: {  	s24 =	sadd.s32 $0x7D0, s16;
	[smem:$0x7E1] =	sst s15  }
0x3e: {  	s9 =	sadd.s32 $0x1F40, s16;
	[smem:$0x7E9] =	sst s24  }
0x3f: {  	s17 =	sadd.s32 $0xA118, s21;
	[smem:$0x7EC] =	sst s9  }
0x40: {  	s19 =	smax.u32 s10, $0x1;
	[smem:$0x7F3] =	sst s17  }
0x41: {  	s28 =	simm.s32 $0x80;
	s25 =	sadd.s32 $0xFA0, s16;
	[smem:$0x7E4] =	sst s19  }
0x42: {  	s29 =	simm.s32 $0x2;
	s10 =	sadd.s32 $0x2710, s16;
	[smem:$0x7EA] =	sst s25  }
0x43: {  	s30 =	simm.s32 $0x600;
	s15 =	sadd.s32 $0x4650, s16;
	[smem:$0x7ED] =	sst s10  }
0x44: {  	p0 =	seq.s32 s8, $0xF;
	s16 =	sadd.s32 $0x4E20, s16;
	[smem:$0x7F1] =	sst s15  }
0x45: {  	s12 =	sadd.s32 s5, s4;
	s5 =	sadd.s32 $0x138000, s3;
	[smem:$0x7F2] =	sst s16  }
0x46: {  	s31 =	simm.s32 $0x3;
	s5 =	sshrl.u32 @p0 s5, $0x3;
	[smem:$0x7FC] =	sst s12  }
0x47: {  	p1 =	sne.s32 s8, $0xF;
	s18 =	sadd.s32 $0x7D0, s12;
	[smem:$0x7E6] =	sst s5  }
0x48: {  	s13 =	simm.s32 $0x200;
	s19 =	sadd.s32 $0xFA0, s12;
	[smem:$0x7F4] =	sst s18  }
0x49: {  	s11 =	simm.s32 $0x300;
	s20 =	sadd.s32 $0x1770, s12;
	[smem:$0x7F5] =	sst s19  }
0x4a: {  	s14 =	simm.s32 $0x400;
	s21 =	sadd.s32 $0x1F40, s12;
	[smem:$0x7F6] =	sst s20  }
0x4b: {  	s17 =	simm.s32 $0x500;
	s22 =	sadd.s32 $0x2710, s12;
	[smem:$0x7F7] =	sst s21  }
0x4c: {  	s23 =	sadd.s32 $0x2EE0, s12;
	s24 =	sadd.s32 $0x36B0, s12;
	[smem:$0x7F8] =	sst s22  }
0x4d: {  	s25 =	sadd.s32 $0x3E80, s12;
	s26 =	sadd.s32 $0x4650, s12;
	[smem:$0x7F9] =	sst s23  }
0x4e: {  	s15 =	simm.s32 $0x100;
	s12 =	simm.s32 $0x5F00;
	[smem:$0x7FA] =	sst s24  }
0x4f: {  	s16 =	simm.s32 $0x0;
	s5 =	sor.u32 $0x4E200, s8;
	[smem:$0x7FB] =	sst s25  }
0x50: {  	[smem:$0x7FD] =	sst s26;
	s18 =	simm.s32 $0x5700;
	s19 =	simm.s32 $0x6  }
0x51: {  	s20 =	simm.s32 $0x6700;
	s21 =	simm.s32 $0x1;
	s22 =	simm.s32 $0x50  }
0x52: {  	v0 =	vmov s0;
	s24 =	simm.s32 $0x700;
	s25 =	simm.s32 $0x4;
	s26 =	simm.s32 $0x5;
	v1 =	vmov s5  }
.LBB2_1:
0x53: {  	s0 =	rddreg [dreg:$0x16]  }
0x54: {  	s9 =	sld [smem:$0x7E7]  }
0x55: {  	s10 =	rddreg [dreg:$0x18]  }
0x56: {  	[tilespmem:s6], [sflag:$0x1] =	stream.linear.gather [hbm4b:s0+s6], $0x50, $0x38;
	[tilespmem:$0x1EE28] =	vst v63  }
0x57: {  	s8 =	rddreg [dreg:$0x13]  }
0x58: {  	[tilespmem:s15], [sflag:$0x1] =	stream.linear.gather [hbm4b:s9+s6], $0x50, $0x38;
	[tilespmem:$0x1EE28] =	vst v63  }
0x59: {  	s0 =	sld [smem:$0x7E8]  }
0x5a: {  	[tilespmem:s13], [sflag:$0x1] =	stream.linear.gather [hbm4b:s10+s6], $0x50, $0x38;
	[tilespmem:$0x1EE28] =	vst v63  }
0x5b: {  	s13 =	rddreg [dreg:$0x19]  }
0x5c: {  	[tilespmem:s14], [sflag:$0x1] =	stream.linear.gather [hbm4b:s13+s6], $0x50, $0x38;
	[tilespmem:$0x1EE28] =	vst v63  }
0x5d: {  	s5 =	simm.s32 @p0 $0x1FC4;
	s0 =	sshrl.u32 @p0 s0, $0x3;
	s14 =	rddreg [dreg:$0x1a]  }
0x5e: {  	[tilespmem:s17], [sflag:$0x1] =	stream.linear.gather [hbm4b:s14+s6], $0x50, $0x38;
	[tilespmem:$0x1EE28] =	vst v63  }
0x5f: {  	[spmem:s0], [sflag:s5] =	dma.local @p0 [hbm:s8], $0x2780  }
0x60: {  	s9 =	sld [smem:$0x7E6];
	_ =	sdelay $0x2  }
0x61: {  	[spmem:s9], [sflag:s5] =	dma.local @p0 [hbm:s8], $0x100  }
0x62: {  	s5 =	stileid.u32  }
0x63: {  	s5 =	sshll.u32 @!p0 s5, $0x6;
	s9 =	rddreg [dreg:$0x1b]  }
0x64: {  	s10 =	sor.u32 @!p0 $0x1C04, s5;
	s9 =	sshrl.u32 @!p0 s9, $0x3  }
0x65: {  	[spmem:s9], [sflag:s10] =	dma.local @!p0 [hbm:s8], $0x2780  }
0x66: {  	s8 =	rddreg [dreg:$0x14]  }
0x67: {  	[tilespmem:s18], [sflag:$0x6] =	stream.linear.gather [hbm4b:s8+s6], $0x800, $0x38;
	[tilespmem:$0x1EE28] =	vst v63  }
0x68: {  	_ =	swait.ge [sflag:s19], $0x800  }
0x69: {  	[sflag:s19] =	ssyncset.done $0x0;
	s17 =	rddreg [dreg:$0x1c]  }
0x6a: {  	s23 =	sld [smem:$0x7E9];
	[sflag:s19] =	ssyncadd.s32 $0xFFFFF800  }
0x6b: {  	[spmem:s17] =	stream.linear.scatter [tilespmem:s18], [sflag:$0x5], $0x7D0, $0x38;
	[tilespmem:$0x1EE28] =	vst v63  }
0x6c: {  	s10 =	sld [smem:$0x7EA]  }
0x6d: {  	[spmem:s23] =	stream.linear.scatter [tilespmem:s18], [sflag:$0x5], $0x7D0, $0x38;
	[tilespmem:$0x1EE28] =	vst v63  }
0x6e: {  	s13 =	sld [smem:$0x7EB]  }
0x6f: {  	[spmem:s10] =	stream.linear.scatter [tilespmem:s18], [sflag:$0x5], $0x7D0, $0x38;
	[tilespmem:$0x1EE28] =	vst v63  }
0x70: {  	s14 =	sld [smem:$0x7EC]  }
0x71: {  	[spmem:s13] =	stream.linear.scatter [tilespmem:s18], [sflag:$0x5], $0x7D0, $0x38;
	[tilespmem:$0x1EE28] =	vst v63  }
0x72: {  	s17 =	sld [smem:$0x7ED]  }
0x73: {  	[spmem:s14] =	stream.linear.scatter [tilespmem:s18], [sflag:$0x5], $0x7D0, $0x38;
	[tilespmem:$0x1EE28] =	vst v63  }
0x74: {  	s23 =	sld [smem:$0x7EE]  }
0x75: {  	[spmem:s17] =	stream.linear.scatter [tilespmem:s18], [sflag:$0x5], $0x7D0, $0x38;
	[tilespmem:$0x1EE28] =	vst v63  }
0x76: {  	s10 =	sld [smem:$0x7EF]  }
0x77: {  	[spmem:s23] =	stream.linear.scatter [tilespmem:s18], [sflag:$0x5], $0x7D0, $0x38;
	[tilespmem:$0x1EE28] =	vst v63  }
0x78: {  	s13 =	sld [smem:$0x7F0]  }
0x79: {  	[spmem:s10] =	stream.linear.scatter [tilespmem:s18], [sflag:$0x5], $0x7D0, $0x38;
	[tilespmem:$0x1EE28] =	vst v63  }
0x7a: {  	s14 =	sld [smem:$0x7F1]  }
0x7b: {  	[spmem:s13] =	stream.linear.scatter [tilespmem:s18], [sflag:$0x5], $0x7D0, $0x38;
	[tilespmem:$0x1EE28] =	vst v63  }
0x7c: {  	s17 =	sld [smem:$0x7F2]  }
0x7d: {  	[spmem:s14] =	stream.linear.scatter [tilespmem:s18], [sflag:$0x5], $0x7D0, $0x38;
	[tilespmem:$0x1EE28] =	vst v63  }
0x7e: {  	_ = 	snop  }
0x7f: {  	[spmem:s17] =	stream.linear.scatter [tilespmem:s18], [sflag:$0x5], $0x8, $0x38;
	[tilespmem:$0x1EE28] =	vst v63  }
0x80: {  	s23 =	rddreg [dreg:$0x15]  }
0x81: {  	[tilespmem:s20], [sflag:$0x6] =	stream.linear.gather [hbm4b:s23+s6], $0x80, $0x38;
	[tilespmem:$0x1EE28] =	vst v63  }
0x82: {  	_ =	swait.ge [sflag:s19], $0x80  }
0x83: {  	[sflag:s19] =	ssyncset.done $0x0  }
0x84: {  	[sflag:s19] =	ssyncadd.s32 $0xFFFFFF80  }
0x85: {  	_ =	swait.ge [sflag:s21], $0x50  }
0x86: {  	[sflag:s21] =	ssyncset.done $0x0  }
0x87: {  	[sflag:s21] =	ssyncadd.s32 $0xFFFFFFB0  }
0x88: {  	_ =	swait.ge [sflag:s21], $0x50  }
0x89: {  	[sflag:s21] =	ssyncset.done $0x0  }
0x8a: {  	[sflag:s21] =	ssyncadd.s32 $0xFFFFFFB0  }
0x8b: {  	_ =	swait.ge [sflag:s21], $0x50  }
0x8c: {  	[sflag:s21] =	ssyncset.done $0x0  }
0x8d: {  	[sflag:s21] =	ssyncadd.s32 $0xFFFFFFB0  }
0x8e: {  	_ =	swait.ge [sflag:s21], $0x50  }
0x8f: {  	[sflag:s21] =	ssyncset.done $0x0  }
0x90: {  	[sflag:s21] =	ssyncadd.s32 $0xFFFFFFB0  }
0x91: {  	_ =	swait.ge [sflag:s21], $0x50  }
0x92: {  	[sflag:s21] =	ssyncset.done $0x0  }
0x93: {  	[sflag:s21] =	ssyncadd.s32 $0xFFFFFFB0  }
0x94: {  	[tilespmem:s24], [sflag:$0x2] =	stream.indirect.gather [hbm4b:s1+s22], $0x80, s6, s22, $0xb8;
	[tilespmem:$0x1EE28] =	vst v63  }
0x95: {  	_ =	swait.ge [sflag:s25], $0x2780  }
0x96: {  	[sflag:s25] =	ssyncset.done $0x0  }
0x97: {  	s10 =	simm.s32 @!p1 $0x4;
	[sflag:s25] =	ssyncadd.s32 $0xFFFFD880  }
0x98: {  	_ =	swait.ge @!p1 [sflag:s10], $0x100  }
0x99: {  	[sflag:s10] =	ssyncset.done @!p1 $0x0  }
0x9a: {  	[sflag:s10] =	ssyncadd.s32 @!p1 $0xFFFFFF00  }
0x9b: {  	_ =	swait.ge [sflag:s26], $0x7D0  }
0x9c: {  	[sflag:s26] =	ssyncset.done $0x0  }
0x9d: {  	[sflag:s26] =	ssyncadd.s32 $0xFFFFF830  }
0x9e: {  	_ =	swait.ge [sflag:s26], $0x7D0  }
0x9f: {  	[sflag:s26] =	ssyncset.done $0x0  }
0xa0: {  	[sflag:s26] =	ssyncadd.s32 $0xFFFFF830  }
0xa1: {  	_ =	swait.ge [sflag:s26], $0x7D0  }
0xa2: {  	[sflag:s26] =	ssyncset.done $0x0  }
0xa3: {  	[sflag:s26] =	ssyncadd.s32 $0xFFFFF830  }
0xa4: {  	_ =	swait.ge [sflag:s26], $0x7D0  }
0xa5: {  	[sflag:s26] =	ssyncset.done $0x0  }
0xa6: {  	[sflag:s26] =	ssyncadd.s32 $0xFFFFF830  }
0xa7: {  	_ =	swait.ge [sflag:s26], $0x7D0  }
0xa8: {  	[sflag:s26] =	ssyncset.done $0x0  }
0xa9: {  	[sflag:s26] =	ssyncadd.s32 $0xFFFFF830  }
0xaa: {  	_ =	swait.ge [sflag:s26], $0x7D0  }
0xab: {  	[sflag:s26] =	ssyncset.done $0x0  }
0xac: {  	[sflag:s26] =	ssyncadd.s32 $0xFFFFF830  }
0xad: {  	_ =	swait.ge [sflag:s26], $0x7D0  }
0xae: {  	[sflag:s26] =	ssyncset.done $0x0  }
0xaf: {  	[sflag:s26] =	ssyncadd.s32 $0xFFFFF830  }
0xb0: {  	_ =	swait.ge [sflag:s26], $0x7D0  }
0xb1: {  	[sflag:s26] =	ssyncset.done $0x0  }
0xb2: {  	[sflag:s26] =	ssyncadd.s32 $0xFFFFF830  }
0xb3: {  	_ =	swait.ge [sflag:s26], $0x7D0  }
0xb4: {  	[sflag:s26] =	ssyncset.done $0x0  }
0xb5: {  	[sflag:s26] =	ssyncadd.s32 $0xFFFFF830  }
0xb6: {  	_ =	swait.ge [sflag:s26], $0x7D0  }
0xb7: {  	[sflag:s26] =	ssyncset.done $0x0  }
0xb8: {  	[sflag:s26] =	ssyncadd.s32 $0xFFFFF830  }
0xb9: {  	_ =	swait.ge [sflag:s26], $0x8  }
0xba: {  	[sflag:s26] =	ssyncset.done $0x0  }
0xbb: {  	[sflag:s26] =	ssyncadd.s32 $0xFFFFFFF8  }
0xbc: {  	[bflag:$0x0] =	sbarrier.arrive $0xFFFF  }
0xbd: {  	s13 =	simm.s32 $0x0;
	s10 =	sld [smem:$0x7E5]  }
.LBB2_2:
0xbe: {  	s14 =	rddreg [dreg:$0xa]  }
0xbf: {  	s8 =	rddreg [dreg:$0xb]  }
0xc0: {  	s23 =	rddreg [dreg:$0xe]  }
0xc1: {  	s17 =	rddreg [dreg:$0x9];
	s14 =	sadd.s32 s13, s14  }
0xc2: {  	[tilespmem:s28], [sflag:$0x1] =	stream.linear.gather [hbm4b:s14+s6], $0x50, $0x38;
	[tilespmem:$0x1EE28] =	vst v63  }
0xc3: {  	s14 =	sadd.s32 s13, s8;
	s8 =	rddreg [dreg:$0xf]  }
0xc4: {  	[tilespmem:s23], [sflag:$0x1] =	stream.linear.gather [hbm4b:s14+s6], $0x50, $0x38;
	[tilespmem:$0x1EE28] =	vst v63  }
0xc5: {  	s23 =	rddreg [dreg:$0xd]  }
0xc6: {  	s17 =	sadd.s32 s13, s17;
	s14 =	rddreg [dreg:$0x10]  }
0xc7: {  	[tilespmem:s8], [sflag:$0x1] =	stream.linear.gather [hbm4b:s17+s6], $0x50, $0x38;
	[tilespmem:$0x1EE28] =	vst v63  }
0xc8: {  	s17 =	rddreg [dreg:$0xc];
	s8 =	sadd.s32 s13, s23  }
0xc9: {  	[tilespmem:s14], [sflag:$0x1] =	stream.linear.gather [hbm4b:s8+s6], $0x50, $0x38;
	[tilespmem:$0x1EE28] =	vst v63  }
0xca: {  	s23 =	rddreg [dreg:$0x11];
	s17 =	sadd.s32 s13, s17  }
0xcb: {  	[tilespmem:s23], [sflag:$0x1] =	stream.linear.gather [hbm4b:s17+s6], $0x50, $0x38;
	[tilespmem:$0x1EE28] =	vst v63  }
0xcc: {  	v2 =	vld [tilespmem:$0x100]  }
0xcd: {  	v6 =	vld [tilespmem:$0x120]  }
0xce: {  	v8 =	vld [tilespmem:$0x130]  }
0xcf: {  	v11 =	vld [tilespmem:$0x140]  }
0xd0: {  	v12 =	vld [tilespmem:$0x400]  }
0xd1: {  	v13 =	vld [tilespmem:$0x410]  }
0xd2: {  	v16 =	vld [tilespmem:$0x420]  }
0xd3: {  	v18 =	vld [tilespmem:$0x430]  }
0xd4: {  	v21 =	vld [tilespmem:$0x440];
	_ =	sdelay $0x1  }
0xd5: {  	v3 =	vld [tilespmem:$0x200];
	v2 =	vsub.s32 v2, v0  }
0xd6: {  	v4 =	vld [tilespmem:$0x110];
	v57 =	vsub.s32 v6, v0;
	v8 =	vsub.s32 v8, v0;
	v63 =	vsub.s32 v11, v0  }
0xd7: {  	v7 =	vld [tilespmem:$0x220];
	v17 =	vsub.s32 v12, v0;
	v20 =	vsub.s32 v13, v0;
	v24 =	vsub.s32 v16, v0  }
0xd8: {  	v9 =	vld [tilespmem:$0x230];
	v27 =	vsub.s32 v18, v0;
	v28 =	vsub.s32 v21, v0;
	v10 =	vshll.u32 v2, $0x6  }
0xd9: {  	vm0 =	vlt.u32 v2, $0x1388;
	v59 =	vshll.u32 v57, $0x6;
	vm11 =	vlt.u32 v57, $0x1388  }
0xda: {  	v5 =	vld [tilespmem:$0x210];
	v61 =	vshll.u32 v8, $0x6;
	vm1 =	vlt.u32 v8, $0x1388;
	v11 =	vshll.u32 v63, $0x6  }
0xdb: {  	v55 =	vld [tilespmem:$0x240];
	vm12 =	vlt.u32 v63, $0x1388;
	v19 =	vshll.u32 v17, $0x6;
	vm13 =	vlt.u32 v17, $0x1388  }
0xdc: {  	v58 =	vld [tilespmem:$0x500];
	v22 =	vshll.u32 v20, $0x6;
	v2 =	vadd.s32 v3, v10;
	v3 =	vsub.s32 v4, v0  }
0xdd: {  	v62 =	vld [tilespmem:$0x510];
	v60 =	vadd.s32 v7, v59;
	v7 =	vadd.s32 v9, v61;
	v2 =	vsel vm0, v2, v1  }
0xde: {  	v14 =	vld [tilespmem:$0x520];
	vm14 =	vlt.u32 v20, $0x1388;
	v56 =	vshll.u32 v3, $0x6;
	v7 =	vsel vm1, v7, v1;
	[tilespmem:$0x300] =	vst v2  }
0xdf: {  	v23 =	vld [tilespmem:$0x530];
	vm10 =	vlt.u32 v3, $0x1388;
	v3 =	vadd.s32 v5, v56;
	v5 =	vsel vm11, v60, v1;
	[tilespmem:$0x330] =	vst v7  }
0xe0: {  	v25 =	vld [tilespmem:$0x540];
	v26 =	vshll.u32 v24, $0x6;
	v4 =	vadd.s32 v55, v11;
	v3 =	vsel vm10, v3, v1;
	[tilespmem:$0x320] =	vst v5  }
0xe1: {  	vm15 =	vlt.u32 v24, $0x1388;
	v2 =	vsel vm12, v4, v1;
	[tilespmem:$0x310] =	vst v3;
	v3 =	vadd.s32 v58, v19  }
0xe2: {  	vm4 =	vlt.u32 v27, $0x1388;
	v4 =	vadd.s32 v62, v22;
	[tilespmem:$0x340] =	vst v2;
	v3 =	vsel vm13, v3, v1  }
0xe3: {  	v4 =	vsel vm14, v4, v1;
	v2 =	vadd.s32 v14, v26;
	[tilespmem:$0x600] =	vst v3;
	v3 =	vshll.u32 v27, $0x6  }
0xe4: {  	v29 =	vshll.u32 v28, $0x6;
	v2 =	vsel vm15, v2, v1;
	[tilespmem:$0x610] =	vst v4;
	v3 =	vadd.s32 v23, v3  }
0xe5: {  	vm5 =	vlt.u32 v28, $0x1388;
	[tilespmem:$0x620] =	vst v2;
	v2 =	vsel vm4, v3, v1;
	v3 =	vadd.s32 v25, v29  }
0xe6: {  	[tilespmem:$0x630] =	vst v2;
	v2 =	vsel vm5, v3, v1  }
0xe7: {  	[tilespmem:$0x640] =	vst v2  }
0xe8: {  	_ =	swait.ge [sflag:s29], $0x2800  }
0xe9: {  	[sflag:s29] =	ssyncset.done $0x0  }
0xea: {  	[sflag:s29] =	ssyncadd.s32 $0xFFFFD800  }
0xeb: {  	[spmem:s3] =	stream.indirect.scatter.add.f32 [tilespmem:s24], [sflag:$0x4], $0x80, s15, s22, $0xb8;
	[tilespmem:$0x1EE28] =	vst v63  }
0xec: {  	_ = 	snop  }
0xed: {  	[spmem:s4] =	stream.indirect.scatter.add.f32 [tilespmem:s20], [sflag:$0x4], $0x1, s11, s22, $0xb8;
	[tilespmem:$0x1EE28] =	vst v63  }
0xee: {  	_ = 	snop  }
0xef: {  	[spmem:s4] =	stream.indirect.scatter.add.f32 [tilespmem:s20], [sflag:$0x4], $0x1, s30, s22, $0xb8;
	[tilespmem:$0x1EE28] =	vst v63  }
0xf0: {  	_ =	swait.ge [sflag:s21], $0x50  }
0xf1: {  	[sflag:s21] =	ssyncset.done $0x0  }
0xf2: {  	[sflag:s21] =	ssyncadd.s32 $0xFFFFFFB0  }
0xf3: {  	_ =	swait.ge [sflag:s21], $0x50  }
0xf4: {  	[sflag:s21] =	ssyncset.done $0x0  }
0xf5: {  	[sflag:s21] =	ssyncadd.s32 $0xFFFFFFB0  }
0xf6: {  	_ =	swait.ge [sflag:s21], $0x50  }
0xf7: {  	[sflag:s21] =	ssyncset.done $0x0  }
0xf8: {  	[sflag:s21] =	ssyncadd.s32 $0xFFFFFFB0  }
0xf9: {  	_ =	swait.ge [sflag:s21], $0x50  }
0xfa: {  	[sflag:s21] =	ssyncset.done $0x0  }
0xfb: {  	[sflag:s21] =	ssyncadd.s32 $0xFFFFFFB0  }
0xfc: {  	_ =	swait.ge [sflag:s21], $0x50  }
0xfd: {  	[sflag:s21] =	ssyncset.done $0x0  }
0xfe: {  	[sflag:s21] =	ssyncadd.s32 $0xFFFFFFB0  }
0xff: {  	v2 =	vld [tilespmem:$0x180]  }
0x100: {  	v32 =	vld [tilespmem:$0x1A0]  }
0x101: {  	v34 =	vld [tilespmem:$0x1B0]  }
0x102: {  	v37 =	vld [tilespmem:$0x1C0]  }
0x103: {  	v40 =	vld [tilespmem:$0x480]  }
0x104: {  	v44 =	vld [tilespmem:$0x490]  }
0x105: {  	v49 =	vld [tilespmem:$0x4A0]  }
0x106: {  	v52 =	vld [tilespmem:$0x4B0]  }
0x107: {  	v55 =	vld [tilespmem:$0x4C0];
	_ =	sdelay $0x1  }
0x108: {  	v2 =	vsub.s32 v2, v0  }
0x109: {  	v3 =	vld [tilespmem:$0x280];
	v41 =	vsub.s32 v32, v0;
	v8 =	vsub.s32 v34, v0;
	v48 =	vsub.s32 v37, v0  }
0x10a: {  	v30 =	vld [tilespmem:$0x190];
	v51 =	vsub.s32 v40, v0;
	v54 =	vsub.s32 v44, v0;
	v58 =	vsub.s32 v49, v0  }
0x10b: {  	v33 =	vld [tilespmem:$0x2A0];
	v61 =	vsub.s32 v52, v0;
	v62 =	vsub.s32 v55, v0;
	v36 =	vshll.u32 v2, $0x6  }
0x10c: {  	v35 =	vld [tilespmem:$0x2B0];
	vm6 =	vlt.u32 v2, $0x1388;
	v43 =	vshll.u32 v41, $0x6;
	vm8 =	vlt.u32 v41, $0x1388  }
0x10d: {  	v31 =	vld [tilespmem:$0x290];
	v46 =	vshll.u32 v8, $0x6;
	vm9 =	vlt.u32 v8, $0x1388;
	v11 =	vshll.u32 v48, $0x6  }
0x10e: {  	v38 =	vld [tilespmem:$0x2C0];
	vm10 =	vlt.u32 v48, $0x1388;
	v53 =	vshll.u32 v51, $0x6;
	vm11 =	vlt.u32 v51, $0x1388  }
0x10f: {  	v42 =	vld [tilespmem:$0x580];
	v56 =	vshll.u32 v54, $0x6;
	vm12 =	vlt.u32 v54, $0x1388;
	v2 =	vadd.s32 v3, v36  }
0x110: {  	v47 =	vld [tilespmem:$0x590];
	v3 =	vsub.s32 v30, v0;
	v45 =	vadd.s32 v33, v43;
	v2 =	vsel vm6, v2, v1  }
0x111: {  	v50 =	vld [tilespmem:$0x5A0];
	v7 =	vadd.s32 v35, v46;
	v39 =	vshll.u32 v3, $0x6;
	v5 =	vsel vm8, v45, v1;
	[tilespmem:$0x380] =	vst v2  }
0x112: {  	v57 =	vld [tilespmem:$0x5B0];
	vm7 =	vlt.u32 v3, $0x1388;
	v7 =	vsel vm9, v7, v1;
	v3 =	vadd.s32 v31, v39;
	[tilespmem:$0x3A0] =	vst v5  }
0x113: {  	v59 =	vld [tilespmem:$0x5C0];
	v60 =	vshll.u32 v58, $0x6;
	v4 =	vadd.s32 v38, v11;
	[tilespmem:$0x3B0] =	vst v7;
	v3 =	vsel vm7, v3, v1  }
0x114: {  	vm13 =	vlt.u32 v58, $0x1388;
	v2 =	vsel vm10, v4, v1;
	[tilespmem:$0x390] =	vst v3;
	v3 =	vadd.s32 v42, v53  }
0x115: {  	vm14 =	vlt.u32 v61, $0x1388;
	v4 =	vadd.s32 v47, v56;
	[tilespmem:$0x3C0] =	vst v2;
	v3 =	vsel vm11, v3, v1  }
0x116: {  	v4 =	vsel vm12, v4, v1;
	v2 =	vadd.s32 v50, v60;
	[tilespmem:$0x680] =	vst v3;
	v3 =	vshll.u32 v61, $0x6  }
0x117: {  	v63 =	vshll.u32 v62, $0x6;
	v2 =	vsel vm13, v2, v1;
	[tilespmem:$0x690] =	vst v4;
	v3 =	vadd.s32 v57, v3  }
0x118: {  	vm15 =	vlt.u32 v62, $0x1388;
	[tilespmem:$0x6A0] =	vst v2;
	v2 =	vsel vm14, v3, v1;
	v3 =	vadd.s32 v59, v63  }
0x119: {  	[tilespmem:$0x6B0] =	vst v2;
	v2 =	vsel vm15, v3, v1  }
0x11a: {  	s23 =	rddreg [dreg:$0x12];
	[tilespmem:$0x6C0] =	vst v2  }
0x11b: {  	[tilespmem:s23], [sflag:$0x3] =	stream.indirect.gather [hbm4b:s1+s22], $0x80, s28, s22, $0xb8;
	[tilespmem:$0x1EE28] =	vst v63  }
0x11c: {  	_ =	swait.ge [sflag:s25], $0x2800  }
0x11d: {  	[sflag:s25] =	ssyncset.done $0x0  }
0x11e: {  	[sflag:s25] =	ssyncadd.s32 $0xFFFFD800  }
0x11f: {  	_ =	swait.ge [sflag:s25], $0x50  }
0x120: {  	[sflag:s25] =	ssyncset.done $0x0  }
0x121: {  	[sflag:s25] =	ssyncadd.s32 $0xFFFFFFB0  }
0x122: {  	_ =	swait.ge [sflag:s25], $0x50  }
0x123: {  	p2 =	seq.s32 s13, $0x4C4;
	[sflag:s25] =	ssyncset.done $0x0  }
0x124: {  	s8 =	simm.s32 @p2 $0x3;
	[sflag:s25] =	ssyncadd.s32 $0xFFFFFFB0  }
0x125: {  	_ =	swait.ge @p2 [sflag:s8], $0x2800  }
0x126: {  	s14 =	simm.s32 @p2 $0x180;
	[sflag:s8] =	ssyncset.done @p2 $0x0  }
0x127: {  	s17 =	simm.s32 @p2 $0x2F00;
	[sflag:s8] =	ssyncadd.s32 @p2 $0xFFFFD800;
	s8 =	simm.s32 @p2 $0x50  }
0x128: {  	[spmem:s3] =	stream.indirect.scatter.add.f32 @p2 [tilespmem:s17], [sflag:$0x5], $0x80, s14, s8, $0xb8;
	[tilespmem:$0x1EE28] =	vst v63  }
0x129: {  	s14 =	simm.s32 @p2 $0x380;
	s17 =	simm.s32 @p2 $0x6700  }
0x12a: {  	[spmem:s4] =	stream.indirect.scatter.add.f32 @p2 [tilespmem:s17], [sflag:$0x5], $0x1, s14, s8, $0xb8;
	[tilespmem:$0x1EE28] =	vst v63  }
0x12b: {  	s14 =	simm.s32 @p2 $0x680  }
0x12c: {  	[spmem:s4] =	stream.indirect.scatter.add.f32 @p2 [tilespmem:s17], [sflag:$0x5], $0x1, s14, s8, $0xb8;
	[tilespmem:$0x1EE28] =	vst v63  }
0x12d: {  	s8 =	sshrl.u32 @!p2 s10, $0x3  }
0x12e: {  	s23 =	simm.s32 @!p2 $0x0;
	s14 =	rddreg [dreg:$0x6];
	s17 =	sadd.s32 @!p2 s7, s8  }
0x12f: {  	[tilespmem:s23], [sflag:$0x1] =	stream.linear.gather @!p2 [hbm4b:s17+s23], $0x50, $0x38;
	[tilespmem:$0x1EE28] =	vst v63  }
0x130: {  	s14 =	sadd.s32 @!p2 s13, s14;
	s17 =	simm.s32 @!p2 $0x100  }
0x131: {  	[tilespmem:s17], [sflag:$0x1] =	stream.linear.gather @!p2 [hbm4b:s14+s23], $0x50, $0x38;
	[tilespmem:$0x1EE28] =	vst v63  }
0x132: {  	s8 =	sadd.s32 @!p2 s2, s8;
	s14 =	simm.s32 @!p2 $0x200;
	s17 =	rddreg [dreg:$0x8]  }
0x133: {  	[tilespmem:s14], [sflag:$0x1] =	stream.linear.gather @!p2 [hbm4b:s8+s23], $0x50, $0x38;
	[tilespmem:$0x1EE28] =	vst v63  }
0x134: {  	s8 =	rddreg [dreg:$0x7];
	s14 =	sadd.s32 @!p2 s13, s17;
	s17 =	simm.s32 @!p2 $0x400  }
0x135: {  	[tilespmem:s17], [sflag:$0x1] =	stream.linear.gather @!p2 [hbm4b:s14+s23], $0x50, $0x38;
	[tilespmem:$0x1EE28] =	vst v63  }
0x136: {  	s8 =	sadd.s32 @!p2 s13, s8;
	s14 =	simm.s32 @!p2 $0x500  }
0x137: {  	[tilespmem:s14], [sflag:$0x1] =	stream.linear.gather @!p2 [hbm4b:s8+s23], $0x50, $0x38;
	[tilespmem:$0x1EE28] =	vst v63  }
0x138: {  	s8 =	simm.s32 @!p2 $0x1  }
0x139: {  	_ =	swait.ge @!p2 [sflag:s8], $0x50  }
0x13a: {  	[sflag:s8] =	ssyncset.done @!p2 $0x0  }
0x13b: {  	[sflag:s8] =	ssyncadd.s32 @!p2 $0xFFFFFFB0  }
0x13c: {  	_ =	swait.ge @!p2 [sflag:s8], $0x50  }
0x13d: {  	[sflag:s8] =	ssyncset.done @!p2 $0x0  }
0x13e: {  	[sflag:s8] =	ssyncadd.s32 @!p2 $0xFFFFFFB0  }
0x13f: {  	_ =	swait.ge @!p2 [sflag:s8], $0x50  }
0x140: {  	[sflag:s8] =	ssyncset.done @!p2 $0x0  }
0x141: {  	[sflag:s8] =	ssyncadd.s32 @!p2 $0xFFFFFFB0  }
0x142: {  	_ =	swait.ge @!p2 [sflag:s8], $0x50  }
0x143: {  	[sflag:s8] =	ssyncset.done @!p2 $0x0  }
0x144: {  	[sflag:s8] =	ssyncadd.s32 @!p2 $0xFFFFFFB0  }
0x145: {  	_ =	swait.ge @!p2 [sflag:s8], $0x50  }
0x146: {  	[sflag:s8] =	ssyncset.done @!p2 $0x0  }
0x147: {  	[sflag:s8] =	ssyncadd.s32 @!p2 $0xFFFFFFB0;
	s8 =	simm.s32 @!p2 $0x3  }
0x148: {  	_ =	swait.ge @!p2 [sflag:s8], $0x2800  }
0x149: {  	s17 =	simm.s32 @!p2 $0x2F00;
	[sflag:s8] =	ssyncset.done @!p2 $0x0  }
0x14a: {  	s14 =	simm.s32 @!p2 $0x180;
	[sflag:s8] =	ssyncadd.s32 @!p2 $0xFFFFD800;
	s8 =	simm.s32 @!p2 $0x50  }
0x14b: {  	[spmem:s3] =	stream.indirect.scatter.add.f32 @!p2 [tilespmem:s17], [sflag:$0x5], $0x80, s14, s8, $0xb8;
	[tilespmem:$0x1EE28] =	vst v63  }
0x14c: {  	s14 =	simm.s32 @!p2 $0x380;
	s17 =	simm.s32 @!p2 $0x6700  }
0x14d: {  	[spmem:s4] =	stream.indirect.scatter.add.f32 @!p2 [tilespmem:s17], [sflag:$0x5], $0x1, s14, s8, $0xb8;
	[tilespmem:$0x1EE28] =	vst v63  }
0x14e: {  	s14 =	simm.s32 @!p2 $0x680  }
0x14f: {  	[spmem:s4] =	stream.indirect.scatter.add.f32 @!p2 [tilespmem:s17], [sflag:$0x5], $0x1, s14, s8, $0xb8;
	[tilespmem:$0x1EE28] =	vst v63  }
0x150: {  	s14 =	simm.s32 @!p2 $0x700  }
0x151: {  	[tilespmem:s14], [sflag:$0x2] =	stream.indirect.gather @!p2 [hbm4b:s1+s8], $0x80, s23, s8, $0xb8;
	[tilespmem:$0x1EE28] =	vst v63  }
0x152: {  	_ =	swait.ge [sflag:s26], $0x2800  }
0x153: {  	[sflag:s26] =	ssyncset.done $0x0  }
0x154: {  	s13 =	sadd.s32 $0x14, s13;
	[sflag:s26] =	ssyncadd.s32 $0xFFFFD800  }
0x155: {  	p2 =	sne.s32 s13, $0x4D8;
	_ =	swait.ge [sflag:s26], $0x50  }
.Ltmp0:
0x156: {  	[sflag:s26] =	ssyncset.done $0x0;
	(pc) =	sbr.rel @p2 .LBB2_2-.Ltmp0, $4  }
0x157: {  	[sflag:s26] =	ssyncadd.s32 $0xFFFFFFB0  }
0x158: {  	_ =	swait.ge [sflag:s26], $0x50  }
0x159: {  	[sflag:s26] =	ssyncset.done $0x0  }
0x15a: {  	s10 =	sadd.s32 $0xA0, s10;
	[sflag:s26] =	ssyncadd.s32 $0xFFFFFFB0  }
0x15b: {  	s8 =	rddreg [dreg:$0x1d]  }
0x15c: {  	s13 =	sld [smem:$0x7F3]  }
0x15d: {  	[tilespmem:s6], [sflag:$0x1] =	stream.linear.gather [hbm4b:s8+s6], $0x50, $0x38;
	[tilespmem:$0x1EE28] =	vst v63  }
0x15e: {  	s14 =	rddreg [dreg:$0x1e]  }
0x15f: {  	[tilespmem:s15], [sflag:$0x1] =	stream.linear.gather [hbm4b:s13+s6], $0x50, $0x38;
	[tilespmem:$0x1EE28] =	vst v63  }
0x160: {  	s17 =	rddreg [dreg:$0x1f];
	s13 =	simm.s32 $0x200  }
0x161: {  	[tilespmem:s13], [sflag:$0x1] =	stream.linear.gather [hbm4b:s14+s6], $0x50, $0x38;
	[tilespmem:$0x1EE28] =	vst v63  }
0x162: {  	s23 =	sld [smem:$0x7D8];
	s14 =	simm.s32 $0x400  }
0x163: {  	[tilespmem:s14], [sflag:$0x1] =	stream.linear.gather [hbm4b:s17+s6], $0x50, $0x38;
	[tilespmem:$0x1EE28] =	vst v63  }
0x164: {  	s17 =	simm.s32 $0x500  }
0x165: {  	[tilespmem:s17], [sflag:$0x1] =	stream.linear.gather [hbm4b:s23+s6], $0x50, $0x38;
	[tilespmem:$0x1EE28] =	vst v63  }
0x166: {  	_ =	swait.ge [sflag:s21], $0x50  }
0x167: {  	[sflag:s21] =	ssyncset.done $0x0  }
0x168: {  	[sflag:s21] =	ssyncadd.s32 $0xFFFFFFB0  }
0x169: {  	_ =	swait.ge [sflag:s21], $0x50  }
0x16a: {  	[sflag:s21] =	ssyncset.done $0x0  }
0x16b: {  	[sflag:s21] =	ssyncadd.s32 $0xFFFFFFB0  }
0x16c: {  	_ =	swait.ge [sflag:s21], $0x50  }
0x16d: {  	[sflag:s21] =	ssyncset.done $0x0  }
0x16e: {  	[sflag:s21] =	ssyncadd.s32 $0xFFFFFFB0  }
0x16f: {  	_ =	swait.ge [sflag:s21], $0x50  }
0x170: {  	[sflag:s21] =	ssyncset.done $0x0  }
0x171: {  	[sflag:s21] =	ssyncadd.s32 $0xFFFFFFB0  }
0x172: {  	_ =	swait.ge [sflag:s21], $0x50  }
0x173: {  	[sflag:s21] =	ssyncset.done $0x0  }
0x174: {  	[sflag:s21] =	ssyncadd.s32 $0xFFFFFFB0  }
0x175: {  	v2 =	vld [tilespmem:$0x100]  }
0x176: {  	v6 =	vld [tilespmem:$0x120]  }
0x177: {  	v8 =	vld [tilespmem:$0x130]  }
0x178: {  	v11 =	vld [tilespmem:$0x140]  }
0x179: {  	v12 =	vld [tilespmem:$0x400]  }
0x17a: {  	v13 =	vld [tilespmem:$0x410]  }
0x17b: {  	v50 =	vld [tilespmem:$0x420]  }
0x17c: {  	v52 =	vld [tilespmem:$0x430]  }
0x17d: {  	v55 =	vld [tilespmem:$0x440];
	_ =	sdelay $0x1  }
0x17e: {  	v3 =	vld [tilespmem:$0x200];
	v2 =	vsub.s32 v2, v0  }
0x17f: {  	v4 =	vld [tilespmem:$0x110];
	v43 =	vsub.s32 v6, v0;
	v8 =	vsub.s32 v8, v0;
	v49 =	vsub.s32 v11, v0  }
0x180: {  	v7 =	vld [tilespmem:$0x220];
	v51 =	vsub.s32 v12, v0;
	v54 =	vsub.s32 v13, v0;
	v58 =	vsub.s32 v50, v0  }
0x181: {  	v9 =	vld [tilespmem:$0x230];
	v61 =	vsub.s32 v52, v0;
	v62 =	vsub.s32 v55, v0;
	v10 =	vshll.u32 v2, $0x6  }
0x182: {  	vm0 =	vlt.u32 v2, $0x1388;
	v45 =	vshll.u32 v43, $0x6;
	vm9 =	vlt.u32 v43, $0x1388  }
0x183: {  	v5 =	vld [tilespmem:$0x210];
	v47 =	vshll.u32 v8, $0x6;
	vm1 =	vlt.u32 v8, $0x1388;
	v11 =	vshll.u32 v49, $0x6  }
0x184: {  	v41 =	vld [tilespmem:$0x240];
	vm10 =	vlt.u32 v49, $0x1388;
	v53 =	vshll.u32 v51, $0x6;
	vm11 =	vlt.u32 v51, $0x1388  }
0x185: {  	v44 =	vld [tilespmem:$0x500];
	v56 =	vshll.u32 v54, $0x6;
	v2 =	vadd.s32 v3, v10;
	v3 =	vsub.s32 v4, v0  }
0x186: {  	v48 =	vld [tilespmem:$0x510];
	v46 =	vadd.s32 v7, v45;
	v7 =	vadd.s32 v9, v47;
	v2 =	vsel vm0, v2, v1  }
0x187: {  	v14 =	vld [tilespmem:$0x520];
	vm12 =	vlt.u32 v54, $0x1388;
	v42 =	vshll.u32 v3, $0x6;
	v7 =	vsel vm1, v7, v1;
	[tilespmem:$0x300] =	vst v2  }
0x188: {  	v57 =	vld [tilespmem:$0x530];
	vm8 =	vlt.u32 v3, $0x1388;
	v3 =	vadd.s32 v5, v42;
	v5 =	vsel vm9, v46, v1;
	[tilespmem:$0x330] =	vst v7  }
0x189: {  	v59 =	vld [tilespmem:$0x540];
	v60 =	vshll.u32 v58, $0x6;
	v4 =	vadd.s32 v41, v11;
	v3 =	vsel vm8, v3, v1;
	[tilespmem:$0x320] =	vst v5  }
0x18a: {  	vm13 =	vlt.u32 v58, $0x1388;
	v2 =	vsel vm10, v4, v1;
	[tilespmem:$0x310] =	vst v3;
	v3 =	vadd.s32 v44, v53  }
0x18b: {  	vm14 =	vlt.u32 v61, $0x1388;
	v4 =	vadd.s32 v48, v56;
	[tilespmem:$0x340] =	vst v2;
	v3 =	vsel vm11, v3, v1  }
0x18c: {  	v4 =	vsel vm12, v4, v1;
	v2 =	vadd.s32 v14, v60;
	[tilespmem:$0x600] =	vst v3;
	v3 =	vshll.u32 v61, $0x6  }
0x18d: {  	v63 =	vshll.u32 v62, $0x6;
	v2 =	vsel vm13, v2, v1;
	[tilespmem:$0x610] =	vst v4;
	v3 =	vadd.s32 v57, v3  }
0x18e: {  	vm15 =	vlt.u32 v62, $0x1388;
	[tilespmem:$0x620] =	vst v2;
	v2 =	vsel vm14, v3, v1;
	v3 =	vadd.s32 v59, v63  }
0x18f: {  	[tilespmem:$0x630] =	vst v2;
	v2 =	vsel vm15, v3, v1  }
0x190: {  	[tilespmem:$0x640] =	vst v2  }
0x191: {  	[tilespmem:s24], [sflag:$0x2] =	stream.indirect.gather [hbm4b:s1+s22], $0x80, s6, s22, $0xb8;
	[tilespmem:$0x1EE28] =	vst v63  }
0x192: {  	_ =	swait.ge [sflag:s29], $0x2800  }
0x193: {  	[sflag:s29] =	ssyncset.done $0x0  }
0x194: {  	[sflag:s29] =	ssyncadd.s32 $0xFFFFD800  }
0x195: {  	[spmem:s3] =	stream.indirect.scatter.add.f32 [tilespmem:s24], [sflag:$0x4], $0x80, s15, s22, $0xb8;
	[tilespmem:$0x1EE28] =	vst v63  }
0x196: {  	_ = 	snop  }
0x197: {  	[spmem:s4] =	stream.indirect.scatter.add.f32 [tilespmem:s20], [sflag:$0x4], $0x1, s11, s22, $0xb8;
	[tilespmem:$0x1EE28] =	vst v63  }
0x198: {  	_ = 	snop  }
0x199: {  	[spmem:s4] =	stream.indirect.scatter.add.f32 [tilespmem:s20], [sflag:$0x4], $0x1, s30, s22, $0xb8;
	[tilespmem:$0x1EE28] =	vst v63  }
0x19a: {  	_ =	swait.ge [sflag:s25], $0x2800  }
0x19b: {  	[sflag:s25] =	ssyncset.done $0x0  }
0x19c: {  	[sflag:s25] =	ssyncadd.s32 $0xFFFFD800  }
0x19d: {  	_ =	swait.ge [sflag:s25], $0x50  }
0x19e: {  	[sflag:s25] =	ssyncset.done $0x0  }
0x19f: {  	[sflag:s25] =	ssyncadd.s32 $0xFFFFFFB0  }
0x1a0: {  	_ =	swait.ge [sflag:s25], $0x50  }
0x1a1: {  	[sflag:s25] =	ssyncset.done $0x0  }
0x1a2: {  	[sflag:s25] =	ssyncadd.s32 $0xFFFFFFB0  }
0x1a3: {  	[bflag:$0x0] =	sbarrier.arrive $0xFFFF  }
0x1a4: {  	s10 =	sld [smem:$0x7D9];
	_ =	sdelay $0x1  }
0x1a5: {  	s8 =	simm.s32 @p0 $0x1FC2  }
0x1a6: {  	[hbm:s10], [sflag:s8] =	dma.local @p0 [spmem:s0], $0x2800  }
0x1a7: {  	s0 =	sor.u32 @!p0 $0x1C02, s5;
	s5 =	rddreg [dreg:$0x17]  }
0x1a8: {  	[hbm:s5], [sflag:s0] =	dma.local @!p0 [spmem:s9], $0x2700  }
0x1a9: {  	s0 =	sld [smem:$0x7FC];
	_ =	sdelay $0x2  }
0x1aa: {  	[tilespmem:s18], [sflag:$0x6] =	stream.linear.gather [spmem:s0], $0x7D0, $0x38;
	[tilespmem:$0x1EE28] =	vst v63  }
0x1ab: {  	_ =	swait.ge [sflag:s19], $0x7D0  }
0x1ac: {  	s5 =	sld [smem:$0x7DA]  }
0x1ad: {  	[sflag:s19] =	ssyncset.done $0x0  }
0x1ae: {  	s8 =	sld [smem:$0x7F4];
	[sflag:s19] =	ssyncadd.s32 $0xFFFFF830  }
0x1af: {  	[hbm4b:s5+s6] =	stream.linear.scatter [tilespmem:s18], [sflag:$0x3], $0x7D0, $0x38;
	[tilespmem:$0x1EE28] =	vst v63  }
0x1b0: {  	_ = 	snop  }
0x1b1: {  	[tilespmem:s12], [sflag:$0x6] =	stream.linear.gather [spmem:s8], $0x7D0, $0x38;
	[tilespmem:$0x1EE28] =	vst v63  }
0x1b2: {  	_ =	swait.ge [sflag:s19], $0x7D0  }
0x1b3: {  	s9 =	sld [smem:$0x7DB]  }
0x1b4: {  	[sflag:s19] =	ssyncset.done $0x0  }
0x1b5: {  	[sflag:s19] =	ssyncadd.s32 $0xFFFFF830  }
0x1b6: {  	[hbm4b:s9+s6] =	stream.linear.scatter [tilespmem:s12], [sflag:$0x3], $0x7D0, $0x38;
	[tilespmem:$0x1EE28] =	vst v63  }
0x1b7: {  	_ =	swait.ge [sflag:s31], $0x7D0  }
0x1b8: {  	s10 =	sld [smem:$0x7F5]  }
0x1b9: {  	[sflag:s31] =	ssyncset.done $0x0  }
0x1ba: {  	[sflag:s31] =	ssyncadd.s32 $0xFFFFF830  }
0x1bb: {  	[tilespmem:s18], [sflag:$0x6] =	stream.linear.gather [spmem:s10], $0x7D0, $0x38;
	[tilespmem:$0x1EE28] =	vst v63  }
0x1bc: {  	_ =	swait.ge [sflag:s19], $0x7D0  }
0x1bd: {  	s23 =	sld [smem:$0x7DC]  }
0x1be: {  	[sflag:s19] =	ssyncset.done $0x0  }
0x1bf: {  	[sflag:s19] =	ssyncadd.s32 $0xFFFFF830  }
0x1c0: {  	[hbm4b:s23+s6] =	stream.linear.scatter [tilespmem:s18], [sflag:$0x3], $0x7D0, $0x38;
	[tilespmem:$0x1EE28] =	vst v63  }
0x1c1: {  	_ =	swait.ge [sflag:s31], $0x7D0  }
0x1c2: {  	s5 =	sld [smem:$0x7F6]  }
0x1c3: {  	[sflag:s31] =	ssyncset.done $0x0  }
0x1c4: {  	[sflag:s31] =	ssyncadd.s32 $0xFFFFF830  }
0x1c5: {  	[tilespmem:s12], [sflag:$0x6] =	stream.linear.gather [spmem:s5], $0x7D0, $0x38;
	[tilespmem:$0x1EE28] =	vst v63  }
0x1c6: {  	_ =	swait.ge [sflag:s19], $0x7D0  }
0x1c7: {  	s8 =	sld [smem:$0x7DD]  }
0x1c8: {  	[sflag:s19] =	ssyncset.done $0x0  }
0x1c9: {  	[sflag:s19] =	ssyncadd.s32 $0xFFFFF830  }
0x1ca: {  	[hbm4b:s8+s6] =	stream.linear.scatter [tilespmem:s12], [sflag:$0x3], $0x7D0, $0x38;
	[tilespmem:$0x1EE28] =	vst v63  }
0x1cb: {  	_ =	swait.ge [sflag:s31], $0x7D0  }
0x1cc: {  	s9 =	sld [smem:$0x7F7]  }
0x1cd: {  	[sflag:s31] =	ssyncset.done $0x0  }
0x1ce: {  	[sflag:s31] =	ssyncadd.s32 $0xFFFFF830  }
0x1cf: {  	[tilespmem:s18], [sflag:$0x6] =	stream.linear.gather [spmem:s9], $0x7D0, $0x38;
	[tilespmem:$0x1EE28] =	vst v63  }
0x1d0: {  	_ =	swait.ge [sflag:s19], $0x7D0  }
0x1d1: {  	s10 =	sld [smem:$0x7DE]  }
0x1d2: {  	[sflag:s19] =	ssyncset.done $0x0  }
0x1d3: {  	[sflag:s19] =	ssyncadd.s32 $0xFFFFF830  }
0x1d4: {  	[hbm4b:s10+s6] =	stream.linear.scatter [tilespmem:s18], [sflag:$0x3], $0x7D0, $0x38;
	[tilespmem:$0x1EE28] =	vst v63  }
0x1d5: {  	_ =	swait.ge [sflag:s31], $0x7D0  }
0x1d6: {  	s23 =	sld [smem:$0x7F8]  }
0x1d7: {  	[sflag:s31] =	ssyncset.done $0x0  }
0x1d8: {  	[sflag:s31] =	ssyncadd.s32 $0xFFFFF830  }
0x1d9: {  	[tilespmem:s12], [sflag:$0x6] =	stream.linear.gather [spmem:s23], $0x7D0, $0x38;
	[tilespmem:$0x1EE28] =	vst v63  }
0x1da: {  	_ =	swait.ge [sflag:s19], $0x7D0  }
0x1db: {  	s5 =	sld [smem:$0x7DF]  }
0x1dc: {  	[sflag:s19] =	ssyncset.done $0x0  }
0x1dd: {  	[sflag:s19] =	ssyncadd.s32 $0xFFFFF830  }
0x1de: {  	[hbm4b:s5+s6] =	stream.linear.scatter [tilespmem:s12], [sflag:$0x3], $0x7D0, $0x38;
	[tilespmem:$0x1EE28] =	vst v63  }
0x1df: {  	_ =	swait.ge [sflag:s31], $0x7D0  }
0x1e0: {  	s8 =	sld [smem:$0x7F9]  }
0x1e1: {  	[sflag:s31] =	ssyncset.done $0x0  }
0x1e2: {  	[sflag:s31] =	ssyncadd.s32 $0xFFFFF830  }
0x1e3: {  	[tilespmem:s18], [sflag:$0x6] =	stream.linear.gather [spmem:s8], $0x7D0, $0x38;
	[tilespmem:$0x1EE28] =	vst v63  }
0x1e4: {  	_ =	swait.ge [sflag:s19], $0x7D0  }
0x1e5: {  	s9 =	sld [smem:$0x7E0]  }
0x1e6: {  	[sflag:s19] =	ssyncset.done $0x0  }
0x1e7: {  	[sflag:s19] =	ssyncadd.s32 $0xFFFFF830  }
0x1e8: {  	[hbm4b:s9+s6] =	stream.linear.scatter [tilespmem:s18], [sflag:$0x3], $0x7D0, $0x38;
	[tilespmem:$0x1EE28] =	vst v63  }
0x1e9: {  	_ =	swait.ge [sflag:s31], $0x7D0  }
0x1ea: {  	s10 =	sld [smem:$0x7FA]  }
0x1eb: {  	[sflag:s31] =	ssyncset.done $0x0  }
0x1ec: {  	[sflag:s31] =	ssyncadd.s32 $0xFFFFF830  }
0x1ed: {  	[tilespmem:s12], [sflag:$0x6] =	stream.linear.gather [spmem:s10], $0x7D0, $0x38;
	[tilespmem:$0x1EE28] =	vst v63  }
0x1ee: {  	_ =	swait.ge [sflag:s19], $0x7D0  }
0x1ef: {  	s23 =	sld [smem:$0x7E1]  }
0x1f0: {  	[sflag:s19] =	ssyncset.done $0x0  }
0x1f1: {  	[sflag:s19] =	ssyncadd.s32 $0xFFFFF830  }
0x1f2: {  	[hbm4b:s23+s6] =	stream.linear.scatter [tilespmem:s12], [sflag:$0x3], $0x7D0, $0x38;
	[tilespmem:$0x1EE28] =	vst v63  }
0x1f3: {  	_ =	swait.ge [sflag:s31], $0x7D0  }
0x1f4: {  	s5 =	sld [smem:$0x7FB]  }
0x1f5: {  	[sflag:s31] =	ssyncset.done $0x0  }
0x1f6: {  	[sflag:s31] =	ssyncadd.s32 $0xFFFFF830  }
0x1f7: {  	[tilespmem:s18], [sflag:$0x6] =	stream.linear.gather [spmem:s5], $0x7D0, $0x38;
	[tilespmem:$0x1EE28] =	vst v63  }
0x1f8: {  	_ =	swait.ge [sflag:s19], $0x7D0  }
0x1f9: {  	s8 =	sld [smem:$0x7E2]  }
0x1fa: {  	[sflag:s19] =	ssyncset.done $0x0  }
0x1fb: {  	[sflag:s19] =	ssyncadd.s32 $0xFFFFF830  }
0x1fc: {  	[hbm4b:s8+s6] =	stream.linear.scatter [tilespmem:s18], [sflag:$0x3], $0x7D0, $0x38;
	[tilespmem:$0x1EE28] =	vst v63  }
0x1fd: {  	_ =	swait.ge [sflag:s31], $0x7D0  }
0x1fe: {  	s9 =	sld [smem:$0x7FD]  }
0x1ff: {  	[sflag:s31] =	ssyncset.done $0x0  }
0x200: {  	[sflag:s31] =	ssyncadd.s32 $0xFFFFF830  }
0x201: {  	[tilespmem:s12], [sflag:$0x6] =	stream.linear.gather [spmem:s9], $0x7D0, $0x38;
	[tilespmem:$0x1EE28] =	vst v63  }
0x202: {  	_ =	swait.ge [sflag:s19], $0x7D0  }
0x203: {  	s10 =	sld [smem:$0x7E3]  }
0x204: {  	[sflag:s19] =	ssyncset.done $0x0  }
0x205: {  	[sflag:s19] =	ssyncadd.s32 $0xFFFFF830  }
0x206: {  	[hbm4b:s10+s6] =	stream.linear.scatter [tilespmem:s12], [sflag:$0x3], $0x7D0, $0x38;
	[tilespmem:$0x1EE28] =	vst v63  }
0x207: {  	_ =	swait.ge [sflag:s31], $0x7D0  }
0x208: {  	[sflag:s31] =	ssyncset.done $0x0  }
0x209: {  	[sflag:s31] =	ssyncadd.s32 $0xFFFFF830  }
0x20a: {  	_ =	swait.ge [sflag:s31], $0x7D0  }
0x20b: {  	[sflag:s31] =	ssyncset.done $0x0  }
0x20c: {  	s0 =	simm.s32 @p0 $0x2;
	[sflag:s31] =	ssyncadd.s32 $0xFFFFF830  }
0x20d: {  	_ =	swait.ge @p0 [sflag:s0], $0x2800  }
0x20e: {  	[sflag:s0] =	ssyncset.done @p0 $0x0  }
0x20f: {  	[sflag:s0] =	ssyncadd.s32 @p0 $0xFFFFD800;
	s0 =	simm.s32 @!p0 $0x2  }
0x210: {  	_ =	swait.ge @!p0 [sflag:s0], $0x2700  }
0x211: {  	s23 =	sld [smem:$0x7E4];
	_ =	sdelay $0x1  }
0x212: {  	s16 =	sadd.s32 $0x1, s16  }
0x213: {  	p2 =	sne.s32 s16, s23  }
.Ltmp1:
0x214: {  	_ = 	snop;
	(pc) =	sbr.rel @p2 .LBB2_1-.Ltmp1, $3  }
0x215: {  	_ =	sdelay $0x1  }
0x216: {  	[sflag:s0] =	ssyncset.done @!p0 $0x0  }
0x217: {  	[sflag:s0] =	ssyncadd.s32 @!p0 $0xFFFFD900  }
0x218: {  	_ =	sfence.sel $0x180000  }
0x219: {  	[bflag:$0x0] =	sbarrier.arrive $0xFFFF  }
0x21a: {  	_ =	strace $0x90000047  }
0x21b: {  	s0 =	stileid.u32;
	[bflag:$0x2] =	sbarrier.arrive $0xFFFF  }
0x21c: {  	p0 =	sne.s32 s0, $0x0;
	s0 =	rddreg [dreg:$0x5]  }
0x21d: {  	s0 =	sadd.s32 @!p0 $0x100000, s0  }
0x21e: {  	[sflag:s0] =	ssyncadd.tile.s32 @!p0 $0x1;
	_ =	shalt  }
.Lfunc_end2:
_tile_overlayer_lowered:
.L_overlay_start_2:
0x21f: {  	(tag) =	ssettag $0x2  }
0x220: {  	s0 =	rddreg [dreg:$0x0];
	s2 =	stileid.u32  }
0x221: {  	s1 =	rddreg [dreg:$0x1];
	p0 =	sne.s32 s2, $0x0  }
0x222: {  	s3 =	rddreg [dreg:$0x2];
	[bflag:$0x3] =	sbarrier.arrive $0xFFFF;
	s2 =	simm.s32 @!p0 $0x1C06  }
0x223: {  	[timem:s3], [sflag:s2] =	dma.local @!p0 [hbm:s0], s1  }
0x224: {  	s0 =	simm.s32 @!p0 $0x6  }
0x225: {  	_ =	swait.ge @!p0 [sflag:s0], s1  }
0x226: {  	s1 =	ssub.s32 @!p0 $0x0, s1;
	[sflag:s0] =	ssyncset.done @!p0 $0x0  }
0x227: {  	[sflag:s0] =	ssyncadd.s32 @!p0 s1  }
0x228: {  	[bflag:$0x3] =	sbarrier.arrive $0xFFFF  }
0x229: {  	_ =	shalt  }

</sc_bundles>
